<compile_context>
chip_gen: v7x
topology: tpu7x:2x2x1
jax: 0.10.2.dev20260603
libtpu: 0.0.44.dev20260713+nightly
codegen_flags: <defaults>
</compile_context>

<pallas_src>
import functools

import jax
import jax.numpy as jnp
from jax import lax
from jax.experimental import pallas as pl
from jax.experimental.pallas import tpu as pltpu
from jax.experimental.pallas import tpu_sc as plsc

N_ROWS = 100000
N_COLS = 128
N_SEG = 1024
NC = 2
NS = 16
CPB = N_COLS // NC
CHUNK = 128
GROUP = 256
KPG = GROUP // CHUNK
GPT = 16
SC_ROWS = NS * GPT * GROUP
NBUF = 6
R_TC = 2048
TC_CHUNKS = 16
TC_END = SC_ROWS + TC_CHUNKS * R_TC
EXTRA_OFF = TC_END
N_EXTRA = 12
TAIL_OFF = 99840
REM = 32
REM_OFF = N_ROWS - REM
SEG_PER_TILE = N_SEG // NS

_mesh = plsc.VectorSubcoreMesh(
    core_axis_name="c", subcore_axis_name="s", num_cores=NC, num_subcores=NS
)


@functools.partial(
    pl.kernel,
    out_type=jax.ShapeDtypeStruct((N_SEG, N_COLS), jnp.float32),
    mesh=_mesh,
    scratch_types=[
        pltpu.VMEM((GROUP, CPB), jnp.float32),
        pltpu.VMEM((GROUP, CPB), jnp.float32),
        pltpu.VMEM((GROUP, CPB), jnp.float32),
        pltpu.VMEM((GROUP, CPB), jnp.float32),
        pltpu.VMEM((GROUP, CPB), jnp.float32),
        pltpu.VMEM((GROUP, CPB), jnp.float32),
        pltpu.VMEM((KPG, CHUNK), jnp.int32),
        pltpu.VMEM((KPG, CHUNK), jnp.int32),
        pltpu.VMEM((KPG, CHUNK), jnp.int32),
        pltpu.VMEM((KPG, CHUNK), jnp.int32),
        pltpu.VMEM((KPG, CHUNK), jnp.int32),
        pltpu.VMEM((KPG, CHUNK), jnp.int32),
        pltpu.VMEM((CHUNK, CPB), jnp.float32),
        pltpu.VMEM((CHUNK,), jnp.int32),
        pltpu.VMEM((REM, CPB), jnp.float32),
        pltpu.VMEM((REM,), jnp.int32),
        pltpu.VMEM_SHARED((N_SEG, CPB), jnp.float32),
        pltpu.SemaphoreType.DMA,
        pltpu.SemaphoreType.DMA,
        pltpu.SemaphoreType.DMA,
        pltpu.SemaphoreType.DMA,
        pltpu.SemaphoreType.DMA,
        pltpu.SemaphoreType.DMA,
        pltpu.SemaphoreType.DMA,
        pltpu.SemaphoreType.DMA,
        pltpu.SemaphoreType.DMA,
        pltpu.SemaphoreType.DMA,
        pltpu.SemaphoreType.DMA,
        pltpu.SemaphoreType.DMA,
        pltpu.SemaphoreType.DMA,
    ],
    compiler_params=pltpu.CompilerParams(use_tc_tiling_on_sc=False),
)
def _seg_sum_sc(feat_hbm, ids_hbm, out_hbm,
                rows0, rows1, rows2, rows3, rows4, rows5,
                idx0, idx1, idx2, idx3, idx4, idx5,
                rows_t, idx_t, rows_r, idx_r, acc,
                ld0, ld1, ld2, ld3, ld4, ld5,
                sc0, sc1, sc2, sc3, sc4, sc5, lde):
    c = lax.axis_index("c")
    s = lax.axis_index("s")
    col0 = c * CPB
    gstart = s * GPT

    rows = (rows0, rows1, rows2, rows3, rows4, rows5)
    idx = (idx0, idx1, idx2, idx3, idx4, idx5)
    ld = (ld0, ld1, ld2, ld3, ld4, ld5)
    sc = (sc0, sc1, sc2, sc3, sc4, sc5)

    def start_load(g, b):
        off = (gstart + g) * GROUP
        pltpu.async_copy(
            feat_hbm.at[pl.ds(off, GROUP), pl.ds(col0, CPB)], rows[b], ld[b])
        for k in range(KPG):
            pltpu.async_copy(ids_hbm.at[pl.ds(off + k * CHUNK, CHUNK)],
                             idx[b].at[k], ld[b])

    def wait_load(b):
        pltpu.make_async_copy(feat_hbm.at[pl.ds(0, GROUP), pl.ds(0, CPB)],
                              rows[b], ld[b]).wait()
        for k in range(KPG):
            pltpu.make_async_copy(ids_hbm.at[pl.ds(0, CHUNK)],
                                  idx[b].at[k], ld[b]).wait()

    def start_scatters(b):
        for k in range(KPG):
            pltpu.async_copy(rows[b].at[pl.ds(k * CHUNK, CHUNK)],
                             acc.at[idx[b].at[k]], sc[b], add=True)

    def wait_scatters(b):
        for k in range(KPG):
            pltpu.make_async_copy(rows[b].at[pl.ds(k * CHUNK, CHUNK)],
                                  acc.at[idx[b].at[k]], sc[b]).wait()

    zrow = jnp.zeros((16,), jnp.float32)

    def zero_body(r, carry):
        for j in range(CPB // 16):
            rows0[r, pl.ds(j * 16, 16)] = zrow
        return carry

    lax.fori_loop(0, SEG_PER_TILE, zero_body, 0)
    pltpu.sync_copy(rows0.at[pl.ds(0, SEG_PER_TILE)],
                    acc.at[pl.ds(s * SEG_PER_TILE, SEG_PER_TILE)])

    for b in range(NBUF):
        start_load(b, b)

    @pl.when(s < N_EXTRA)
    def _():
        off = EXTRA_OFF + s * CHUNK
        pltpu.async_copy(feat_hbm.at[pl.ds(off, CHUNK), pl.ds(col0, CPB)],
                         rows_t, lde)
        pltpu.async_copy(ids_hbm.at[pl.ds(off, CHUNK)], idx_t, lde)

    @pl.when(s == N_EXTRA)
    def _():
        pltpu.async_copy(feat_hbm.at[pl.ds(TAIL_OFF, CHUNK), pl.ds(col0, CPB)],
                         rows_t, lde)
        pltpu.async_copy(ids_hbm.at[pl.ds(TAIL_OFF, CHUNK)], idx_t, lde)

    @pl.when(s == NS - 1)
    def _():
        pltpu.async_copy(feat_hbm.at[pl.ds(REM_OFF, REM), pl.ds(col0, CPB)],
                         rows_r, lde)
        pltpu.async_copy(ids_hbm.at[pl.ds(REM_OFF, REM)], idx_r, lde)

    plsc.subcore_barrier()

    rounds = [list(range(r, min(r + NBUF, GPT))) for r in range(0, GPT, NBUF)]
    for rnd in rounds:
        for g in rnd:
            b = g % NBUF
            wait_load(b)
            start_scatters(b)
        for g in rnd:
            b = g % NBUF
            wait_scatters(b)
            if g + NBUF < GPT:
                start_load(g + NBUF, b)

    @pl.when(s <= N_EXTRA)
    def _():
        pltpu.make_async_copy(feat_hbm.at[pl.ds(0, CHUNK), pl.ds(0, CPB)],
                              rows_t, lde).wait()
        pltpu.make_async_copy(ids_hbm.at[pl.ds(0, CHUNK)], idx_t, lde).wait()
        pltpu.sync_copy(rows_t, acc.at[idx_t], add=True)

    @pl.when(s == NS - 1)
    def _():
        pltpu.make_async_copy(feat_hbm.at[pl.ds(0, REM), pl.ds(0, CPB)],
                              rows_r, lde).wait()
        pltpu.make_async_copy(ids_hbm.at[pl.ds(0, REM)], idx_r, lde).wait()
        pltpu.sync_copy(rows_r, acc.at[idx_r], add=True)

    plsc.subcore_barrier()
    pltpu.sync_copy(acc.at[pl.ds(s * SEG_PER_TILE, SEG_PER_TILE)],
                    out_hbm.at[pl.ds(s * SEG_PER_TILE, SEG_PER_TILE),
                               pl.ds(col0, CPB)])


def _tc_body(ids_ref, feat_ref, out_ref):
    i = pl.program_id(0)
    ids = ids_ref[...]
    seg = lax.broadcasted_iota(jnp.int32, (N_SEG, R_TC), 0)
    onehot = (seg == ids[None, :]).astype(jnp.bfloat16)
    fb = feat_ref[...].astype(jnp.bfloat16)
    part = jnp.dot(onehot, fb, preferred_element_type=jnp.float32)

    @pl.when(i == 0)
    def _():
        out_ref[...] = part

    @pl.when(i > 0)
    def _():
        out_ref[...] += part


_seg_sum_tc = pl.pallas_call(
    _tc_body,
    grid=(TC_CHUNKS,),
    in_specs=[
        pl.BlockSpec((R_TC,), lambda i: (SC_ROWS // R_TC + i,)),
        pl.BlockSpec((R_TC, N_COLS), lambda i: (SC_ROWS // R_TC + i, 0)),
    ],
    out_specs=pl.BlockSpec((N_SEG, N_COLS), lambda i: (0, 0)),
    out_shape=jax.ShapeDtypeStruct((N_SEG, N_COLS), jnp.float32),
)


def kernel(feat, segment_ids):
    ids = segment_ids.astype(jnp.int32)
    sc_part = _seg_sum_sc(feat, ids)
    tc_part = _seg_sum_tc(ids, feat)
    return sc_part + tc_part

# --- scband reference (transcript-rebuilt; emitter-appended) ---
"""Pipeline reference for scband-sum-pooling-5909874999438 (READ-ONLY COPY).

The authoritative reference and input builder live on the scoring server;
editing this copy changes nothing except your own understanding.
"""

import jax, jax.numpy as jnp
import numpy as np

NUM_SEGMENTS = 1024

def setup_inputs(seed: int = 0) -> dict:
    key = jax.random.key(seed)
    k1, k2 = jax.random.split(key)
    feat = jax.random.normal(k1, (100000, 128), dtype=jnp.float32)
    segment_ids = jnp.sort(jax.random.randint(k2, (100000,), 0, NUM_SEGMENTS, dtype=jnp.int64))
    return {"feat": feat, "segment_ids": segment_ids}

def reference(feat, segment_ids):
    # SumPooling: readout[b] = sum over nodes k with graph-id b of feat[k]
    # Equivalent to DGL sum_nodes on a BatchedDGLGraph.
    readout = jax.ops.segment_sum(feat, segment_ids, num_segments=NUM_SEGMENTS)
    return readout

if __name__ == "__main__":
    import jax
    _d = setup_inputs()
    print(jax.jit(kernel)(*tuple(_d.values())))

</pallas_src>

<mosaic_0001>
#map = affine_map<(d0, d1) -> (0, 0)>
#map1 = affine_map<(d0, d1) -> (0)>
module attributes {stable_mosaic.version = 14 : i64} {
  func.func @_seg_sum_sc(%arg0: i32, %arg1: i32, %arg2: memref<100000x128xf32, #tpu.memory_space<hbm>>, %arg3: memref<100000xi32, #tpu.memory_space<hbm>>, %arg4: memref<1024x128xf32, #tpu.memory_space<hbm>>, %arg5: memref<256x64xf32, #tpu.memory_space<vmem>>, %arg6: memref<256x64xf32, #tpu.memory_space<vmem>>, %arg7: memref<256x64xf32, #tpu.memory_space<vmem>>, %arg8: memref<256x64xf32, #tpu.memory_space<vmem>>, %arg9: memref<256x64xf32, #tpu.memory_space<vmem>>, %arg10: memref<256x64xf32, #tpu.memory_space<vmem>>, %arg11: memref<2x128xi32, #tpu.memory_space<vmem>>, %arg12: memref<2x128xi32, #tpu.memory_space<vmem>>, %arg13: memref<2x128xi32, #tpu.memory_space<vmem>>, %arg14: memref<2x128xi32, #tpu.memory_space<vmem>>, %arg15: memref<2x128xi32, #tpu.memory_space<vmem>>, %arg16: memref<2x128xi32, #tpu.memory_space<vmem>>, %arg17: memref<128x64xf32, #tpu.memory_space<vmem>>, %arg18: memref<128xi32, #tpu.memory_space<vmem>>, %arg19: memref<32x64xf32, #tpu.memory_space<vmem>>, %arg20: memref<32xi32, #tpu.memory_space<vmem>>, %arg21: memref<1024x64xf32, #tpu.memory_space<vmem_shared>>, %arg22: memref<!tpu.dma_semaphore, #tpu.memory_space<semaphore_mem>>, %arg23: memref<!tpu.dma_semaphore, #tpu.memory_space<semaphore_mem>>, %arg24: memref<!tpu.dma_semaphore, #tpu.memory_space<semaphore_mem>>, %arg25: memref<!tpu.dma_semaphore, #tpu.memory_space<semaphore_mem>>, %arg26: memref<!tpu.dma_semaphore, #tpu.memory_space<semaphore_mem>>, %arg27: memref<!tpu.dma_semaphore, #tpu.memory_space<semaphore_mem>>, %arg28: memref<!tpu.dma_semaphore, #tpu.memory_space<semaphore_mem>>, %arg29: memref<!tpu.dma_semaphore, #tpu.memory_space<semaphore_mem>>, %arg30: memref<!tpu.dma_semaphore, #tpu.memory_space<semaphore_mem>>, %arg31: memref<!tpu.dma_semaphore, #tpu.memory_space<semaphore_mem>>, %arg32: memref<!tpu.dma_semaphore, #tpu.memory_space<semaphore_mem>>, %arg33: memref<!tpu.dma_semaphore, #tpu.memory_space<semaphore_mem>>, %arg34: memref<!tpu.dma_semaphore, #tpu.memory_space<semaphore_mem>>) attributes {dimension_semantics = [#tpu.dimension_semantics<core_parallel>, #tpu.dimension_semantics<subcore_parallel>], iteration_bounds = array<i64: 2, 16>, scalar_prefetch = 0 : i64, scratch_operands = 30 : i64, tpu.core_type = #tpu.core_type<sc_vector_subcore>, window_params = [{transform_indices = #map}, {transform_indices = #map1}, {transform_indices = #map}]} {
    %mul3A = arith.constant 64 : i32
    %mul3A_0 = arith.muli %arg0, %mul3A : i32
    %mul3A_1 = arith.constant 16 : i32
    %mul3A_2 = arith.muli %arg1, %mul3A_1 : i32
    %broadcast_in_dim3A = arith.constant 0.000000e+00 : f32
    %broadcast_in_dim3A_3 = vector.broadcast %broadcast_in_dim3A : f32 to vector<16xf32>
    %scan3A = arith.constant 0 : i32
    %scan3A_4 = arith.constant 0 : i32
    %scan3A_5 = arith.constant 64 : i32
    %scan3A_6 = arith.addi %scan3A_4, %scan3A_5 : i32
    %scan3A_7 = arith.constant 1 : i32
    scf.for %scan3A_1569 = %scan3A_4 to %scan3A_6 step %scan3A_7  : i32 {
      %swap3A = arith.index_cast %scan3A_1569 : i32 to index
      %swap3A_1570 = arith.constant 0 : index
      %swap3A_1571 = tpu.vector_load %arg5[%swap3A, %swap3A_1570] {strides = array<i32>} : memref<256x64xf32, #tpu.memory_space<vmem>>, vector<1x16xf32>,
      %swap3A_1572 = vector.shape_cast %swap3A_1571 : vector<1x16xf32> to vector<16xf32>
      %swap3A_1573 = vector.shape_cast %broadcast_in_dim3A_3 : vector<16xf32> to vector<1x16xf32>
      tpu.vector_store %arg5[%swap3A, %swap3A_1570], %swap3A_1573 {strides = array<i32>} : memref<256x64xf32, #tpu.memory_space<vmem>>, vector<1x16xf32>,
      %swap3A_1574 = arith.index_cast %scan3A_1569 : i32 to index
      %swap3A_1575 = arith.constant 16 : index
      %swap3A_1576 = tpu.vector_load %arg5[%swap3A_1574, %swap3A_1575] {strides = array<i32>} : memref<256x64xf32, #tpu.memory_space<vmem>>, vector<1x16xf32>,
      %swap3A_1577 = vector.shape_cast %swap3A_1576 : vector<1x16xf32> to vector<16xf32>
      %swap3A_1578 = vector.shape_cast %broadcast_in_dim3A_3 : vector<16xf32> to vector<1x16xf32>
      tpu.vector_store %arg5[%swap3A_1574, %swap3A_1575], %swap3A_1578 {strides = array<i32>} : memref<256x64xf32, #tpu.memory_space<vmem>>, vector<1x16xf32>,
      %swap3A_1579 = arith.index_cast %scan3A_1569 : i32 to index
      %swap3A_1580 = arith.constant 32 : index
      %swap3A_1581 = tpu.vector_load %arg5[%swap3A_1579, %swap3A_1580] {strides = array<i32>} : memref<256x64xf32, #tpu.memory_space<vmem>>, vector<1x16xf32>,
      %swap3A_1582 = vector.shape_cast %swap3A_1581 : vector<1x16xf32> to vector<16xf32>
      %swap3A_1583 = vector.shape_cast %broadcast_in_dim3A_3 : vector<16xf32> to vector<1x16xf32>
      tpu.vector_store %arg5[%swap3A_1579, %swap3A_1580], %swap3A_1583 {strides = array<i32>} : memref<256x64xf32, #tpu.memory_space<vmem>>, vector<1x16xf32>,
      %swap3A_1584 = arith.index_cast %scan3A_1569 : i32 to index
      %swap3A_1585 = arith.constant 48 : index
      %swap3A_1586 = tpu.vector_load %arg5[%swap3A_1584, %swap3A_1585] {strides = array<i32>} : memref<256x64xf32, #tpu.memory_space<vmem>>, vector<1x16xf32>,
      %swap3A_1587 = vector.shape_cast %swap3A_1586 : vector<1x16xf32> to vector<16xf32>
      %swap3A_1588 = vector.shape_cast %broadcast_in_dim3A_3 : vector<16xf32> to vector<1x16xf32>
      tpu.vector_store %arg5[%swap3A_1584, %swap3A_1585], %swap3A_1588 {strides = array<i32>} : memref<256x64xf32, #tpu.memory_space<vmem>>, vector<1x16xf32>,
    }
    %scan3A_8 = arith.constant 64 : i32
    %mul3A_9 = arith.constant 64 : i32
    %mul3A_10 = arith.muli %arg1, %mul3A_9 : i32
    "tpu.region"() ({
      %run_scoped3A = tpu.sem_alloc : memref<!tpu.dma_semaphore, #tpu.memory_space<semaphore_mem>>
      %dma_start3A_1569 = arith.constant 0 : i32
      %dma_start3A_1570 = arith.constant 0 : i32
      %dma_start3A_1571 = tpu.memref_slice %arg5[%dma_start3A_1569, %dma_start3A_1570] : memref<256x64xf32, #tpu.memory_space<vmem>> -> memref<64x64xf32, #tpu.memory_space<vmem>>
      %dma_start3A_1572 = arith.constant 0 : i32
      %dma_start3A_1573 = tpu.memref_slice %arg21[%mul3A_10, %dma_start3A_1572] : memref<1024x64xf32, #tpu.memory_space<vmem_shared>> -> memref<64x64xf32, #tpu.memory_space<vmem_shared>>
      %dma_start3A_1574 = arith.constant 0 : i32
      %dma_start3A_1575 = tpu.memref_slice %arg21[%mul3A_10, %dma_start3A_1574] : memref<1024x64xf32, #tpu.memory_space<vmem_shared>> -> memref<64x64xf32, #tpu.memory_space<vmem_shared>>
      %dma_start3A_1576 = arith.constant 0 : i32
      %dma_start3A_1577 = arith.constant 0 : i32
      %dma_start3A_1578 = tpu.memref_slice %arg5[%dma_start3A_1576, %dma_start3A_1577] : memref<256x64xf32, #tpu.memory_space<vmem>> -> memref<64x64xf32, #tpu.memory_space<vmem>>
      tpu.enqueue_dma source(%dma_start3A_1578 : memref<64x64xf32, #tpu.memory_space<vmem>>) target(%dma_start3A_1575 : memref<64x64xf32, #tpu.memory_space<vmem_shared>>) target_semaphore(%run_scoped3A : memref<!tpu.dma_semaphore, #tpu.memory_space<semaphore_mem>>)
      %dma_wait3A_1579 = arith.constant 0 : i32
      %dma_wait3A_1580 = arith.constant 0 : i32
      %dma_wait3A_1581 = tpu.memref_slice %arg5[%dma_wait3A_1579, %dma_wait3A_1580] : memref<256x64xf32, #tpu.memory_space<vmem>> -> memref<64x64xf32, #tpu.memory_space<vmem>>
      %dma_wait3A_1582 = arith.constant 0 : i32
      %dma_wait3A_1583 = tpu.memref_slice %arg21[%mul3A_10, %dma_wait3A_1582] : memref<1024x64xf32, #tpu.memory_space<vmem_shared>> -> memref<64x64xf32, #tpu.memory_space<vmem_shared>>
      %dma_wait3A_1584 = arith.constant 0 : i32
      %dma_wait3A_1585 = tpu.memref_slice %arg21[%mul3A_10, %dma_wait3A_1584] : memref<1024x64xf32, #tpu.memory_space<vmem_shared>> -> memref<64x64xf32, #tpu.memory_space<vmem_shared>>
      %dma_wait3A_1586 = arith.constant 0 : i32
      %dma_wait3A_1587 = arith.constant 0 : i32
      %dma_wait3A_1588 = tpu.memref_slice %arg5[%dma_wait3A_1586, %dma_wait3A_1587] : memref<256x64xf32, #tpu.memory_space<vmem>> -> memref<64x64xf32, #tpu.memory_space<vmem>>
      tpu.wait_dma2 semaphore(%run_scoped3A : memref<!tpu.dma_semaphore, #tpu.memory_space<semaphore_mem>>) src(%dma_wait3A_1588 : memref<64x64xf32, #tpu.memory_space<vmem>>) dst(%dma_wait3A_1585 : memref<64x64xf32, #tpu.memory_space<vmem_shared>>)
      tpu.yield
    }) : () -> ()
    %add3A = arith.constant 0 : i32
    %add3A_11 = arith.addi %mul3A_2, %add3A : i32
    %mul3A_12 = arith.constant 256 : i32
    %mul3A_13 = arith.muli %add3A_11, %mul3A_12 : i32
    %dma_start3A = tpu.memref_slice %arg2[%mul3A_13, %mul3A_0] : memref<100000x128xf32, #tpu.memory_space<hbm>> -> memref<256x64xf32, #tpu.memory_space<hbm>>
    %dma_start3A_14 = tpu.memref_slice %arg2[%mul3A_13, %mul3A_0] : memref<100000x128xf32, #tpu.memory_space<hbm>> -> memref<256x64xf32, #tpu.memory_space<hbm>>
    tpu.enqueue_dma source(%dma_start3A_14 : memref<256x64xf32, #tpu.memory_space<hbm>>) target(%arg5 : memref<256x64xf32, #tpu.memory_space<vmem>>) target_semaphore(%arg22 : memref<!tpu.dma_semaphore, #tpu.memory_space<semaphore_mem>>)
    %add3A_15 = arith.constant 0 : i32
    %add3A_16 = arith.addi %mul3A_13, %add3A_15 : i32
    %dma_start3A_17 = arith.constant 0 : i32
    %dma_start3A_18 = arith.constant 0 : i32
    %dma_start3A_19 = tpu.memref_slice %arg11[%dma_start3A_17, %dma_start3A_18] : memref<2x128xi32, #tpu.memory_space<vmem>> -> memref<1x128xi32, #tpu.memory_space<vmem>>
    %dma_start3A_20 = tpu.memref_squeeze %dma_start3A_19 : memref<1x128xi32, #tpu.memory_space<vmem>> -> memref<128xi32, #tpu.memory_space<vmem>>
    %dma_start3A_21 = tpu.memref_slice %arg3[%add3A_16] : memref<100000xi32, #tpu.memory_space<hbm>> -> memref<128xi32, #tpu.memory_space<hbm>>
    %dma_start3A_22 = arith.constant 0 : i32
    %dma_start3A_23 = tpu.memref_slice %arg11[%dma_start3A_17, %dma_start3A_22] : memref<2x128xi32, #tpu.memory_space<vmem>> -> memref<1x128xi32, #tpu.memory_space<vmem>>
    %dma_start3A_24 = tpu.memref_squeeze %dma_start3A_23 : memref<1x128xi32, #tpu.memory_space<vmem>> -> memref<128xi32, #tpu.memory_space<vmem>>
    %dma_start3A_25 = tpu.memref_slice %arg3[%add3A_16] : memref<100000xi32, #tpu.memory_space<hbm>> -> memref<128xi32, #tpu.memory_space<hbm>>
    tpu.enqueue_dma source(%dma_start3A_25 : memref<128xi32, #tpu.memory_space<hbm>>) target(%dma_start3A_24 : memref<128xi32, #tpu.memory_space<vmem>>) target_semaphore(%arg22 : memref<!tpu.dma_semaphore, #tpu.memory_space<semaphore_mem>>)
    %add3A_26 = arith.constant 128 : i32
    %add3A_27 = arith.addi %mul3A_13, %add3A_26 : i32
    %dma_start3A_28 = arith.constant 1 : i32
    %dma_start3A_29 = arith.constant 0 : i32
    %dma_start3A_30 = tpu.memref_slice %arg11[%dma_start3A_28, %dma_start3A_29] : memref<2x128xi32, #tpu.memory_space<vmem>> -> memref<1x128xi32, #tpu.memory_space<vmem>>
    %dma_start3A_31 = tpu.memref_squeeze %dma_start3A_30 : memref<1x128xi32, #tpu.memory_space<vmem>> -> memref<128xi32, #tpu.memory_space<vmem>>
    %dma_start3A_32 = tpu.memref_slice %arg3[%add3A_27] : memref<100000xi32, #tpu.memory_space<hbm>> -> memref<128xi32, #tpu.memory_space<hbm>>
    %dma_start3A_33 = arith.constant 0 : i32
    %dma_start3A_34 = tpu.memref_slice %arg11[%dma_start3A_28, %dma_start3A_33] : memref<2x128xi32, #tpu.memory_space<vmem>> -> memref<1x128xi32, #tpu.memory_space<vmem>>
    %dma_start3A_35 = tpu.memref_squeeze %dma_start3A_34 : memref<1x128xi32, #tpu.memory_space<vmem>> -> memref<128xi32, #tpu.memory_space<vmem>>
    %dma_start3A_36 = tpu.memref_slice %arg3[%add3A_27] : memref<100000xi32, #tpu.memory_space<hbm>> -> memref<128xi32, #tpu.memory_space<hbm>>
    tpu.enqueue_dma source(%dma_start3A_36 : memref<128xi32, #tpu.memory_space<hbm>>) target(%dma_start3A_35 : memref<128xi32, #tpu.memory_space<vmem>>) target_semaphore(%arg22 : memref<!tpu.dma_semaphore, #tpu.memory_space<semaphore_mem>>)
    %add3A_37 = arith.constant 1 : i32
    %add3A_38 = arith.addi %mul3A_2, %add3A_37 : i32
    %mul3A_39 = arith.constant 256 : i32
    %mul3A_40 = arith.muli %add3A_38, %mul3A_39 : i32
    %dma_start3A_41 = tpu.memref_slice %arg2[%mul3A_40, %mul3A_0] : memref<100000x128xf32, #tpu.memory_space<hbm>> -> memref<256x64xf32, #tpu.memory_space<hbm>>
    %dma_start3A_42 = tpu.memref_slice %arg2[%mul3A_40, %mul3A_0] : memref<100000x128xf32, #tpu.memory_space<hbm>> -> memref<256x64xf32, #tpu.memory_space<hbm>>
    tpu.enqueue_dma source(%dma_start3A_42 : memref<256x64xf32, #tpu.memory_space<hbm>>) target(%arg6 : memref<256x64xf32, #tpu.memory_space<vmem>>) target_semaphore(%arg23 : memref<!tpu.dma_semaphore, #tpu.memory_space<semaphore_mem>>)
    %add3A_43 = arith.constant 0 : i32
    %add3A_44 = arith.addi %mul3A_40, %add3A_43 : i32
    %dma_start3A_45 = arith.constant 0 : i32
    %dma_start3A_46 = arith.constant 0 : i32
    %dma_start3A_47 = tpu.memref_slice %arg12[%dma_start3A_45, %dma_start3A_46] : memref<2x128xi32, #tpu.memory_space<vmem>> -> memref<1x128xi32, #tpu.memory_space<vmem>>
    %dma_start3A_48 = tpu.memref_squeeze %dma_start3A_47 : memref<1x128xi32, #tpu.memory_space<vmem>> -> memref<128xi32, #tpu.memory_space<vmem>>
    %dma_start3A_49 = tpu.memref_slice %arg3[%add3A_44] : memref<100000xi32, #tpu.memory_space<hbm>> -> memref<128xi32, #tpu.memory_space<hbm>>
    %dma_start3A_50 = arith.constant 0 : i32
    %dma_start3A_51 = tpu.memref_slice %arg12[%dma_start3A_45, %dma_start3A_50] : memref<2x128xi32, #tpu.memory_space<vmem>> -> memref<1x128xi32, #tpu.memory_space<vmem>>
    %dma_start3A_52 = tpu.memref_squeeze %dma_start3A_51 : memref<1x128xi32, #tpu.memory_space<vmem>> -> memref<128xi32, #tpu.memory_space<vmem>>
    %dma_start3A_53 = tpu.memref_slice %arg3[%add3A_44] : memref<100000xi32, #tpu.memory_space<hbm>> -> memref<128xi32, #tpu.memory_space<hbm>>
    tpu.enqueue_dma source(%dma_start3A_53 : memref<128xi32, #tpu.memory_space<hbm>>) target(%dma_start3A_52 : memref<128xi32, #tpu.memory_space<vmem>>) target_semaphore(%arg23 : memref<!tpu.dma_semaphore, #tpu.memory_space<semaphore_mem>>)
    %add3A_54 = arith.constant 128 : i32
    %add3A_55 = arith.addi %mul3A_40, %add3A_54 : i32
    %dma_start3A_56 = arith.constant 1 : i32
    %dma_start3A_57 = arith.constant 0 : i32
    %dma_start3A_58 = tpu.memref_slice %arg12[%dma_start3A_56, %dma_start3A_57] : memref<2x128xi32, #tpu.memory_space<vmem>> -> memref<1x128xi32, #tpu.memory_space<vmem>>
    %dma_start3A_59 = tpu.memref_squeeze %dma_start3A_58 : memref<1x128xi32, #tpu.memory_space<vmem>> -> memref<128xi32, #tpu.memory_space<vmem>>
    %dma_start3A_60 = tpu.memref_slice %arg3[%add3A_55] : memref<100000xi32, #tpu.memory_space<hbm>> -> memref<128xi32, #tpu.memory_space<hbm>>
    %dma_start3A_61 = arith.constant 0 : i32
    %dma_start3A_62 = tpu.memref_slice %arg12[%dma_start3A_56, %dma_start3A_61] : memref<2x128xi32, #tpu.memory_space<vmem>> -> memref<1x128xi32, #tpu.memory_space<vmem>>
    %dma_start3A_63 = tpu.memref_squeeze %dma_start3A_62 : memref<1x128xi32, #tpu.memory_space<vmem>> -> memref<128xi32, #tpu.memory_space<vmem>>
    %dma_start3A_64 = tpu.memref_slice %arg3[%add3A_55] : memref<100000xi32, #tpu.memory_space<hbm>> -> memref<128xi32, #tpu.memory_space<hbm>>
    tpu.enqueue_dma source(%dma_start3A_64 : memref<128xi32, #tpu.memory_space<hbm>>) target(%dma_start3A_63 : memref<128xi32, #tpu.memory_space<vmem>>) target_semaphore(%arg23 : memref<!tpu.dma_semaphore, #tpu.memory_space<semaphore_mem>>)
    %add3A_65 = arith.constant 2 : i32
    %add3A_66 = arith.addi %mul3A_2, %add3A_65 : i32
    %mul3A_67 = arith.constant 256 : i32
    %mul3A_68 = arith.muli %add3A_66, %mul3A_67 : i32
    %dma_start3A_69 = tpu.memref_slice %arg2[%mul3A_68, %mul3A_0] : memref<100000x128xf32, #tpu.memory_space<hbm>> -> memref<256x64xf32, #tpu.memory_space<hbm>>
    %dma_start3A_70 = tpu.memref_slice %arg2[%mul3A_68, %mul3A_0] : memref<100000x128xf32, #tpu.memory_space<hbm>> -> memref<256x64xf32, #tpu.memory_space<hbm>>
    tpu.enqueue_dma source(%dma_start3A_70 : memref<256x64xf32, #tpu.memory_space<hbm>>) target(%arg7 : memref<256x64xf32, #tpu.memory_space<vmem>>) target_semaphore(%arg24 : memref<!tpu.dma_semaphore, #tpu.memory_space<semaphore_mem>>)
    %add3A_71 = arith.constant 0 : i32
    %add3A_72 = arith.addi %mul3A_68, %add3A_71 : i32
    %dma_start3A_73 = arith.constant 0 : i32
    %dma_start3A_74 = arith.constant 0 : i32
    %dma_start3A_75 = tpu.memref_slice %arg13[%dma_start3A_73, %dma_start3A_74] : memref<2x128xi32, #tpu.memory_space<vmem>> -> memref<1x128xi32, #tpu.memory_space<vmem>>
    %dma_start3A_76 = tpu.memref_squeeze %dma_start3A_75 : memref<1x128xi32, #tpu.memory_space<vmem>> -> memref<128xi32, #tpu.memory_space<vmem>>
    %dma_start3A_77 = tpu.memref_slice %arg3[%add3A_72] : memref<100000xi32, #tpu.memory_space<hbm>> -> memref<128xi32, #tpu.memory_space<hbm>>
    %dma_start3A_78 = arith.constant 0 : i32
    %dma_start3A_79 = tpu.memref_slice %arg13[%dma_start3A_73, %dma_start3A_78] : memref<2x128xi32, #tpu.memory_space<vmem>> -> memref<1x128xi32, #tpu.memory_space<vmem>>
    %dma_start3A_80 = tpu.memref_squeeze %dma_start3A_79 : memref<1x128xi32, #tpu.memory_space<vmem>> -> memref<128xi32, #tpu.memory_space<vmem>>
    %dma_start3A_81 = tpu.memref_slice %arg3[%add3A_72] : memref<100000xi32, #tpu.memory_space<hbm>> -> memref<128xi32, #tpu.memory_space<hbm>>
    tpu.enqueue_dma source(%dma_start3A_81 : memref<128xi32, #tpu.memory_space<hbm>>) target(%dma_start3A_80 : memref<128xi32, #tpu.memory_space<vmem>>) target_semaphore(%arg24 : memref<!tpu.dma_semaphore, #tpu.memory_space<semaphore_mem>>)
    %add3A_82 = arith.constant 128 : i32
    %add3A_83 = arith.addi %mul3A_68, %add3A_82 : i32
    %dma_start3A_84 = arith.constant 1 : i32
    %dma_start3A_85 = arith.constant 0 : i32
    %dma_start3A_86 = tpu.memref_slice %arg13[%dma_start3A_84, %dma_start3A_85] : memref<2x128xi32, #tpu.memory_space<vmem>> -> memref<1x128xi32, #tpu.memory_space<vmem>>
    %dma_start3A_87 = tpu.memref_squeeze %dma_start3A_86 : memref<1x128xi32, #tpu.memory_space<vmem>> -> memref<128xi32, #tpu.memory_space<vmem>>
    %dma_start3A_88 = tpu.memref_slice %arg3[%add3A_83] : memref<100000xi32, #tpu.memory_space<hbm>> -> memref<128xi32, #tpu.memory_space<hbm>>
    %dma_start3A_89 = arith.constant 0 : i32
    %dma_start3A_90 = tpu.memref_slice %arg13[%dma_start3A_84, %dma_start3A_89] : memref<2x128xi32, #tpu.memory_space<vmem>> -> memref<1x128xi32, #tpu.memory_space<vmem>>
    %dma_start3A_91 = tpu.memref_squeeze %dma_start3A_90 : memref<1x128xi32, #tpu.memory_space<vmem>> -> memref<128xi32, #tpu.memory_space<vmem>>
    %dma_start3A_92 = tpu.memref_slice %arg3[%add3A_83] : memref<100000xi32, #tpu.memory_space<hbm>> -> memref<128xi32, #tpu.memory_space<hbm>>
    tpu.enqueue_dma source(%dma_start3A_92 : memref<128xi32, #tpu.memory_space<hbm>>) target(%dma_start3A_91 : memref<128xi32, #tpu.memory_space<vmem>>) target_semaphore(%arg24 : memref<!tpu.dma_semaphore, #tpu.memory_space<semaphore_mem>>)
    %add3A_93 = arith.constant 3 : i32
    %add3A_94 = arith.addi %mul3A_2, %add3A_93 : i32
    %mul3A_95 = arith.constant 256 : i32
    %mul3A_96 = arith.muli %add3A_94, %mul3A_95 : i32
    %dma_start3A_97 = tpu.memref_slice %arg2[%mul3A_96, %mul3A_0] : memref<100000x128xf32, #tpu.memory_space<hbm>> -> memref<256x64xf32, #tpu.memory_space<hbm>>
    %dma_start3A_98 = tpu.memref_slice %arg2[%mul3A_96, %mul3A_0] : memref<100000x128xf32, #tpu.memory_space<hbm>> -> memref<256x64xf32, #tpu.memory_space<hbm>>
    tpu.enqueue_dma source(%dma_start3A_98 : memref<256x64xf32, #tpu.memory_space<hbm>>) target(%arg8 : memref<256x64xf32, #tpu.memory_space<vmem>>) target_semaphore(%arg25 : memref<!tpu.dma_semaphore, #tpu.memory_space<semaphore_mem>>)
    %add3A_99 = arith.constant 0 : i32
    %add3A_100 = arith.addi %mul3A_96, %add3A_99 : i32
    %dma_start3A_101 = arith.constant 0 : i32
    %dma_start3A_102 = arith.constant 0 : i32
    %dma_start3A_103 = tpu.memref_slice %arg14[%dma_start3A_101, %dma_start3A_102] : memref<2x128xi32, #tpu.memory_space<vmem>> -> memref<1x128xi32, #tpu.memory_space<vmem>>
    %dma_start3A_104 = tpu.memref_squeeze %dma_start3A_103 : memref<1x128xi32, #tpu.memory_space<vmem>> -> memref<128xi32, #tpu.memory_space<vmem>>
    %dma_start3A_105 = tpu.memref_slice %arg3[%add3A_100] : memref<100000xi32, #tpu.memory_space<hbm>> -> memref<128xi32, #tpu.memory_space<hbm>>
    %dma_start3A_106 = arith.constant 0 : i32
    %dma_start3A_107 = tpu.memref_slice %arg14[%dma_start3A_101, %dma_start3A_106] : memref<2x128xi32, #tpu.memory_space<vmem>> -> memref<1x128xi32, #tpu.memory_space<vmem>>
    %dma_start3A_108 = tpu.memref_squeeze %dma_start3A_107 : memref<1x128xi32, #tpu.memory_space<vmem>> -> memref<128xi32, #tpu.memory_space<vmem>>
    %dma_start3A_109 = tpu.memref_slice %arg3[%add3A_100] : memref<100000xi32, #tpu.memory_space<hbm>> -> memref<128xi32, #tpu.memory_space<hbm>>
    tpu.enqueue_dma source(%dma_start3A_109 : memref<128xi32, #tpu.memory_space<hbm>>) target(%dma_start3A_108 : memref<128xi32, #tpu.memory_space<vmem>>) target_semaphore(%arg25 : memref<!tpu.dma_semaphore, #tpu.memory_space<semaphore_mem>>)
    %add3A_110 = arith.constant 128 : i32
    %add3A_111 = arith.addi %mul3A_96, %add3A_110 : i32
    %dma_start3A_112 = arith.constant 1 : i32
    %dma_start3A_113 = arith.constant 0 : i32
    %dma_start3A_114 = tpu.memref_slice %arg14[%dma_start3A_112, %dma_start3A_113] : memref<2x128xi32, #tpu.memory_space<vmem>> -> memref<1x128xi32, #tpu.memory_space<vmem>>
    %dma_start3A_115 = tpu.memref_squeeze %dma_start3A_114 : memref<1x128xi32, #tpu.memory_space<vmem>> -> memref<128xi32, #tpu.memory_space<vmem>>
    %dma_start3A_116 = tpu.memref_slice %arg3[%add3A_111] : memref<100000xi32, #tpu.memory_space<hbm>> -> memref<128xi32, #tpu.memory_space<hbm>>
    %dma_start3A_117 = arith.constant 0 : i32
    %dma_start3A_118 = tpu.memref_slice %arg14[%dma_start3A_112, %dma_start3A_117] : memref<2x128xi32, #tpu.memory_space<vmem>> -> memref<1x128xi32, #tpu.memory_space<vmem>>
    %dma_start3A_119 = tpu.memref_squeeze %dma_start3A_118 : memref<1x128xi32, #tpu.memory_space<vmem>> -> memref<128xi32, #tpu.memory_space<vmem>>
    %dma_start3A_120 = tpu.memref_slice %arg3[%add3A_111] : memref<100000xi32, #tpu.memory_space<hbm>> -> memref<128xi32, #tpu.memory_space<hbm>>
    tpu.enqueue_dma source(%dma_start3A_120 : memref<128xi32, #tpu.memory_space<hbm>>) target(%dma_start3A_119 : memref<128xi32, #tpu.memory_space<vmem>>) target_semaphore(%arg25 : memref<!tpu.dma_semaphore, #tpu.memory_space<semaphore_mem>>)
    %add3A_121 = arith.constant 4 : i32
    %add3A_122 = arith.addi %mul3A_2, %add3A_121 : i32
    %mul3A_123 = arith.constant 256 : i32
    %mul3A_124 = arith.muli %add3A_122, %mul3A_123 : i32
    %dma_start3A_125 = tpu.memref_slice %arg2[%mul3A_124, %mul3A_0] : memref<100000x128xf32, #tpu.memory_space<hbm>> -> memref<256x64xf32, #tpu.memory_space<hbm>>
    %dma_start3A_126 = tpu.memref_slice %arg2[%mul3A_124, %mul3A_0] : memref<100000x128xf32, #tpu.memory_space<hbm>> -> memref<256x64xf32, #tpu.memory_space<hbm>>
    tpu.enqueue_dma source(%dma_start3A_126 : memref<256x64xf32, #tpu.memory_space<hbm>>) target(%arg9 : memref<256x64xf32, #tpu.memory_space<vmem>>) target_semaphore(%arg26 : memref<!tpu.dma_semaphore, #tpu.memory_space<semaphore_mem>>)
    %add3A_127 = arith.constant 0 : i32
    %add3A_128 = arith.addi %mul3A_124, %add3A_127 : i32
    %dma_start3A_129 = arith.constant 0 : i32
    %dma_start3A_130 = arith.constant 0 : i32
    %dma_start3A_131 = tpu.memref_slice %arg15[%dma_start3A_129, %dma_start3A_130] : memref<2x128xi32, #tpu.memory_space<vmem>> -> memref<1x128xi32, #tpu.memory_space<vmem>>
    %dma_start3A_132 = tpu.memref_squeeze %dma_start3A_131 : memref<1x128xi32, #tpu.memory_space<vmem>> -> memref<128xi32, #tpu.memory_space<vmem>>
    %dma_start3A_133 = tpu.memref_slice %arg3[%add3A_128] : memref<100000xi32, #tpu.memory_space<hbm>> -> memref<128xi32, #tpu.memory_space<hbm>>
    %dma_start3A_134 = arith.constant 0 : i32
    %dma_start3A_135 = tpu.memref_slice %arg15[%dma_start3A_129, %dma_start3A_134] : memref<2x128xi32, #tpu.memory_space<vmem>> -> memref<1x128xi32, #tpu.memory_space<vmem>>
    %dma_start3A_136 = tpu.memref_squeeze %dma_start3A_135 : memref<1x128xi32, #tpu.memory_space<vmem>> -> memref<128xi32, #tpu.memory_space<vmem>>
    %dma_start3A_137 = tpu.memref_slice %arg3[%add3A_128] : memref<100000xi32, #tpu.memory_space<hbm>> -> memref<128xi32, #tpu.memory_space<hbm>>
    tpu.enqueue_dma source(%dma_start3A_137 : memref<128xi32, #tpu.memory_space<hbm>>) target(%dma_start3A_136 : memref<128xi32, #tpu.memory_space<vmem>>) target_semaphore(%arg26 : memref<!tpu.dma_semaphore, #tpu.memory_space<semaphore_mem>>)
    %add3A_138 = arith.constant 128 : i32
    %add3A_139 = arith.addi %mul3A_124, %add3A_138 : i32
    %dma_start3A_140 = arith.constant 1 : i32
    %dma_start3A_141 = arith.constant 0 : i32
    %dma_start3A_142 = tpu.memref_slice %arg15[%dma_start3A_140, %dma_start3A_141] : memref<2x128xi32, #tpu.memory_space<vmem>> -> memref<1x128xi32, #tpu.memory_space<vmem>>
    %dma_start3A_143 = tpu.memref_squeeze %dma_start3A_142 : memref<1x128xi32, #tpu.memory_space<vmem>> -> memref<128xi32, #tpu.memory_space<vmem>>
    %dma_start3A_144 = tpu.memref_slice %arg3[%add3A_139] : memref<100000xi32, #tpu.memory_space<hbm>> -> memref<128xi32, #tpu.memory_space<hbm>>
    %dma_start3A_145 = arith.constant 0 : i32
    %dma_start3A_146 = tpu.memref_slice %arg15[%dma_start3A_140, %dma_start3A_145] : memref<2x128xi32, #tpu.memory_space<vmem>> -> memref<1x128xi32, #tpu.memory_space<vmem>>
    %dma_start3A_147 = tpu.memref_squeeze %dma_start3A_146 : memref<1x128xi32, #tpu.memory_space<vmem>> -> memref<128xi32, #tpu.memory_space<vmem>>
    %dma_start3A_148 = tpu.memref_slice %arg3[%add3A_139] : memref<100000xi32, #tpu.memory_space<hbm>> -> memref<128xi32, #tpu.memory_space<hbm>>
    tpu.enqueue_dma source(%dma_start3A_148 : memref<128xi32, #tpu.memory_space<hbm>>) target(%dma_start3A_147 : memref<128xi32, #tpu.memory_space<vmem>>) target_semaphore(%arg26 : memref<!tpu.dma_semaphore, #tpu.memory_space<semaphore_mem>>)
    %add3A_149 = arith.constant 5 : i32
    %add3A_150 = arith.addi %mul3A_2, %add3A_149 : i32
    %mul3A_151 = arith.constant 256 : i32
    %mul3A_152 = arith.muli %add3A_150, %mul3A_151 : i32
    %dma_start3A_153 = tpu.memref_slice %arg2[%mul3A_152, %mul3A_0] : memref<100000x128xf32, #tpu.memory_space<hbm>> -> memref<256x64xf32, #tpu.memory_space<hbm>>
    %dma_start3A_154 = tpu.memref_slice %arg2[%mul3A_152, %mul3A_0] : memref<100000x128xf32, #tpu.memory_space<hbm>> -> memref<256x64xf32, #tpu.memory_space<hbm>>
    tpu.enqueue_dma source(%dma_start3A_154 : memref<256x64xf32, #tpu.memory_space<hbm>>) target(%arg10 : memref<256x64xf32, #tpu.memory_space<vmem>>) target_semaphore(%arg27 : memref<!tpu.dma_semaphore, #tpu.memory_space<semaphore_mem>>)
    %add3A_155 = arith.constant 0 : i32
    %add3A_156 = arith.addi %mul3A_152, %add3A_155 : i32
    %dma_start3A_157 = arith.constant 0 : i32
    %dma_start3A_158 = arith.constant 0 : i32
    %dma_start3A_159 = tpu.memref_slice %arg16[%dma_start3A_157, %dma_start3A_158] : memref<2x128xi32, #tpu.memory_space<vmem>> -> memref<1x128xi32, #tpu.memory_space<vmem>>
    %dma_start3A_160 = tpu.memref_squeeze %dma_start3A_159 : memref<1x128xi32, #tpu.memory_space<vmem>> -> memref<128xi32, #tpu.memory_space<vmem>>
    %dma_start3A_161 = tpu.memref_slice %arg3[%add3A_156] : memref<100000xi32, #tpu.memory_space<hbm>> -> memref<128xi32, #tpu.memory_space<hbm>>
    %dma_start3A_162 = arith.constant 0 : i32
    %dma_start3A_163 = tpu.memref_slice %arg16[%dma_start3A_157, %dma_start3A_162] : memref<2x128xi32, #tpu.memory_space<vmem>> -> memref<1x128xi32, #tpu.memory_space<vmem>>
    %dma_start3A_164 = tpu.memref_squeeze %dma_start3A_163 : memref<1x128xi32, #tpu.memory_space<vmem>> -> memref<128xi32, #tpu.memory_space<vmem>>
    %dma_start3A_165 = tpu.memref_slice %arg3[%add3A_156] : memref<100000xi32, #tpu.memory_space<hbm>> -> memref<128xi32, #tpu.memory_space<hbm>>
    tpu.enqueue_dma source(%dma_start3A_165 : memref<128xi32, #tpu.memory_space<hbm>>) target(%dma_start3A_164 : memref<128xi32, #tpu.memory_space<vmem>>) target_semaphore(%arg27 : memref<!tpu.dma_semaphore, #tpu.memory_space<semaphore_mem>>)
    %add3A_166 = arith.constant 128 : i32
    %add3A_167 = arith.addi %mul3A_152, %add3A_166 : i32
    %dma_start3A_168 = arith.constant 1 : i32
    %dma_start3A_169 = arith.constant 0 : i32
    %dma_start3A_170 = tpu.memref_slice %arg16[%dma_start3A_168, %dma_start3A_169] : memref<2x128xi32, #tpu.memory_space<vmem>> -> memref<1x128xi32, #tpu.memory_space<vmem>>
    %dma_start3A_171 = tpu.memref_squeeze %dma_start3A_170 : memref<1x128xi32, #tpu.memory_space<vmem>> -> memref<128xi32, #tpu.memory_space<vmem>>
    %dma_start3A_172 = tpu.memref_slice %arg3[%add3A_167] : memref<100000xi32, #tpu.memory_space<hbm>> -> memref<128xi32, #tpu.memory_space<hbm>>
    %dma_start3A_173 = arith.constant 0 : i32
    %dma_start3A_174 = tpu.memref_slice %arg16[%dma_start3A_168, %dma_start3A_173] : memref<2x128xi32, #tpu.memory_space<vmem>> -> memref<1x128xi32, #tpu.memory_space<vmem>>
    %dma_start3A_175 = tpu.memref_squeeze %dma_start3A_174 : memref<1x128xi32, #tpu.memory_space<vmem>> -> memref<128xi32, #tpu.memory_space<vmem>>
    %dma_start3A_176 = tpu.memref_slice %arg3[%add3A_167] : memref<100000xi32, #tpu.memory_space<hbm>> -> memref<128xi32, #tpu.memory_space<hbm>>
    tpu.enqueue_dma source(%dma_start3A_176 : memref<128xi32, #tpu.memory_space<hbm>>) target(%dma_start3A_175 : memref<128xi32, #tpu.memory_space<vmem>>) target_semaphore(%arg27 : memref<!tpu.dma_semaphore, #tpu.memory_space<semaphore_mem>>)
    %lt3A = arith.constant 12 : i32
    %lt3A_177 = arith.cmpi slt, %arg1, %lt3A : i32
    %convert_element_type3A = arith.extui %lt3A_177 : i1 to i32
    %cond3A = arith.constant 0 : i32
    %cond3A_178 = arith.cmpi ne, %convert_element_type3A, %cond3A : i32
    scf.if %cond3A_178 {
      %mul3A_1569 = arith.constant 128 : i32
      %mul3A_1570 = arith.muli %arg1, %mul3A_1569 : i32
      %add3A_1571 = arith.constant 98304 : i32
      %add3A_1572 = arith.addi %add3A_1571, %mul3A_1570 : i32
      %dma_start3A_1573 = tpu.memref_slice %arg2[%add3A_1572, %mul3A_0] : memref<100000x128xf32, #tpu.memory_space<hbm>> -> memref<128x64xf32, #tpu.memory_space<hbm>>
      %dma_start3A_1574 = tpu.memref_slice %arg2[%add3A_1572, %mul3A_0] : memref<100000x128xf32, #tpu.memory_space<hbm>> -> memref<128x64xf32, #tpu.memory_space<hbm>>
      tpu.enqueue_dma source(%dma_start3A_1574 : memref<128x64xf32, #tpu.memory_space<hbm>>) target(%arg17 : memref<128x64xf32, #tpu.memory_space<vmem>>) target_semaphore(%arg34 : memref<!tpu.dma_semaphore, #tpu.memory_space<semaphore_mem>>)
      %dma_start3A_1575 = tpu.memref_slice %arg3[%add3A_1572] : memref<100000xi32, #tpu.memory_space<hbm>> -> memref<128xi32, #tpu.memory_space<hbm>>
      %dma_start3A_1576 = tpu.memref_slice %arg3[%add3A_1572] : memref<100000xi32, #tpu.memory_space<hbm>> -> memref<128xi32, #tpu.memory_space<hbm>>
      tpu.enqueue_dma source(%dma_start3A_1576 : memref<128xi32, #tpu.memory_space<hbm>>) target(%arg18 : memref<128xi32, #tpu.memory_space<vmem>>) target_semaphore(%arg34 : memref<!tpu.dma_semaphore, #tpu.memory_space<semaphore_mem>>)
    } else {
    }
    %eq3A = arith.constant 12 : i32
    %eq3A_179 = arith.cmpi eq, %arg1, %eq3A : i32
    %convert_element_type3A_180 = arith.extui %eq3A_179 : i1 to i32
    %cond3A_181 = arith.constant 0 : i32
    %cond3A_182 = arith.cmpi ne, %convert_element_type3A_180, %cond3A_181 : i32
    scf.if %cond3A_182 {
      %dma_start3A_1569 = arith.constant 99840 : i32
      %dma_start3A_1570 = tpu.memref_slice %arg2[%dma_start3A_1569, %mul3A_0] : memref<100000x128xf32, #tpu.memory_space<hbm>> -> memref<128x64xf32, #tpu.memory_space<hbm>>
      %dma_start3A_1571 = arith.constant 99840 : i32
      %dma_start3A_1572 = tpu.memref_slice %arg2[%dma_start3A_1571, %mul3A_0] : memref<100000x128xf32, #tpu.memory_space<hbm>> -> memref<128x64xf32, #tpu.memory_space<hbm>>
      tpu.enqueue_dma source(%dma_start3A_1572 : memref<128x64xf32, #tpu.memory_space<hbm>>) target(%arg17 : memref<128x64xf32, #tpu.memory_space<vmem>>) target_semaphore(%arg34 : memref<!tpu.dma_semaphore, #tpu.memory_space<semaphore_mem>>)
      %dma_start3A_1573 = arith.constant 99840 : i32
      %dma_start3A_1574 = tpu.memref_slice %arg3[%dma_start3A_1573] : memref<100000xi32, #tpu.memory_space<hbm>> -> memref<128xi32, #tpu.memory_space<hbm>>
      %dma_start3A_1575 = arith.constant 99840 : i32
      %dma_start3A_1576 = tpu.memref_slice %arg3[%dma_start3A_1575] : memref<100000xi32, #tpu.memory_space<hbm>> -> memref<128xi32, #tpu.memory_space<hbm>>
      tpu.enqueue_dma source(%dma_start3A_1576 : memref<128xi32, #tpu.memory_space<hbm>>) target(%arg18 : memref<128xi32, #tpu.memory_space<vmem>>) target_semaphore(%arg34 : memref<!tpu.dma_semaphore, #tpu.memory_space<semaphore_mem>>)
    } else {
    }
    %eq3A_183 = arith.constant 15 : i32
    %eq3A_184 = arith.cmpi eq, %arg1, %eq3A_183 : i32
    %convert_element_type3A_185 = arith.extui %eq3A_184 : i1 to i32
    %cond3A_186 = arith.constant 0 : i32
    %cond3A_187 = arith.cmpi ne, %convert_element_type3A_185, %cond3A_186 : i32
    scf.if %cond3A_187 {
      %dma_start3A_1569 = arith.constant 99968 : i32
      %dma_start3A_1570 = tpu.memref_slice %arg2[%dma_start3A_1569, %mul3A_0] : memref<100000x128xf32, #tpu.memory_space<hbm>> -> memref<32x64xf32, #tpu.memory_space<hbm>>
      %dma_start3A_1571 = arith.constant 99968 : i32
      %dma_start3A_1572 = tpu.memref_slice %arg2[%dma_start3A_1571, %mul3A_0] : memref<100000x128xf32, #tpu.memory_space<hbm>> -> memref<32x64xf32, #tpu.memory_space<hbm>>
      tpu.enqueue_dma source(%dma_start3A_1572 : memref<32x64xf32, #tpu.memory_space<hbm>>) target(%arg19 : memref<32x64xf32, #tpu.memory_space<vmem>>) target_semaphore(%arg34 : memref<!tpu.dma_semaphore, #tpu.memory_space<semaphore_mem>>)
      %dma_start3A_1573 = arith.constant 99968 : i32
      %dma_start3A_1574 = tpu.memref_slice %arg3[%dma_start3A_1573] : memref<100000xi32, #tpu.memory_space<hbm>> -> memref<32xi32, #tpu.memory_space<hbm>>
      %dma_start3A_1575 = arith.constant 99968 : i32
      %dma_start3A_1576 = tpu.memref_slice %arg3[%dma_start3A_1575] : memref<100000xi32, #tpu.memory_space<hbm>> -> memref<32xi32, #tpu.memory_space<hbm>>
      tpu.enqueue_dma source(%dma_start3A_1576 : memref<32xi32, #tpu.memory_space<hbm>>) target(%arg20 : memref<32xi32, #tpu.memory_space<vmem>>) target_semaphore(%arg34 : memref<!tpu.dma_semaphore, #tpu.memory_space<semaphore_mem>>)
    } else {
    }
    %barrier3A = arith.constant 0 : index
    tpu.barrier barrier_id(%barrier3A)
    %dma_wait3A = arith.constant 0 : i32
    %dma_wait3A_188 = arith.constant 0 : i32
    %dma_wait3A_189 = tpu.memref_slice %arg2[%dma_wait3A, %dma_wait3A_188] : memref<100000x128xf32, #tpu.memory_space<hbm>> -> memref<256x64xf32, #tpu.memory_space<hbm>>
    %dma_wait3A_190 = arith.constant 0 : i32
    %dma_wait3A_191 = arith.constant 0 : i32
    %dma_wait3A_192 = tpu.memref_slice %arg2[%dma_wait3A_190, %dma_wait3A_191] : memref<100000x128xf32, #tpu.memory_space<hbm>> -> memref<256x64xf32, #tpu.memory_space<hbm>>
    tpu.wait_dma2 semaphore(%arg22 : memref<!tpu.dma_semaphore, #tpu.memory_space<semaphore_mem>>) src(%dma_wait3A_192 : memref<256x64xf32, #tpu.memory_space<hbm>>) dst(%arg5 : memref<256x64xf32, #tpu.memory_space<vmem>>)
    %dma_wait3A_193 = arith.constant 0 : i32
    %dma_wait3A_194 = arith.constant 0 : i32
    %dma_wait3A_195 = tpu.memref_slice %arg11[%dma_wait3A_193, %dma_wait3A_194] : memref<2x128xi32, #tpu.memory_space<vmem>> -> memref<1x128xi32, #tpu.memory_space<vmem>>
    %dma_wait3A_196 = tpu.memref_squeeze %dma_wait3A_195 : memref<1x128xi32, #tpu.memory_space<vmem>> -> memref<128xi32, #tpu.memory_space<vmem>>
    %dma_wait3A_197 = arith.constant 0 : i32
    %dma_wait3A_198 = tpu.memref_slice %arg3[%dma_wait3A_197] : memref<100000xi32, #tpu.memory_space<hbm>> -> memref<128xi32, #tpu.memory_space<hbm>>
    %dma_wait3A_199 = arith.constant 0 : i32
    %dma_wait3A_200 = tpu.memref_slice %arg11[%dma_wait3A_193, %dma_wait3A_199] : memref<2x128xi32, #tpu.memory_space<vmem>> -> memref<1x128xi32, #tpu.memory_space<vmem>>
    %dma_wait3A_201 = tpu.memref_squeeze %dma_wait3A_200 : memref<1x128xi32, #tpu.memory_space<vmem>> -> memref<128xi32, #tpu.memory_space<vmem>>
    %dma_wait3A_202 = arith.constant 0 : i32
    %dma_wait3A_203 = tpu.memref_slice %arg3[%dma_wait3A_202] : memref<100000xi32, #tpu.memory_space<hbm>> -> memref<128xi32, #tpu.memory_space<hbm>>
    tpu.wait_dma2 semaphore(%arg22 : memref<!tpu.dma_semaphore, #tpu.memory_space<semaphore_mem>>) src(%dma_wait3A_203 : memref<128xi32, #tpu.memory_space<hbm>>) dst(%dma_wait3A_201 : memref<128xi32, #tpu.memory_space<vmem>>)
    %dma_wait3A_204 = arith.constant 1 : i32
    %dma_wait3A_205 = arith.constant 0 : i32
    %dma_wait3A_206 = tpu.memref_slice %arg11[%dma_wait3A_204, %dma_wait3A_205] : memref<2x128xi32, #tpu.memory_space<vmem>> -> memref<1x128xi32, #tpu.memory_space<vmem>>
    %dma_wait3A_207 = tpu.memref_squeeze %dma_wait3A_206 : memref<1x128xi32, #tpu.memory_space<vmem>> -> memref<128xi32, #tpu.memory_space<vmem>>
    %dma_wait3A_208 = arith.constant 0 : i32
    %dma_wait3A_209 = tpu.memref_slice %arg3[%dma_wait3A_208] : memref<100000xi32, #tpu.memory_space<hbm>> -> memref<128xi32, #tpu.memory_space<hbm>>
    %dma_wait3A_210 = arith.constant 0 : i32
    %dma_wait3A_211 = tpu.memref_slice %arg11[%dma_wait3A_204, %dma_wait3A_210] : memref<2x128xi32, #tpu.memory_space<vmem>> -> memref<1x128xi32, #tpu.memory_space<vmem>>
    %dma_wait3A_212 = tpu.memref_squeeze %dma_wait3A_211 : memref<1x128xi32, #tpu.memory_space<vmem>> -> memref<128xi32, #tpu.memory_space<vmem>>
    %dma_wait3A_213 = arith.constant 0 : i32
    %dma_wait3A_214 = tpu.memref_slice %arg3[%dma_wait3A_213] : memref<100000xi32, #tpu.memory_space<hbm>> -> memref<128xi32, #tpu.memory_space<hbm>>
    tpu.wait_dma2 semaphore(%arg22 : memref<!tpu.dma_semaphore, #tpu.memory_space<semaphore_mem>>) src(%dma_wait3A_214 : memref<128xi32, #tpu.memory_space<hbm>>) dst(%dma_wait3A_212 : memref<128xi32, #tpu.memory_space<vmem>>)
    %dma_start3A_215 = arith.constant 0 : i32
    %dma_start3A_216 = arith.constant 0 : i32
    %dma_start3A_217 = arith.constant 0 : i32
    %dma_start3A_218 = tpu.memref_slice %arg5[%dma_start3A_216, %dma_start3A_217] : memref<256x64xf32, #tpu.memory_space<vmem>> -> memref<128x64xf32, #tpu.memory_space<vmem>>
    %dma_start3A_219 = arith.constant 0 : i32
    %dma_start3A_220 = tpu.memref_slice %arg11[%dma_start3A_215, %dma_start3A_219] : memref<2x128xi32, #tpu.memory_space<vmem>> -> memref<1x128xi32, #tpu.memory_space<vmem>>
    %dma_start3A_221 = tpu.memref_squeeze %dma_start3A_220 : memref<1x128xi32, #tpu.memory_space<vmem>> -> memref<128xi32, #tpu.memory_space<vmem>>
    %dma_start3A_222 = arith.constant 0 : i32
    %dma_start3A_223 = arith.constant 0 : i32
    %dma_start3A_224 = tpu.memref_slice %arg21[%dma_start3A_222, %dma_start3A_223] : memref<1024x64xf32, #tpu.memory_space<vmem_shared>> -> memref<1024x64xf32, #tpu.memory_space<vmem_shared>>
    tpu.enqueue_indirect_dma source(%dma_start3A_218 : memref<128x64xf32, #tpu.memory_space<vmem>>) target(%dma_start3A_224 : memref<1024x64xf32, #tpu.memory_space<vmem_shared>>) offsets(%dma_start3A_221 : memref<128xi32, #tpu.memory_space<vmem>>) semaphore(%arg28 : memref<!tpu.dma_semaphore, #tpu.memory_space<semaphore_mem>>) {add = true}
    %dma_start3A_225 = arith.constant 1 : i32
    %dma_start3A_226 = arith.constant 128 : i32
    %dma_start3A_227 = arith.constant 0 : i32
    %dma_start3A_228 = tpu.memref_slice %arg5[%dma_start3A_226, %dma_start3A_227] : memref<256x64xf32, #tpu.memory_space<vmem>> -> memref<128x64xf32, #tpu.memory_space<vmem>>
    %dma_start3A_229 = arith.constant 0 : i32
    %dma_start3A_230 = tpu.memref_slice %arg11[%dma_start3A_225, %dma_start3A_229] : memref<2x128xi32, #tpu.memory_space<vmem>> -> memref<1x128xi32, #tpu.memory_space<vmem>>
    %dma_start3A_231 = tpu.memref_squeeze %dma_start3A_230 : memref<1x128xi32, #tpu.memory_space<vmem>> -> memref<128xi32, #tpu.memory_space<vmem>>
    %dma_start3A_232 = arith.constant 0 : i32
    %dma_start3A_233 = arith.constant 0 : i32
    %dma_start3A_234 = tpu.memref_slice %arg21[%dma_start3A_232, %dma_start3A_233] : memref<1024x64xf32, #tpu.memory_space<vmem_shared>> -> memref<1024x64xf32, #tpu.memory_space<vmem_shared>>
    tpu.enqueue_indirect_dma source(%dma_start3A_228 : memref<128x64xf32, #tpu.memory_space<vmem>>) target(%dma_start3A_234 : memref<1024x64xf32, #tpu.memory_space<vmem_shared>>) offsets(%dma_start3A_231 : memref<128xi32, #tpu.memory_space<vmem>>) semaphore(%arg28 : memref<!tpu.dma_semaphore, #tpu.memory_space<semaphore_mem>>) {add = true}
    %dma_wait3A_235 = arith.constant 0 : i32
    %dma_wait3A_236 = arith.constant 0 : i32
    %dma_wait3A_237 = tpu.memref_slice %arg2[%dma_wait3A_235, %dma_wait3A_236] : memref<100000x128xf32, #tpu.memory_space<hbm>> -> memref<256x64xf32, #tpu.memory_space<hbm>>
    %dma_wait3A_238 = arith.constant 0 : i32
    %dma_wait3A_239 = arith.constant 0 : i32
    %dma_wait3A_240 = tpu.memref_slice %arg2[%dma_wait3A_238, %dma_wait3A_239] : memref<100000x128xf32, #tpu.memory_space<hbm>> -> memref<256x64xf32, #tpu.memory_space<hbm>>
    tpu.wait_dma2 semaphore(%arg23 : memref<!tpu.dma_semaphore, #tpu.memory_space<semaphore_mem>>) src(%dma_wait3A_240 : memref<256x64xf32, #tpu.memory_space<hbm>>) dst(%arg6 : memref<256x64xf32, #tpu.memory_space<vmem>>)
    %dma_wait3A_241 = arith.constant 0 : i32
    %dma_wait3A_242 = arith.constant 0 : i32
    %dma_wait3A_243 = tpu.memref_slice %arg12[%dma_wait3A_241, %dma_wait3A_242] : memref<2x128xi32, #tpu.memory_space<vmem>> -> memref<1x128xi32, #tpu.memory_space<vmem>>
    %dma_wait3A_244 = tpu.memref_squeeze %dma_wait3A_243 : memref<1x128xi32, #tpu.memory_space<vmem>> -> memref<128xi32, #tpu.memory_space<vmem>>
    %dma_wait3A_245 = arith.constant 0 : i32
    %dma_wait3A_246 = tpu.memref_slice %arg3[%dma_wait3A_245] : memref<100000xi32, #tpu.memory_space<hbm>> -> memref<128xi32, #tpu.memory_space<hbm>>
    %dma_wait3A_247 = arith.constant 0 : i32
    %dma_wait3A_248 = tpu.memref_slice %arg12[%dma_wait3A_241, %dma_wait3A_247] : memref<2x128xi32, #tpu.memory_space<vmem>> -> memref<1x128xi32, #tpu.memory_space<vmem>>
    %dma_wait3A_249 = tpu.memref_squeeze %dma_wait3A_248 : memref<1x128xi32, #tpu.memory_space<vmem>> -> memref<128xi32, #tpu.memory_space<vmem>>
    %dma_wait3A_250 = arith.constant 0 : i32
    %dma_wait3A_251 = tpu.memref_slice %arg3[%dma_wait3A_250] : memref<100000xi32, #tpu.memory_space<hbm>> -> memref<128xi32, #tpu.memory_space<hbm>>
    tpu.wait_dma2 semaphore(%arg23 : memref<!tpu.dma_semaphore, #tpu.memory_space<semaphore_mem>>) src(%dma_wait3A_251 : memref<128xi32, #tpu.memory_space<hbm>>) dst(%dma_wait3A_249 : memref<128xi32, #tpu.memory_space<vmem>>)
    %dma_wait3A_252 = arith.constant 1 : i32
    %dma_wait3A_253 = arith.constant 0 : i32
    %dma_wait3A_254 = tpu.memref_slice %arg12[%dma_wait3A_252, %dma_wait3A_253] : memref<2x128xi32, #tpu.memory_space<vmem>> -> memref<1x128xi32, #tpu.memory_space<vmem>>
    %dma_wait3A_255 = tpu.memref_squeeze %dma_wait3A_254 : memref<1x128xi32, #tpu.memory_space<vmem>> -> memref<128xi32, #tpu.memory_space<vmem>>
    %dma_wait3A_256 = arith.constant 0 : i32
    %dma_wait3A_257 = tpu.memref_slice %arg3[%dma_wait3A_256] : memref<100000xi32, #tpu.memory_space<hbm>> -> memref<128xi32, #tpu.memory_space<hbm>>
    %dma_wait3A_258 = arith.constant 0 : i32
    %dma_wait3A_259 = tpu.memref_slice %arg12[%dma_wait3A_252, %dma_wait3A_258] : memref<2x128xi32, #tpu.memory_space<vmem>> -> memref<1x128xi32, #tpu.memory_space<vmem>>
    %dma_wait3A_260 = tpu.memref_squeeze %dma_wait3A_259 : memref<1x128xi32, #tpu.memory_space<vmem>> -> memref<128xi32, #tpu.memory_space<vmem>>
    %dma_wait3A_261 = arith.constant 0 : i32
    %dma_wait3A_262 = tpu.memref_slice %arg3[%dma_wait3A_261] : memref<100000xi32, #tpu.memory_space<hbm>> -> memref<128xi32, #tpu.memory_space<hbm>>
    tpu.wait_dma2 semaphore(%arg23 : memref<!tpu.dma_semaphore, #tpu.memory_space<semaphore_mem>>) src(%dma_wait3A_262 : memref<128xi32, #tpu.memory_space<hbm>>) dst(%dma_wait3A_260 : memref<128xi32, #tpu.memory_space<vmem>>)
    %dma_start3A_263 = arith.constant 0 : i32
    %dma_start3A_264 = arith.constant 0 : i32
    %dma_start3A_265 = arith.constant 0 : i32
    %dma_start3A_266 = tpu.memref_slice %arg6[%dma_start3A_264, %dma_start3A_265] : memref<256x64xf32, #tpu.memory_space<vmem>> -> memref<128x64xf32, #tpu.memory_space<vmem>>
    %dma_start3A_267 = arith.constant 0 : i32
    %dma_start3A_268 = tpu.memref_slice %arg12[%dma_start3A_263, %dma_start3A_267] : memref<2x128xi32, #tpu.memory_space<vmem>> -> memref<1x128xi32, #tpu.memory_space<vmem>>
    %dma_start3A_269 = tpu.memref_squeeze %dma_start3A_268 : memref<1x128xi32, #tpu.memory_space<vmem>> -> memref<128xi32, #tpu.memory_space<vmem>>
    %dma_start3A_270 = arith.constant 0 : i32
    %dma_start3A_271 = arith.constant 0 : i32
    %dma_start3A_272 = tpu.memref_slice %arg21[%dma_start3A_270, %dma_start3A_271] : memref<1024x64xf32, #tpu.memory_space<vmem_shared>> -> memref<1024x64xf32, #tpu.memory_space<vmem_shared>>
    tpu.enqueue_indirect_dma source(%dma_start3A_266 : memref<128x64xf32, #tpu.memory_space<vmem>>) target(%dma_start3A_272 : memref<1024x64xf32, #tpu.memory_space<vmem_shared>>) offsets(%dma_start3A_269 : memref<128xi32, #tpu.memory_space<vmem>>) semaphore(%arg29 : memref<!tpu.dma_semaphore, #tpu.memory_space<semaphore_mem>>) {add = true}
    %dma_start3A_273 = arith.constant 1 : i32
    %dma_start3A_274 = arith.constant 128 : i32
    %dma_start3A_275 = arith.constant 0 : i32
    %dma_start3A_276 = tpu.memref_slice %arg6[%dma_start3A_274, %dma_start3A_275] : memref<256x64xf32, #tpu.memory_space<vmem>> -> memref<128x64xf32, #tpu.memory_space<vmem>>
    %dma_start3A_277 = arith.constant 0 : i32
    %dma_start3A_278 = tpu.memref_slice %arg12[%dma_start3A_273, %dma_start3A_277] : memref<2x128xi32, #tpu.memory_space<vmem>> -> memref<1x128xi32, #tpu.memory_space<vmem>>
    %dma_start3A_279 = tpu.memref_squeeze %dma_start3A_278 : memref<1x128xi32, #tpu.memory_space<vmem>> -> memref<128xi32, #tpu.memory_space<vmem>>
    %dma_start3A_280 = arith.constant 0 : i32
    %dma_start3A_281 = arith.constant 0 : i32
    %dma_start3A_282 = tpu.memref_slice %arg21[%dma_start3A_280, %dma_start3A_281] : memref<1024x64xf32, #tpu.memory_space<vmem_shared>> -> memref<1024x64xf32, #tpu.memory_space<vmem_shared>>
    tpu.enqueue_indirect_dma source(%dma_start3A_276 : memref<128x64xf32, #tpu.memory_space<vmem>>) target(%dma_start3A_282 : memref<1024x64xf32, #tpu.memory_space<vmem_shared>>) offsets(%dma_start3A_279 : memref<128xi32, #tpu.memory_space<vmem>>) semaphore(%arg29 : memref<!tpu.dma_semaphore, #tpu.memory_space<semaphore_mem>>) {add = true}
    %dma_wait3A_283 = arith.constant 0 : i32
    %dma_wait3A_284 = arith.constant 0 : i32
    %dma_wait3A_285 = tpu.memref_slice %arg2[%dma_wait3A_283, %dma_wait3A_284] : memref<100000x128xf32, #tpu.memory_space<hbm>> -> memref<256x64xf32, #tpu.memory_space<hbm>>
    %dma_wait3A_286 = arith.constant 0 : i32
    %dma_wait3A_287 = arith.constant 0 : i32
    %dma_wait3A_288 = tpu.memref_slice %arg2[%dma_wait3A_286, %dma_wait3A_287] : memref<100000x128xf32, #tpu.memory_space<hbm>> -> memref<256x64xf32, #tpu.memory_space<hbm>>
    tpu.wait_dma2 semaphore(%arg24 : memref<!tpu.dma_semaphore, #tpu.memory_space<semaphore_mem>>) src(%dma_wait3A_288 : memref<256x64xf32, #tpu.memory_space<hbm>>) dst(%arg7 : memref<256x64xf32, #tpu.memory_space<vmem>>)
    %dma_wait3A_289 = arith.constant 0 : i32
    %dma_wait3A_290 = arith.constant 0 : i32
    %dma_wait3A_291 = tpu.memref_slice %arg13[%dma_wait3A_289, %dma_wait3A_290] : memref<2x128xi32, #tpu.memory_space<vmem>> -> memref<1x128xi32, #tpu.memory_space<vmem>>
    %dma_wait3A_292 = tpu.memref_squeeze %dma_wait3A_291 : memref<1x128xi32, #tpu.memory_space<vmem>> -> memref<128xi32, #tpu.memory_space<vmem>>
    %dma_wait3A_293 = arith.constant 0 : i32
    %dma_wait3A_294 = tpu.memref_slice %arg3[%dma_wait3A_293] : memref<100000xi32, #tpu.memory_space<hbm>> -> memref<128xi32, #tpu.memory_space<hbm>>
    %dma_wait3A_295 = arith.constant 0 : i32
    %dma_wait3A_296 = tpu.memref_slice %arg13[%dma_wait3A_289, %dma_wait3A_295] : memref<2x128xi32, #tpu.memory_space<vmem>> -> memref<1x128xi32, #tpu.memory_space<vmem>>
    %dma_wait3A_297 = tpu.memref_squeeze %dma_wait3A_296 : memref<1x128xi32, #tpu.memory_space<vmem>> -> memref<128xi32, #tpu.memory_space<vmem>>
    %dma_wait3A_298 = arith.constant 0 : i32
    %dma_wait3A_299 = tpu.memref_slice %arg3[%dma_wait3A_298] : memref<100000xi32, #tpu.memory_space<hbm>> -> memref<128xi32, #tpu.memory_space<hbm>>
    tpu.wait_dma2 semaphore(%arg24 : memref<!tpu.dma_semaphore, #tpu.memory_space<semaphore_mem>>) src(%dma_wait3A_299 : memref<128xi32, #tpu.memory_space<hbm>>) dst(%dma_wait3A_297 : memref<128xi32, #tpu.memory_space<vmem>>)
    %dma_wait3A_300 = arith.constant 1 : i32
    %dma_wait3A_301 = arith.constant 0 : i32
    %dma_wait3A_302 = tpu.memref_slice %arg13[%dma_wait3A_300, %dma_wait3A_301] : memref<2x128xi32, #tpu.memory_space<vmem>> -> memref<1x128xi32, #tpu.memory_space<vmem>>
    %dma_wait3A_303 = tpu.memref_squeeze %dma_wait3A_302 : memref<1x128xi32, #tpu.memory_space<vmem>> -> memref<128xi32, #tpu.memory_space<vmem>>
    %dma_wait3A_304 = arith.constant 0 : i32
    %dma_wait3A_305 = tpu.memref_slice %arg3[%dma_wait3A_304] : memref<100000xi32, #tpu.memory_space<hbm>> -> memref<128xi32, #tpu.memory_space<hbm>>
    %dma_wait3A_306 = arith.constant 0 : i32
    %dma_wait3A_307 = tpu.memref_slice %arg13[%dma_wait3A_300, %dma_wait3A_306] : memref<2x128xi32, #tpu.memory_space<vmem>> -> memref<1x128xi32, #tpu.memory_space<vmem>>
    %dma_wait3A_308 = tpu.memref_squeeze %dma_wait3A_307 : memref<1x128xi32, #tpu.memory_space<vmem>> -> memref<128xi32, #tpu.memory_space<vmem>>
    %dma_wait3A_309 = arith.constant 0 : i32
    %dma_wait3A_310 = tpu.memref_slice %arg3[%dma_wait3A_309] : memref<100000xi32, #tpu.memory_space<hbm>> -> memref<128xi32, #tpu.memory_space<hbm>>
    tpu.wait_dma2 semaphore(%arg24 : memref<!tpu.dma_semaphore, #tpu.memory_space<semaphore_mem>>) src(%dma_wait3A_310 : memref<128xi32, #tpu.memory_space<hbm>>) dst(%dma_wait3A_308 : memref<128xi32, #tpu.memory_space<vmem>>)
    %dma_start3A_311 = arith.constant 0 : i32
    %dma_start3A_312 = arith.constant 0 : i32
    %dma_start3A_313 = arith.constant 0 : i32
    %dma_start3A_314 = tpu.memref_slice %arg7[%dma_start3A_312, %dma_start3A_313] : memref<256x64xf32, #tpu.memory_space<vmem>> -> memref<128x64xf32, #tpu.memory_space<vmem>>
    %dma_start3A_315 = arith.constant 0 : i32
    %dma_start3A_316 = tpu.memref_slice %arg13[%dma_start3A_311, %dma_start3A_315] : memref<2x128xi32, #tpu.memory_space<vmem>> -> memref<1x128xi32, #tpu.memory_space<vmem>>
    %dma_start3A_317 = tpu.memref_squeeze %dma_start3A_316 : memref<1x128xi32, #tpu.memory_space<vmem>> -> memref<128xi32, #tpu.memory_space<vmem>>
    %dma_start3A_318 = arith.constant 0 : i32
    %dma_start3A_319 = arith.constant 0 : i32
    %dma_start3A_320 = tpu.memref_slice %arg21[%dma_start3A_318, %dma_start3A_319] : memref<1024x64xf32, #tpu.memory_space<vmem_shared>> -> memref<1024x64xf32, #tpu.memory_space<vmem_shared>>
    tpu.enqueue_indirect_dma source(%dma_start3A_314 : memref<128x64xf32, #tpu.memory_space<vmem>>) target(%dma_start3A_320 : memref<1024x64xf32, #tpu.memory_space<vmem_shared>>) offsets(%dma_start3A_317 : memref<128xi32, #tpu.memory_space<vmem>>) semaphore(%arg30 : memref<!tpu.dma_semaphore, #tpu.memory_space<semaphore_mem>>) {add = true}
    %dma_start3A_321 = arith.constant 1 : i32
    %dma_start3A_322 = arith.constant 128 : i32
    %dma_start3A_323 = arith.constant 0 : i32
    %dma_start3A_324 = tpu.memref_slice %arg7[%dma_start3A_322, %dma_start3A_323] : memref<256x64xf32, #tpu.memory_space<vmem>> -> memref<128x64xf32, #tpu.memory_space<vmem>>
    %dma_start3A_325 = arith.constant 0 : i32
    %dma_start3A_326 = tpu.memref_slice %arg13[%dma_start3A_321, %dma_start3A_325] : memref<2x128xi32, #tpu.memory_space<vmem>> -> memref<1x128xi32, #tpu.memory_space<vmem>>
    %dma_start3A_327 = tpu.memref_squeeze %dma_start3A_326 : memref<1x128xi32, #tpu.memory_space<vmem>> -> memref<128xi32, #tpu.memory_space<vmem>>
    %dma_start3A_328 = arith.constant 0 : i32
    %dma_start3A_329 = arith.constant 0 : i32
    %dma_start3A_330 = tpu.memref_slice %arg21[%dma_start3A_328, %dma_start3A_329] : memref<1024x64xf32, #tpu.memory_space<vmem_shared>> -> memref<1024x64xf32, #tpu.memory_space<vmem_shared>>
    tpu.enqueue_indirect_dma source(%dma_start3A_324 : memref<128x64xf32, #tpu.memory_space<vmem>>) target(%dma_start3A_330 : memref<1024x64xf32, #tpu.memory_space<vmem_shared>>) offsets(%dma_start3A_327 : memref<128xi32, #tpu.memory_space<vmem>>) semaphore(%arg30 : memref<!tpu.dma_semaphore, #tpu.memory_space<semaphore_mem>>) {add = true}
    %dma_wait3A_331 = arith.constant 0 : i32
    %dma_wait3A_332 = arith.constant 0 : i32
    %dma_wait3A_333 = tpu.memref_slice %arg2[%dma_wait3A_331, %dma_wait3A_332] : memref<100000x128xf32, #tpu.memory_space<hbm>> -> memref<256x64xf32, #tpu.memory_space<hbm>>
    %dma_wait3A_334 = arith.constant 0 : i32
    %dma_wait3A_335 = arith.constant 0 : i32
    %dma_wait3A_336 = tpu.memref_slice %arg2[%dma_wait3A_334, %dma_wait3A_335] : memref<100000x128xf32, #tpu.memory_space<hbm>> -> memref<256x64xf32, #tpu.memory_space<hbm>>
    tpu.wait_dma2 semaphore(%arg25 : memref<!tpu.dma_semaphore, #tpu.memory_space<semaphore_mem>>) src(%dma_wait3A_336 : memref<256x64xf32, #tpu.memory_space<hbm>>) dst(%arg8 : memref<256x64xf32, #tpu.memory_space<vmem>>)
    %dma_wait3A_337 = arith.constant 0 : i32
    %dma_wait3A_338 = arith.constant 0 : i32
    %dma_wait3A_339 = tpu.memref_slice %arg14[%dma_wait3A_337, %dma_wait3A_338] : memref<2x128xi32, #tpu.memory_space<vmem>> -> memref<1x128xi32, #tpu.memory_space<vmem>>
    %dma_wait3A_340 = tpu.memref_squeeze %dma_wait3A_339 : memref<1x128xi32, #tpu.memory_space<vmem>> -> memref<128xi32, #tpu.memory_space<vmem>>
    %dma_wait3A_341 = arith.constant 0 : i32
    %dma_wait3A_342 = tpu.memref_slice %arg3[%dma_wait3A_341] : memref<100000xi32, #tpu.memory_space<hbm>> -> memref<128xi32, #tpu.memory_space<hbm>>
    %dma_wait3A_343 = arith.constant 0 : i32
    %dma_wait3A_344 = tpu.memref_slice %arg14[%dma_wait3A_337, %dma_wait3A_343] : memref<2x128xi32, #tpu.memory_space<vmem>> -> memref<1x128xi32, #tpu.memory_space<vmem>>
    %dma_wait3A_345 = tpu.memref_squeeze %dma_wait3A_344 : memref<1x128xi32, #tpu.memory_space<vmem>> -> memref<128xi32, #tpu.memory_space<vmem>>
    %dma_wait3A_346 = arith.constant 0 : i32
    %dma_wait3A_347 = tpu.memref_slice %arg3[%dma_wait3A_346] : memref<100000xi32, #tpu.memory_space<hbm>> -> memref<128xi32, #tpu.memory_space<hbm>>
    tpu.wait_dma2 semaphore(%arg25 : memref<!tpu.dma_semaphore, #tpu.memory_space<semaphore_mem>>) src(%dma_wait3A_347 : memref<128xi32, #tpu.memory_space<hbm>>) dst(%dma_wait3A_345 : memref<128xi32, #tpu.memory_space<vmem>>)
    %dma_wait3A_348 = arith.constant 1 : i32
    %dma_wait3A_349 = arith.constant 0 : i32
    %dma_wait3A_350 = tpu.memref_slice %arg14[%dma_wait3A_348, %dma_wait3A_349] : memref<2x128xi32, #tpu.memory_space<vmem>> -> memref<1x128xi32, #tpu.memory_space<vmem>>
    %dma_wait3A_351 = tpu.memref_squeeze %dma_wait3A_350 : memref<1x128xi32, #tpu.memory_space<vmem>> -> memref<128xi32, #tpu.memory_space<vmem>>
    %dma_wait3A_352 = arith.constant 0 : i32
    %dma_wait3A_353 = tpu.memref_slice %arg3[%dma_wait3A_352] : memref<100000xi32, #tpu.memory_space<hbm>> -> memref<128xi32, #tpu.memory_space<hbm>>
    %dma_wait3A_354 = arith.constant 0 : i32
    %dma_wait3A_355 = tpu.memref_slice %arg14[%dma_wait3A_348, %dma_wait3A_354] : memref<2x128xi32, #tpu.memory_space<vmem>> -> memref<1x128xi32, #tpu.memory_space<vmem>>
    %dma_wait3A_356 = tpu.memref_squeeze %dma_wait3A_355 : memref<1x128xi32, #tpu.memory_space<vmem>> -> memref<128xi32, #tpu.memory_space<vmem>>
    %dma_wait3A_357 = arith.constant 0 : i32
    %dma_wait3A_358 = tpu.memref_slice %arg3[%dma_wait3A_357] : memref<100000xi32, #tpu.memory_space<hbm>> -> memref<128xi32, #tpu.memory_space<hbm>>
    tpu.wait_dma2 semaphore(%arg25 : memref<!tpu.dma_semaphore, #tpu.memory_space<semaphore_mem>>) src(%dma_wait3A_358 : memref<128xi32, #tpu.memory_space<hbm>>) dst(%dma_wait3A_356 : memref<128xi32, #tpu.memory_space<vmem>>)
    %dma_start3A_359 = arith.constant 0 : i32
    %dma_start3A_360 = arith.constant 0 : i32
    %dma_start3A_361 = arith.constant 0 : i32
    %dma_start3A_362 = tpu.memref_slice %arg8[%dma_start3A_360, %dma_start3A_361] : memref<256x64xf32, #tpu.memory_space<vmem>> -> memref<128x64xf32, #tpu.memory_space<vmem>>
    %dma_start3A_363 = arith.constant 0 : i32
    %dma_start3A_364 = tpu.memref_slice %arg14[%dma_start3A_359, %dma_start3A_363] : memref<2x128xi32, #tpu.memory_space<vmem>> -> memref<1x128xi32, #tpu.memory_space<vmem>>
    %dma_start3A_365 = tpu.memref_squeeze %dma_start3A_364 : memref<1x128xi32, #tpu.memory_space<vmem>> -> memref<128xi32, #tpu.memory_space<vmem>>
    %dma_start3A_366 = arith.constant 0 : i32
    %dma_start3A_367 = arith.constant 0 : i32
    %dma_start3A_368 = tpu.memref_slice %arg21[%dma_start3A_366, %dma_start3A_367] : memref<1024x64xf32, #tpu.memory_space<vmem_shared>> -> memref<1024x64xf32, #tpu.memory_space<vmem_shared>>
    tpu.enqueue_indirect_dma source(%dma_start3A_362 : memref<128x64xf32, #tpu.memory_space<vmem>>) target(%dma_start3A_368 : memref<1024x64xf32, #tpu.memory_space<vmem_shared>>) offsets(%dma_start3A_365 : memref<128xi32, #tpu.memory_space<vmem>>) semaphore(%arg31 : memref<!tpu.dma_semaphore, #tpu.memory_space<semaphore_mem>>) {add = true}
    %dma_start3A_369 = arith.constant 1 : i32
    %dma_start3A_370 = arith.constant 128 : i32
    %dma_start3A_371 = arith.constant 0 : i32
    %dma_start3A_372 = tpu.memref_slice %arg8[%dma_start3A_370, %dma_start3A_371] : memref<256x64xf32, #tpu.memory_space<vmem>> -> memref<128x64xf32, #tpu.memory_space<vmem>>
    %dma_start3A_373 = arith.constant 0 : i32
    %dma_start3A_374 = tpu.memref_slice %arg14[%dma_start3A_369, %dma_start3A_373] : memref<2x128xi32, #tpu.memory_space<vmem>> -> memref<1x128xi32, #tpu.memory_space<vmem>>
    %dma_start3A_375 = tpu.memref_squeeze %dma_start3A_374 : memref<1x128xi32, #tpu.memory_space<vmem>> -> memref<128xi32, #tpu.memory_space<vmem>>
    %dma_start3A_376 = arith.constant 0 : i32
    %dma_start3A_377 = arith.constant 0 : i32
    %dma_start3A_378 = tpu.memref_slice %arg21[%dma_start3A_376, %dma_start3A_377] : memref<1024x64xf32, #tpu.memory_space<vmem_shared>> -> memref<1024x64xf32, #tpu.memory_space<vmem_shared>>
    tpu.enqueue_indirect_dma source(%dma_start3A_372 : memref<128x64xf32, #tpu.memory_space<vmem>>) target(%dma_start3A_378 : memref<1024x64xf32, #tpu.memory_space<vmem_shared>>) offsets(%dma_start3A_375 : memref<128xi32, #tpu.memory_space<vmem>>) semaphore(%arg31 : memref<!tpu.dma_semaphore, #tpu.memory_space<semaphore_mem>>) {add = true}
    %dma_wait3A_379 = arith.constant 0 : i32
    %dma_wait3A_380 = arith.constant 0 : i32
    %dma_wait3A_381 = tpu.memref_slice %arg2[%dma_wait3A_379, %dma_wait3A_380] : memref<100000x128xf32, #tpu.memory_space<hbm>> -> memref<256x64xf32, #tpu.memory_space<hbm>>
    %dma_wait3A_382 = arith.constant 0 : i32
    %dma_wait3A_383 = arith.constant 0 : i32
    %dma_wait3A_384 = tpu.memref_slice %arg2[%dma_wait3A_382, %dma_wait3A_383] : memref<100000x128xf32, #tpu.memory_space<hbm>> -> memref<256x64xf32, #tpu.memory_space<hbm>>
    tpu.wait_dma2 semaphore(%arg26 : memref<!tpu.dma_semaphore, #tpu.memory_space<semaphore_mem>>) src(%dma_wait3A_384 : memref<256x64xf32, #tpu.memory_space<hbm>>) dst(%arg9 : memref<256x64xf32, #tpu.memory_space<vmem>>)
    %dma_wait3A_385 = arith.constant 0 : i32
    %dma_wait3A_386 = arith.constant 0 : i32
    %dma_wait3A_387 = tpu.memref_slice %arg15[%dma_wait3A_385, %dma_wait3A_386] : memref<2x128xi32, #tpu.memory_space<vmem>> -> memref<1x128xi32, #tpu.memory_space<vmem>>
    %dma_wait3A_388 = tpu.memref_squeeze %dma_wait3A_387 : memref<1x128xi32, #tpu.memory_space<vmem>> -> memref<128xi32, #tpu.memory_space<vmem>>
    %dma_wait3A_389 = arith.constant 0 : i32
    %dma_wait3A_390 = tpu.memref_slice %arg3[%dma_wait3A_389] : memref<100000xi32, #tpu.memory_space<hbm>> -> memref<128xi32, #tpu.memory_space<hbm>>
    %dma_wait3A_391 = arith.constant 0 : i32
    %dma_wait3A_392 = tpu.memref_slice %arg15[%dma_wait3A_385, %dma_wait3A_391] : memref<2x128xi32, #tpu.memory_space<vmem>> -> memref<1x128xi32, #tpu.memory_space<vmem>>
    %dma_wait3A_393 = tpu.memref_squeeze %dma_wait3A_392 : memref<1x128xi32, #tpu.memory_space<vmem>> -> memref<128xi32, #tpu.memory_space<vmem>>
    %dma_wait3A_394 = arith.constant 0 : i32
    %dma_wait3A_395 = tpu.memref_slice %arg3[%dma_wait3A_394] : memref<100000xi32, #tpu.memory_space<hbm>> -> memref<128xi32, #tpu.memory_space<hbm>>
    tpu.wait_dma2 semaphore(%arg26 : memref<!tpu.dma_semaphore, #tpu.memory_space<semaphore_mem>>) src(%dma_wait3A_395 : memref<128xi32, #tpu.memory_space<hbm>>) dst(%dma_wait3A_393 : memref<128xi32, #tpu.memory_space<vmem>>)
    %dma_wait3A_396 = arith.constant 1 : i32
    %dma_wait3A_397 = arith.constant 0 : i32
    %dma_wait3A_398 = tpu.memref_slice %arg15[%dma_wait3A_396, %dma_wait3A_397] : memref<2x128xi32, #tpu.memory_space<vmem>> -> memref<1x128xi32, #tpu.memory_space<vmem>>
    %dma_wait3A_399 = tpu.memref_squeeze %dma_wait3A_398 : memref<1x128xi32, #tpu.memory_space<vmem>> -> memref<128xi32, #tpu.memory_space<vmem>>
    %dma_wait3A_400 = arith.constant 0 : i32
    %dma_wait3A_401 = tpu.memref_slice %arg3[%dma_wait3A_400] : memref<100000xi32, #tpu.memory_space<hbm>> -> memref<128xi32, #tpu.memory_space<hbm>>
    %dma_wait3A_402 = arith.constant 0 : i32
    %dma_wait3A_403 = tpu.memref_slice %arg15[%dma_wait3A_396, %dma_wait3A_402] : memref<2x128xi32, #tpu.memory_space<vmem>> -> memref<1x128xi32, #tpu.memory_space<vmem>>
    %dma_wait3A_404 = tpu.memref_squeeze %dma_wait3A_403 : memref<1x128xi32, #tpu.memory_space<vmem>> -> memref<128xi32, #tpu.memory_space<vmem>>
    %dma_wait3A_405 = arith.constant 0 : i32
    %dma_wait3A_406 = tpu.memref_slice %arg3[%dma_wait3A_405] : memref<100000xi32, #tpu.memory_space<hbm>> -> memref<128xi32, #tpu.memory_space<hbm>>
    tpu.wait_dma2 semaphore(%arg26 : memref<!tpu.dma_semaphore, #tpu.memory_space<semaphore_mem>>) src(%dma_wait3A_406 : memref<128xi32, #tpu.memory_space<hbm>>) dst(%dma_wait3A_404 : memref<128xi32, #tpu.memory_space<vmem>>)
    %dma_start3A_407 = arith.constant 0 : i32
    %dma_start3A_408 = arith.constant 0 : i32
    %dma_start3A_409 = arith.constant 0 : i32
    %dma_start3A_410 = tpu.memref_slice %arg9[%dma_start3A_408, %dma_start3A_409] : memref<256x64xf32, #tpu.memory_space<vmem>> -> memref<128x64xf32, #tpu.memory_space<vmem>>
    %dma_start3A_411 = arith.constant 0 : i32
    %dma_start3A_412 = tpu.memref_slice %arg15[%dma_start3A_407, %dma_start3A_411] : memref<2x128xi32, #tpu.memory_space<vmem>> -> memref<1x128xi32, #tpu.memory_space<vmem>>
    %dma_start3A_413 = tpu.memref_squeeze %dma_start3A_412 : memref<1x128xi32, #tpu.memory_space<vmem>> -> memref<128xi32, #tpu.memory_space<vmem>>
    %dma_start3A_414 = arith.constant 0 : i32
    %dma_start3A_415 = arith.constant 0 : i32
    %dma_start3A_416 = tpu.memref_slice %arg21[%dma_start3A_414, %dma_start3A_415] : memref<1024x64xf32, #tpu.memory_space<vmem_shared>> -> memref<1024x64xf32, #tpu.memory_space<vmem_shared>>
    tpu.enqueue_indirect_dma source(%dma_start3A_410 : memref<128x64xf32, #tpu.memory_space<vmem>>) target(%dma_start3A_416 : memref<1024x64xf32, #tpu.memory_space<vmem_shared>>) offsets(%dma_start3A_413 : memref<128xi32, #tpu.memory_space<vmem>>) semaphore(%arg32 : memref<!tpu.dma_semaphore, #tpu.memory_space<semaphore_mem>>) {add = true}
    %dma_start3A_417 = arith.constant 1 : i32
    %dma_start3A_418 = arith.constant 128 : i32
    %dma_start3A_419 = arith.constant 0 : i32
    %dma_start3A_420 = tpu.memref_slice %arg9[%dma_start3A_418, %dma_start3A_419] : memref<256x64xf32, #tpu.memory_space<vmem>> -> memref<128x64xf32, #tpu.memory_space<vmem>>
    %dma_start3A_421 = arith.constant 0 : i32
    %dma_start3A_422 = tpu.memref_slice %arg15[%dma_start3A_417, %dma_start3A_421] : memref<2x128xi32, #tpu.memory_space<vmem>> -> memref<1x128xi32, #tpu.memory_space<vmem>>
    %dma_start3A_423 = tpu.memref_squeeze %dma_start3A_422 : memref<1x128xi32, #tpu.memory_space<vmem>> -> memref<128xi32, #tpu.memory_space<vmem>>
    %dma_start3A_424 = arith.constant 0 : i32
    %dma_start3A_425 = arith.constant 0 : i32
    %dma_start3A_426 = tpu.memref_slice %arg21[%dma_start3A_424, %dma_start3A_425] : memref<1024x64xf32, #tpu.memory_space<vmem_shared>> -> memref<1024x64xf32, #tpu.memory_space<vmem_shared>>
    tpu.enqueue_indirect_dma source(%dma_start3A_420 : memref<128x64xf32, #tpu.memory_space<vmem>>) target(%dma_start3A_426 : memref<1024x64xf32, #tpu.memory_space<vmem_shared>>) offsets(%dma_start3A_423 : memref<128xi32, #tpu.memory_space<vmem>>) semaphore(%arg32 : memref<!tpu.dma_semaphore, #tpu.memory_space<semaphore_mem>>) {add = true}
    %dma_wait3A_427 = arith.constant 0 : i32
    %dma_wait3A_428 = arith.constant 0 : i32
    %dma_wait3A_429 = tpu.memref_slice %arg2[%dma_wait3A_427, %dma_wait3A_428] : memref<100000x128xf32, #tpu.memory_space<hbm>> -> memref<256x64xf32, #tpu.memory_space<hbm>>
    %dma_wait3A_430 = arith.constant 0 : i32
    %dma_wait3A_431 = arith.constant 0 : i32
    %dma_wait3A_432 = tpu.memref_slice %arg2[%dma_wait3A_430, %dma_wait3A_431] : memref<100000x128xf32, #tpu.memory_space<hbm>> -> memref<256x64xf32, #tpu.memory_space<hbm>>
    tpu.wait_dma2 semaphore(%arg27 : memref<!tpu.dma_semaphore, #tpu.memory_space<semaphore_mem>>) src(%dma_wait3A_432 : memref<256x64xf32, #tpu.memory_space<hbm>>) dst(%arg10 : memref<256x64xf32, #tpu.memory_space<vmem>>)
    %dma_wait3A_433 = arith.constant 0 : i32
    %dma_wait3A_434 = arith.constant 0 : i32
    %dma_wait3A_435 = tpu.memref_slice %arg16[%dma_wait3A_433, %dma_wait3A_434] : memref<2x128xi32, #tpu.memory_space<vmem>> -> memref<1x128xi32, #tpu.memory_space<vmem>>
    %dma_wait3A_436 = tpu.memref_squeeze %dma_wait3A_435 : memref<1x128xi32, #tpu.memory_space<vmem>> -> memref<128xi32, #tpu.memory_space<vmem>>
    %dma_wait3A_437 = arith.constant 0 : i32
    %dma_wait3A_438 = tpu.memref_slice %arg3[%dma_wait3A_437] : memref<100000xi32, #tpu.memory_space<hbm>> -> memref<128xi32, #tpu.memory_space<hbm>>
    %dma_wait3A_439 = arith.constant 0 : i32
    %dma_wait3A_440 = tpu.memref_slice %arg16[%dma_wait3A_433, %dma_wait3A_439] : memref<2x128xi32, #tpu.memory_space<vmem>> -> memref<1x128xi32, #tpu.memory_space<vmem>>
    %dma_wait3A_441 = tpu.memref_squeeze %dma_wait3A_440 : memref<1x128xi32, #tpu.memory_space<vmem>> -> memref<128xi32, #tpu.memory_space<vmem>>
    %dma_wait3A_442 = arith.constant 0 : i32
    %dma_wait3A_443 = tpu.memref_slice %arg3[%dma_wait3A_442] : memref<100000xi32, #tpu.memory_space<hbm>> -> memref<128xi32, #tpu.memory_space<hbm>>
    tpu.wait_dma2 semaphore(%arg27 : memref<!tpu.dma_semaphore, #tpu.memory_space<semaphore_mem>>) src(%dma_wait3A_443 : memref<128xi32, #tpu.memory_space<hbm>>) dst(%dma_wait3A_441 : memref<128xi32, #tpu.memory_space<vmem>>)
    %dma_wait3A_444 = arith.constant 1 : i32
    %dma_wait3A_445 = arith.constant 0 : i32
    %dma_wait3A_446 = tpu.memref_slice %arg16[%dma_wait3A_444, %dma_wait3A_445] : memref<2x128xi32, #tpu.memory_space<vmem>> -> memref<1x128xi32, #tpu.memory_space<vmem>>
    %dma_wait3A_447 = tpu.memref_squeeze %dma_wait3A_446 : memref<1x128xi32, #tpu.memory_space<vmem>> -> memref<128xi32, #tpu.memory_space<vmem>>
    %dma_wait3A_448 = arith.constant 0 : i32
    %dma_wait3A_449 = tpu.memref_slice %arg3[%dma_wait3A_448] : memref<100000xi32, #tpu.memory_space<hbm>> -> memref<128xi32, #tpu.memory_space<hbm>>
    %dma_wait3A_450 = arith.constant 0 : i32
    %dma_wait3A_451 = tpu.memref_slice %arg16[%dma_wait3A_444, %dma_wait3A_450] : memref<2x128xi32, #tpu.memory_space<vmem>> -> memref<1x128xi32, #tpu.memory_space<vmem>>
    %dma_wait3A_452 = tpu.memref_squeeze %dma_wait3A_451 : memref<1x128xi32, #tpu.memory_space<vmem>> -> memref<128xi32, #tpu.memory_space<vmem>>
    %dma_wait3A_453 = arith.constant 0 : i32
    %dma_wait3A_454 = tpu.memref_slice %arg3[%dma_wait3A_453] : memref<100000xi32, #tpu.memory_space<hbm>> -> memref<128xi32, #tpu.memory_space<hbm>>
    tpu.wait_dma2 semaphore(%arg27 : memref<!tpu.dma_semaphore, #tpu.memory_space<semaphore_mem>>) src(%dma_wait3A_454 : memref<128xi32, #tpu.memory_space<hbm>>) dst(%dma_wait3A_452 : memref<128xi32, #tpu.memory_space<vmem>>)
    %dma_start3A_455 = arith.constant 0 : i32
    %dma_start3A_456 = arith.constant 0 : i32
    %dma_start3A_457 = arith.constant 0 : i32
    %dma_start3A_458 = tpu.memref_slice %arg10[%dma_start3A_456, %dma_start3A_457] : memref<256x64xf32, #tpu.memory_space<vmem>> -> memref<128x64xf32, #tpu.memory_space<vmem>>
    %dma_start3A_459 = arith.constant 0 : i32
    %dma_start3A_460 = tpu.memref_slice %arg16[%dma_start3A_455, %dma_start3A_459] : memref<2x128xi32, #tpu.memory_space<vmem>> -> memref<1x128xi32, #tpu.memory_space<vmem>>
    %dma_start3A_461 = tpu.memref_squeeze %dma_start3A_460 : memref<1x128xi32, #tpu.memory_space<vmem>> -> memref<128xi32, #tpu.memory_space<vmem>>
    %dma_start3A_462 = arith.constant 0 : i32
    %dma_start3A_463 = arith.constant 0 : i32
    %dma_start3A_464 = tpu.memref_slice %arg21[%dma_start3A_462, %dma_start3A_463] : memref<1024x64xf32, #tpu.memory_space<vmem_shared>> -> memref<1024x64xf32, #tpu.memory_space<vmem_shared>>
    tpu.enqueue_indirect_dma source(%dma_start3A_458 : memref<128x64xf32, #tpu.memory_space<vmem>>) target(%dma_start3A_464 : memref<1024x64xf32, #tpu.memory_space<vmem_shared>>) offsets(%dma_start3A_461 : memref<128xi32, #tpu.memory_space<vmem>>) semaphore(%arg33 : memref<!tpu.dma_semaphore, #tpu.memory_space<semaphore_mem>>) {add = true}
    %dma_start3A_465 = arith.constant 1 : i32
    %dma_start3A_466 = arith.constant 128 : i32
    %dma_start3A_467 = arith.constant 0 : i32
    %dma_start3A_468 = tpu.memref_slice %arg10[%dma_start3A_466, %dma_start3A_467] : memref<256x64xf32, #tpu.memory_space<vmem>> -> memref<128x64xf32, #tpu.memory_space<vmem>>
    %dma_start3A_469 = arith.constant 0 : i32
    %dma_start3A_470 = tpu.memref_slice %arg16[%dma_start3A_465, %dma_start3A_469] : memref<2x128xi32, #tpu.memory_space<vmem>> -> memref<1x128xi32, #tpu.memory_space<vmem>>
    %dma_start3A_471 = tpu.memref_squeeze %dma_start3A_470 : memref<1x128xi32, #tpu.memory_space<vmem>> -> memref<128xi32, #tpu.memory_space<vmem>>
    %dma_start3A_472 = arith.constant 0 : i32
    %dma_start3A_473 = arith.constant 0 : i32
    %dma_start3A_474 = tpu.memref_slice %arg21[%dma_start3A_472, %dma_start3A_473] : memref<1024x64xf32, #tpu.memory_space<vmem_shared>> -> memref<1024x64xf32, #tpu.memory_space<vmem_shared>>
    tpu.enqueue_indirect_dma source(%dma_start3A_468 : memref<128x64xf32, #tpu.memory_space<vmem>>) target(%dma_start3A_474 : memref<1024x64xf32, #tpu.memory_space<vmem_shared>>) offsets(%dma_start3A_471 : memref<128xi32, #tpu.memory_space<vmem>>) semaphore(%arg33 : memref<!tpu.dma_semaphore, #tpu.memory_space<semaphore_mem>>) {add = true}
    %dma_wait3A_475 = arith.constant 0 : i32
    %dma_wait3A_476 = arith.constant 0 : i32
    %dma_wait3A_477 = arith.constant 0 : i32
    %dma_wait3A_478 = tpu.memref_slice %arg5[%dma_wait3A_476, %dma_wait3A_477] : memref<256x64xf32, #tpu.memory_space<vmem>> -> memref<128x64xf32, #tpu.memory_space<vmem>>
    %dma_wait3A_479 = arith.constant 0 : i32
    %dma_wait3A_480 = tpu.memref_slice %arg11[%dma_wait3A_475, %dma_wait3A_479] : memref<2x128xi32, #tpu.memory_space<vmem>> -> memref<1x128xi32, #tpu.memory_space<vmem>>
    %dma_wait3A_481 = tpu.memref_squeeze %dma_wait3A_480 : memref<1x128xi32, #tpu.memory_space<vmem>> -> memref<128xi32, #tpu.memory_space<vmem>>
    %dma_wait3A_482 = arith.constant 0 : i32
    %dma_wait3A_483 = arith.constant 0 : i32
    %dma_wait3A_484 = tpu.memref_slice %arg21[%dma_wait3A_482, %dma_wait3A_483] : memref<1024x64xf32, #tpu.memory_space<vmem_shared>> -> memref<1024x64xf32, #tpu.memory_space<vmem_shared>>
    tpu.wait_indirect_dma semaphore(%arg28 : memref<!tpu.dma_semaphore, #tpu.memory_space<semaphore_mem>>) src(%dma_wait3A_478 : memref<128x64xf32, #tpu.memory_space<vmem>>) dst(%dma_wait3A_484 : memref<1024x64xf32, #tpu.memory_space<vmem_shared>>)
    %dma_wait3A_485 = arith.constant 1 : i32
    %dma_wait3A_486 = arith.constant 128 : i32
    %dma_wait3A_487 = arith.constant 0 : i32
    %dma_wait3A_488 = tpu.memref_slice %arg5[%dma_wait3A_486, %dma_wait3A_487] : memref<256x64xf32, #tpu.memory_space<vmem>> -> memref<128x64xf32, #tpu.memory_space<vmem>>
    %dma_wait3A_489 = arith.constant 0 : i32
    %dma_wait3A_490 = tpu.memref_slice %arg11[%dma_wait3A_485, %dma_wait3A_489] : memref<2x128xi32, #tpu.memory_space<vmem>> -> memref<1x128xi32, #tpu.memory_space<vmem>>
    %dma_wait3A_491 = tpu.memref_squeeze %dma_wait3A_490 : memref<1x128xi32, #tpu.memory_space<vmem>> -> memref<128xi32, #tpu.memory_space<vmem>>
    %dma_wait3A_492 = arith.constant 0 : i32
    %dma_wait3A_493 = arith.constant 0 : i32
    %dma_wait3A_494 = tpu.memref_slice %arg21[%dma_wait3A_492, %dma_wait3A_493] : memref<1024x64xf32, #tpu.memory_space<vmem_shared>> -> memref<1024x64xf32, #tpu.memory_space<vmem_shared>>
    tpu.wait_indirect_dma semaphore(%arg28 : memref<!tpu.dma_semaphore, #tpu.memory_space<semaphore_mem>>) src(%dma_wait3A_488 : memref<128x64xf32, #tpu.memory_space<vmem>>) dst(%dma_wait3A_494 : memref<1024x64xf32, #tpu.memory_space<vmem_shared>>)
    %add3A_495 = arith.constant 6 : i32
    %add3A_496 = arith.addi %mul3A_2, %add3A_495 : i32
    %mul3A_497 = arith.constant 256 : i32
    %mul3A_498 = arith.muli %add3A_496, %mul3A_497 : i32
    %dma_start3A_499 = tpu.memref_slice %arg2[%mul3A_498, %mul3A_0] : memref<100000x128xf32, #tpu.memory_space<hbm>> -> memref<256x64xf32, #tpu.memory_space<hbm>>
    %dma_start3A_500 = tpu.memref_slice %arg2[%mul3A_498, %mul3A_0] : memref<100000x128xf32, #tpu.memory_space<hbm>> -> memref<256x64xf32, #tpu.memory_space<hbm>>
    tpu.enqueue_dma source(%dma_start3A_500 : memref<256x64xf32, #tpu.memory_space<hbm>>) target(%arg5 : memref<256x64xf32, #tpu.memory_space<vmem>>) target_semaphore(%arg22 : memref<!tpu.dma_semaphore, #tpu.memory_space<semaphore_mem>>)
    %add3A_501 = arith.constant 0 : i32
    %add3A_502 = arith.addi %mul3A_498, %add3A_501 : i32
    %dma_start3A_503 = arith.constant 0 : i32
    %dma_start3A_504 = arith.constant 0 : i32
    %dma_start3A_505 = tpu.memref_slice %arg11[%dma_start3A_503, %dma_start3A_504] : memref<2x128xi32, #tpu.memory_space<vmem>> -> memref<1x128xi32, #tpu.memory_space<vmem>>
    %dma_start3A_506 = tpu.memref_squeeze %dma_start3A_505 : memref<1x128xi32, #tpu.memory_space<vmem>> -> memref<128xi32, #tpu.memory_space<vmem>>
    %dma_start3A_507 = tpu.memref_slice %arg3[%add3A_502] : memref<100000xi32, #tpu.memory_space<hbm>> -> memref<128xi32, #tpu.memory_space<hbm>>
    %dma_start3A_508 = arith.constant 0 : i32
    %dma_start3A_509 = tpu.memref_slice %arg11[%dma_start3A_503, %dma_start3A_508] : memref<2x128xi32, #tpu.memory_space<vmem>> -> memref<1x128xi32, #tpu.memory_space<vmem>>
    %dma_start3A_510 = tpu.memref_squeeze %dma_start3A_509 : memref<1x128xi32, #tpu.memory_space<vmem>> -> memref<128xi32, #tpu.memory_space<vmem>>
    %dma_start3A_511 = tpu.memref_slice %arg3[%add3A_502] : memref<100000xi32, #tpu.memory_space<hbm>> -> memref<128xi32, #tpu.memory_space<hbm>>
    tpu.enqueue_dma source(%dma_start3A_511 : memref<128xi32, #tpu.memory_space<hbm>>) target(%dma_start3A_510 : memref<128xi32, #tpu.memory_space<vmem>>) target_semaphore(%arg22 : memref<!tpu.dma_semaphore, #tpu.memory_space<semaphore_mem>>)
    %add3A_512 = arith.constant 128 : i32
    %add3A_513 = arith.addi %mul3A_498, %add3A_512 : i32
    %dma_start3A_514 = arith.constant 1 : i32
    %dma_start3A_515 = arith.constant 0 : i32
    %dma_start3A_516 = tpu.memref_slice %arg11[%dma_start3A_514, %dma_start3A_515] : memref<2x128xi32, #tpu.memory_space<vmem>> -> memref<1x128xi32, #tpu.memory_space<vmem>>
    %dma_start3A_517 = tpu.memref_squeeze %dma_start3A_516 : memref<1x128xi32, #tpu.memory_space<vmem>> -> memref<128xi32, #tpu.memory_space<vmem>>
    %dma_start3A_518 = tpu.memref_slice %arg3[%add3A_513] : memref<100000xi32, #tpu.memory_space<hbm>> -> memref<128xi32, #tpu.memory_space<hbm>>
    %dma_start3A_519 = arith.constant 0 : i32
    %dma_start3A_520 = tpu.memref_slice %arg11[%dma_start3A_514, %dma_start3A_519] : memref<2x128xi32, #tpu.memory_space<vmem>> -> memref<1x128xi32, #tpu.memory_space<vmem>>
    %dma_start3A_521 = tpu.memref_squeeze %dma_start3A_520 : memref<1x128xi32, #tpu.memory_space<vmem>> -> memref<128xi32, #tpu.memory_space<vmem>>
    %dma_start3A_522 = tpu.memref_slice %arg3[%add3A_513] : memref<100000xi32, #tpu.memory_space<hbm>> -> memref<128xi32, #tpu.memory_space<hbm>>
    tpu.enqueue_dma source(%dma_start3A_522 : memref<128xi32, #tpu.memory_space<hbm>>) target(%dma_start3A_521 : memref<128xi32, #tpu.memory_space<vmem>>) target_semaphore(%arg22 : memref<!tpu.dma_semaphore, #tpu.memory_space<semaphore_mem>>)
    %dma_wait3A_523 = arith.constant 0 : i32
    %dma_wait3A_524 = arith.constant 0 : i32
    %dma_wait3A_525 = arith.constant 0 : i32
    %dma_wait3A_526 = tpu.memref_slice %arg6[%dma_wait3A_524, %dma_wait3A_525] : memref<256x64xf32, #tpu.memory_space<vmem>> -> memref<128x64xf32, #tpu.memory_space<vmem>>
    %dma_wait3A_527 = arith.constant 0 : i32
    %dma_wait3A_528 = tpu.memref_slice %arg12[%dma_wait3A_523, %dma_wait3A_527] : memref<2x128xi32, #tpu.memory_space<vmem>> -> memref<1x128xi32, #tpu.memory_space<vmem>>
    %dma_wait3A_529 = tpu.memref_squeeze %dma_wait3A_528 : memref<1x128xi32, #tpu.memory_space<vmem>> -> memref<128xi32, #tpu.memory_space<vmem>>
    %dma_wait3A_530 = arith.constant 0 : i32
    %dma_wait3A_531 = arith.constant 0 : i32
    %dma_wait3A_532 = tpu.memref_slice %arg21[%dma_wait3A_530, %dma_wait3A_531] : memref<1024x64xf32, #tpu.memory_space<vmem_shared>> -> memref<1024x64xf32, #tpu.memory_space<vmem_shared>>
    tpu.wait_indirect_dma semaphore(%arg29 : memref<!tpu.dma_semaphore, #tpu.memory_space<semaphore_mem>>) src(%dma_wait3A_526 : memref<128x64xf32, #tpu.memory_space<vmem>>) dst(%dma_wait3A_532 : memref<1024x64xf32, #tpu.memory_space<vmem_shared>>)
    %dma_wait3A_533 = arith.constant 1 : i32
    %dma_wait3A_534 = arith.constant 128 : i32
    %dma_wait3A_535 = arith.constant 0 : i32
    %dma_wait3A_536 = tpu.memref_slice %arg6[%dma_wait3A_534, %dma_wait3A_535] : memref<256x64xf32, #tpu.memory_space<vmem>> -> memref<128x64xf32, #tpu.memory_space<vmem>>
    %dma_wait3A_537 = arith.constant 0 : i32
    %dma_wait3A_538 = tpu.memref_slice %arg12[%dma_wait3A_533, %dma_wait3A_537] : memref<2x128xi32, #tpu.memory_space<vmem>> -> memref<1x128xi32, #tpu.memory_space<vmem>>
    %dma_wait3A_539 = tpu.memref_squeeze %dma_wait3A_538 : memref<1x128xi32, #tpu.memory_space<vmem>> -> memref<128xi32, #tpu.memory_space<vmem>>
    %dma_wait3A_540 = arith.constant 0 : i32
    %dma_wait3A_541 = arith.constant 0 : i32
    %dma_wait3A_542 = tpu.memref_slice %arg21[%dma_wait3A_540, %dma_wait3A_541] : memref<1024x64xf32, #tpu.memory_space<vmem_shared>> -> memref<1024x64xf32, #tpu.memory_space<vmem_shared>>
    tpu.wait_indirect_dma semaphore(%arg29 : memref<!tpu.dma_semaphore, #tpu.memory_space<semaphore_mem>>) src(%dma_wait3A_536 : memref<128x64xf32, #tpu.memory_space<vmem>>) dst(%dma_wait3A_542 : memref<1024x64xf32, #tpu.memory_space<vmem_shared>>)
    %add3A_543 = arith.constant 7 : i32
    %add3A_544 = arith.addi %mul3A_2, %add3A_543 : i32
    %mul3A_545 = arith.constant 256 : i32
    %mul3A_546 = arith.muli %add3A_544, %mul3A_545 : i32
    %dma_start3A_547 = tpu.memref_slice %arg2[%mul3A_546, %mul3A_0] : memref<100000x128xf32, #tpu.memory_space<hbm>> -> memref<256x64xf32, #tpu.memory_space<hbm>>
    %dma_start3A_548 = tpu.memref_slice %arg2[%mul3A_546, %mul3A_0] : memref<100000x128xf32, #tpu.memory_space<hbm>> -> memref<256x64xf32, #tpu.memory_space<hbm>>
    tpu.enqueue_dma source(%dma_start3A_548 : memref<256x64xf32, #tpu.memory_space<hbm>>) target(%arg6 : memref<256x64xf32, #tpu.memory_space<vmem>>) target_semaphore(%arg23 : memref<!tpu.dma_semaphore, #tpu.memory_space<semaphore_mem>>)
    %add3A_549 = arith.constant 0 : i32
    %add3A_550 = arith.addi %mul3A_546, %add3A_549 : i32
    %dma_start3A_551 = arith.constant 0 : i32
    %dma_start3A_552 = arith.constant 0 : i32
    %dma_start3A_553 = tpu.memref_slice %arg12[%dma_start3A_551, %dma_start3A_552] : memref<2x128xi32, #tpu.memory_space<vmem>> -> memref<1x128xi32, #tpu.memory_space<vmem>>
    %dma_start3A_554 = tpu.memref_squeeze %dma_start3A_553 : memref<1x128xi32, #tpu.memory_space<vmem>> -> memref<128xi32, #tpu.memory_space<vmem>>
    %dma_start3A_555 = tpu.memref_slice %arg3[%add3A_550] : memref<100000xi32, #tpu.memory_space<hbm>> -> memref<128xi32, #tpu.memory_space<hbm>>
    %dma_start3A_556 = arith.constant 0 : i32
    %dma_start3A_557 = tpu.memref_slice %arg12[%dma_start3A_551, %dma_start3A_556] : memref<2x128xi32, #tpu.memory_space<vmem>> -> memref<1x128xi32, #tpu.memory_space<vmem>>
    %dma_start3A_558 = tpu.memref_squeeze %dma_start3A_557 : memref<1x128xi32, #tpu.memory_space<vmem>> -> memref<128xi32, #tpu.memory_space<vmem>>
    %dma_start3A_559 = tpu.memref_slice %arg3[%add3A_550] : memref<100000xi32, #tpu.memory_space<hbm>> -> memref<128xi32, #tpu.memory_space<hbm>>
    tpu.enqueue_dma source(%dma_start3A_559 : memref<128xi32, #tpu.memory_space<hbm>>) target(%dma_start3A_558 : memref<128xi32, #tpu.memory_space<vmem>>) target_semaphore(%arg23 : memref<!tpu.dma_semaphore, #tpu.memory_space<semaphore_mem>>)
    %add3A_560 = arith.constant 128 : i32
    %add3A_561 = arith.addi %mul3A_546, %add3A_560 : i32
    %dma_start3A_562 = arith.constant 1 : i32
    %dma_start3A_563 = arith.constant 0 : i32
    %dma_start3A_564 = tpu.memref_slice %arg12[%dma_start3A_562, %dma_start3A_563] : memref<2x128xi32, #tpu.memory_space<vmem>> -> memref<1x128xi32, #tpu.memory_space<vmem>>
    %dma_start3A_565 = tpu.memref_squeeze %dma_start3A_564 : memref<1x128xi32, #tpu.memory_space<vmem>> -> memref<128xi32, #tpu.memory_space<vmem>>
    %dma_start3A_566 = tpu.memref_slice %arg3[%add3A_561] : memref<100000xi32, #tpu.memory_space<hbm>> -> memref<128xi32, #tpu.memory_space<hbm>>
    %dma_start3A_567 = arith.constant 0 : i32
    %dma_start3A_568 = tpu.memref_slice %arg12[%dma_start3A_562, %dma_start3A_567] : memref<2x128xi32, #tpu.memory_space<vmem>> -> memref<1x128xi32, #tpu.memory_space<vmem>>
    %dma_start3A_569 = tpu.memref_squeeze %dma_start3A_568 : memref<1x128xi32, #tpu.memory_space<vmem>> -> memref<128xi32, #tpu.memory_space<vmem>>
    %dma_start3A_570 = tpu.memref_slice %arg3[%add3A_561] : memref<100000xi32, #tpu.memory_space<hbm>> -> memref<128xi32, #tpu.memory_space<hbm>>
    tpu.enqueue_dma source(%dma_start3A_570 : memref<128xi32, #tpu.memory_space<hbm>>) target(%dma_start3A_569 : memref<128xi32, #tpu.memory_space<vmem>>) target_semaphore(%arg23 : memref<!tpu.dma_semaphore, #tpu.memory_space<semaphore_mem>>)
    %dma_wait3A_571 = arith.constant 0 : i32
    %dma_wait3A_572 = arith.constant 0 : i32
    %dma_wait3A_573 = arith.constant 0 : i32
    %dma_wait3A_574 = tpu.memref_slice %arg7[%dma_wait3A_572, %dma_wait3A_573] : memref<256x64xf32, #tpu.memory_space<vmem>> -> memref<128x64xf32, #tpu.memory_space<vmem>>
    %dma_wait3A_575 = arith.constant 0 : i32
    %dma_wait3A_576 = tpu.memref_slice %arg13[%dma_wait3A_571, %dma_wait3A_575] : memref<2x128xi32, #tpu.memory_space<vmem>> -> memref<1x128xi32, #tpu.memory_space<vmem>>
    %dma_wait3A_577 = tpu.memref_squeeze %dma_wait3A_576 : memref<1x128xi32, #tpu.memory_space<vmem>> -> memref<128xi32, #tpu.memory_space<vmem>>
    %dma_wait3A_578 = arith.constant 0 : i32
    %dma_wait3A_579 = arith.constant 0 : i32
    %dma_wait3A_580 = tpu.memref_slice %arg21[%dma_wait3A_578, %dma_wait3A_579] : memref<1024x64xf32, #tpu.memory_space<vmem_shared>> -> memref<1024x64xf32, #tpu.memory_space<vmem_shared>>
    tpu.wait_indirect_dma semaphore(%arg30 : memref<!tpu.dma_semaphore, #tpu.memory_space<semaphore_mem>>) src(%dma_wait3A_574 : memref<128x64xf32, #tpu.memory_space<vmem>>) dst(%dma_wait3A_580 : memref<1024x64xf32, #tpu.memory_space<vmem_shared>>)
    %dma_wait3A_581 = arith.constant 1 : i32
    %dma_wait3A_582 = arith.constant 128 : i32
    %dma_wait3A_583 = arith.constant 0 : i32
    %dma_wait3A_584 = tpu.memref_slice %arg7[%dma_wait3A_582, %dma_wait3A_583] : memref<256x64xf32, #tpu.memory_space<vmem>> -> memref<128x64xf32, #tpu.memory_space<vmem>>
    %dma_wait3A_585 = arith.constant 0 : i32
    %dma_wait3A_586 = tpu.memref_slice %arg13[%dma_wait3A_581, %dma_wait3A_585] : memref<2x128xi32, #tpu.memory_space<vmem>> -> memref<1x128xi32, #tpu.memory_space<vmem>>
    %dma_wait3A_587 = tpu.memref_squeeze %dma_wait3A_586 : memref<1x128xi32, #tpu.memory_space<vmem>> -> memref<128xi32, #tpu.memory_space<vmem>>
    %dma_wait3A_588 = arith.constant 0 : i32
    %dma_wait3A_589 = arith.constant 0 : i32
    %dma_wait3A_590 = tpu.memref_slice %arg21[%dma_wait3A_588, %dma_wait3A_589] : memref<1024x64xf32, #tpu.memory_space<vmem_shared>> -> memref<1024x64xf32, #tpu.memory_space<vmem_shared>>
    tpu.wait_indirect_dma semaphore(%arg30 : memref<!tpu.dma_semaphore, #tpu.memory_space<semaphore_mem>>) src(%dma_wait3A_584 : memref<128x64xf32, #tpu.memory_space<vmem>>) dst(%dma_wait3A_590 : memref<1024x64xf32, #tpu.memory_space<vmem_shared>>)
    %add3A_591 = arith.constant 8 : i32
    %add3A_592 = arith.addi %mul3A_2, %add3A_591 : i32
    %mul3A_593 = arith.constant 256 : i32
    %mul3A_594 = arith.muli %add3A_592, %mul3A_593 : i32
    %dma_start3A_595 = tpu.memref_slice %arg2[%mul3A_594, %mul3A_0] : memref<100000x128xf32, #tpu.memory_space<hbm>> -> memref<256x64xf32, #tpu.memory_space<hbm>>
    %dma_start3A_596 = tpu.memref_slice %arg2[%mul3A_594, %mul3A_0] : memref<100000x128xf32, #tpu.memory_space<hbm>> -> memref<256x64xf32, #tpu.memory_space<hbm>>
    tpu.enqueue_dma source(%dma_start3A_596 : memref<256x64xf32, #tpu.memory_space<hbm>>) target(%arg7 : memref<256x64xf32, #tpu.memory_space<vmem>>) target_semaphore(%arg24 : memref<!tpu.dma_semaphore, #tpu.memory_space<semaphore_mem>>)
    %add3A_597 = arith.constant 0 : i32
    %add3A_598 = arith.addi %mul3A_594, %add3A_597 : i32
    %dma_start3A_599 = arith.constant 0 : i32
    %dma_start3A_600 = arith.constant 0 : i32
    %dma_start3A_601 = tpu.memref_slice %arg13[%dma_start3A_599, %dma_start3A_600] : memref<2x128xi32, #tpu.memory_space<vmem>> -> memref<1x128xi32, #tpu.memory_space<vmem>>
    %dma_start3A_602 = tpu.memref_squeeze %dma_start3A_601 : memref<1x128xi32, #tpu.memory_space<vmem>> -> memref<128xi32, #tpu.memory_space<vmem>>
    %dma_start3A_603 = tpu.memref_slice %arg3[%add3A_598] : memref<100000xi32, #tpu.memory_space<hbm>> -> memref<128xi32, #tpu.memory_space<hbm>>
    %dma_start3A_604 = arith.constant 0 : i32
    %dma_start3A_605 = tpu.memref_slice %arg13[%dma_start3A_599, %dma_start3A_604] : memref<2x128xi32, #tpu.memory_space<vmem>> -> memref<1x128xi32, #tpu.memory_space<vmem>>
    %dma_start3A_606 = tpu.memref_squeeze %dma_start3A_605 : memref<1x128xi32, #tpu.memory_space<vmem>> -> memref<128xi32, #tpu.memory_space<vmem>>
    %dma_start3A_607 = tpu.memref_slice %arg3[%add3A_598] : memref<100000xi32, #tpu.memory_space<hbm>> -> memref<128xi32, #tpu.memory_space<hbm>>
    tpu.enqueue_dma source(%dma_start3A_607 : memref<128xi32, #tpu.memory_space<hbm>>) target(%dma_start3A_606 : memref<128xi32, #tpu.memory_space<vmem>>) target_semaphore(%arg24 : memref<!tpu.dma_semaphore, #tpu.memory_space<semaphore_mem>>)
    %add3A_608 = arith.constant 128 : i32
    %add3A_609 = arith.addi %mul3A_594, %add3A_608 : i32
    %dma_start3A_610 = arith.constant 1 : i32
    %dma_start3A_611 = arith.constant 0 : i32
    %dma_start3A_612 = tpu.memref_slice %arg13[%dma_start3A_610, %dma_start3A_611] : memref<2x128xi32, #tpu.memory_space<vmem>> -> memref<1x128xi32, #tpu.memory_space<vmem>>
    %dma_start3A_613 = tpu.memref_squeeze %dma_start3A_612 : memref<1x128xi32, #tpu.memory_space<vmem>> -> memref<128xi32, #tpu.memory_space<vmem>>
    %dma_start3A_614 = tpu.memref_slice %arg3[%add3A_609] : memref<100000xi32, #tpu.memory_space<hbm>> -> memref<128xi32, #tpu.memory_space<hbm>>
    %dma_start3A_615 = arith.constant 0 : i32
    %dma_start3A_616 = tpu.memref_slice %arg13[%dma_start3A_610, %dma_start3A_615] : memref<2x128xi32, #tpu.memory_space<vmem>> -> memref<1x128xi32, #tpu.memory_space<vmem>>
    %dma_start3A_617 = tpu.memref_squeeze %dma_start3A_616 : memref<1x128xi32, #tpu.memory_space<vmem>> -> memref<128xi32, #tpu.memory_space<vmem>>
    %dma_start3A_618 = tpu.memref_slice %arg3[%add3A_609] : memref<100000xi32, #tpu.memory_space<hbm>> -> memref<128xi32, #tpu.memory_space<hbm>>
    tpu.enqueue_dma source(%dma_start3A_618 : memref<128xi32, #tpu.memory_space<hbm>>) target(%dma_start3A_617 : memref<128xi32, #tpu.memory_space<vmem>>) target_semaphore(%arg24 : memref<!tpu.dma_semaphore, #tpu.memory_space<semaphore_mem>>)
    %dma_wait3A_619 = arith.constant 0 : i32
    %dma_wait3A_620 = arith.constant 0 : i32
    %dma_wait3A_621 = arith.constant 0 : i32
    %dma_wait3A_622 = tpu.memref_slice %arg8[%dma_wait3A_620, %dma_wait3A_621] : memref<256x64xf32, #tpu.memory_space<vmem>> -> memref<128x64xf32, #tpu.memory_space<vmem>>
    %dma_wait3A_623 = arith.constant 0 : i32
    %dma_wait3A_624 = tpu.memref_slice %arg14[%dma_wait3A_619, %dma_wait3A_623] : memref<2x128xi32, #tpu.memory_space<vmem>> -> memref<1x128xi32, #tpu.memory_space<vmem>>
    %dma_wait3A_625 = tpu.memref_squeeze %dma_wait3A_624 : memref<1x128xi32, #tpu.memory_space<vmem>> -> memref<128xi32, #tpu.memory_space<vmem>>
    %dma_wait3A_626 = arith.constant 0 : i32
    %dma_wait3A_627 = arith.constant 0 : i32
    %dma_wait3A_628 = tpu.memref_slice %arg21[%dma_wait3A_626, %dma_wait3A_627] : memref<1024x64xf32, #tpu.memory_space<vmem_shared>> -> memref<1024x64xf32, #tpu.memory_space<vmem_shared>>
    tpu.wait_indirect_dma semaphore(%arg31 : memref<!tpu.dma_semaphore, #tpu.memory_space<semaphore_mem>>) src(%dma_wait3A_622 : memref<128x64xf32, #tpu.memory_space<vmem>>) dst(%dma_wait3A_628 : memref<1024x64xf32, #tpu.memory_space<vmem_shared>>)
    %dma_wait3A_629 = arith.constant 1 : i32
    %dma_wait3A_630 = arith.constant 128 : i32
    %dma_wait3A_631 = arith.constant 0 : i32
    %dma_wait3A_632 = tpu.memref_slice %arg8[%dma_wait3A_630, %dma_wait3A_631] : memref<256x64xf32, #tpu.memory_space<vmem>> -> memref<128x64xf32, #tpu.memory_space<vmem>>
    %dma_wait3A_633 = arith.constant 0 : i32
    %dma_wait3A_634 = tpu.memref_slice %arg14[%dma_wait3A_629, %dma_wait3A_633] : memref<2x128xi32, #tpu.memory_space<vmem>> -> memref<1x128xi32, #tpu.memory_space<vmem>>
    %dma_wait3A_635 = tpu.memref_squeeze %dma_wait3A_634 : memref<1x128xi32, #tpu.memory_space<vmem>> -> memref<128xi32, #tpu.memory_space<vmem>>
    %dma_wait3A_636 = arith.constant 0 : i32
    %dma_wait3A_637 = arith.constant 0 : i32
    %dma_wait3A_638 = tpu.memref_slice %arg21[%dma_wait3A_636, %dma_wait3A_637] : memref<1024x64xf32, #tpu.memory_space<vmem_shared>> -> memref<1024x64xf32, #tpu.memory_space<vmem_shared>>
    tpu.wait_indirect_dma semaphore(%arg31 : memref<!tpu.dma_semaphore, #tpu.memory_space<semaphore_mem>>) src(%dma_wait3A_632 : memref<128x64xf32, #tpu.memory_space<vmem>>) dst(%dma_wait3A_638 : memref<1024x64xf32, #tpu.memory_space<vmem_shared>>)
    %add3A_639 = arith.constant 9 : i32
    %add3A_640 = arith.addi %mul3A_2, %add3A_639 : i32
    %mul3A_641 = arith.constant 256 : i32
    %mul3A_642 = arith.muli %add3A_640, %mul3A_641 : i32
    %dma_start3A_643 = tpu.memref_slice %arg2[%mul3A_642, %mul3A_0] : memref<100000x128xf32, #tpu.memory_space<hbm>> -> memref<256x64xf32, #tpu.memory_space<hbm>>
    %dma_start3A_644 = tpu.memref_slice %arg2[%mul3A_642, %mul3A_0] : memref<100000x128xf32, #tpu.memory_space<hbm>> -> memref<256x64xf32, #tpu.memory_space<hbm>>
    tpu.enqueue_dma source(%dma_start3A_644 : memref<256x64xf32, #tpu.memory_space<hbm>>) target(%arg8 : memref<256x64xf32, #tpu.memory_space<vmem>>) target_semaphore(%arg25 : memref<!tpu.dma_semaphore, #tpu.memory_space<semaphore_mem>>)
    %add3A_645 = arith.constant 0 : i32
    %add3A_646 = arith.addi %mul3A_642, %add3A_645 : i32
    %dma_start3A_647 = arith.constant 0 : i32
    %dma_start3A_648 = arith.constant 0 : i32
    %dma_start3A_649 = tpu.memref_slice %arg14[%dma_start3A_647, %dma_start3A_648] : memref<2x128xi32, #tpu.memory_space<vmem>> -> memref<1x128xi32, #tpu.memory_space<vmem>>
    %dma_start3A_650 = tpu.memref_squeeze %dma_start3A_649 : memref<1x128xi32, #tpu.memory_space<vmem>> -> memref<128xi32, #tpu.memory_space<vmem>>
    %dma_start3A_651 = tpu.memref_slice %arg3[%add3A_646] : memref<100000xi32, #tpu.memory_space<hbm>> -> memref<128xi32, #tpu.memory_space<hbm>>
    %dma_start3A_652 = arith.constant 0 : i32
    %dma_start3A_653 = tpu.memref_slice %arg14[%dma_start3A_647, %dma_start3A_652] : memref<2x128xi32, #tpu.memory_space<vmem>> -> memref<1x128xi32, #tpu.memory_space<vmem>>
    %dma_start3A_654 = tpu.memref_squeeze %dma_start3A_653 : memref<1x128xi32, #tpu.memory_space<vmem>> -> memref<128xi32, #tpu.memory_space<vmem>>
    %dma_start3A_655 = tpu.memref_slice %arg3[%add3A_646] : memref<100000xi32, #tpu.memory_space<hbm>> -> memref<128xi32, #tpu.memory_space<hbm>>
    tpu.enqueue_dma source(%dma_start3A_655 : memref<128xi32, #tpu.memory_space<hbm>>) target(%dma_start3A_654 : memref<128xi32, #tpu.memory_space<vmem>>) target_semaphore(%arg25 : memref<!tpu.dma_semaphore, #tpu.memory_space<semaphore_mem>>)
    %add3A_656 = arith.constant 128 : i32
    %add3A_657 = arith.addi %mul3A_642, %add3A_656 : i32
    %dma_start3A_658 = arith.constant 1 : i32
    %dma_start3A_659 = arith.constant 0 : i32
    %dma_start3A_660 = tpu.memref_slice %arg14[%dma_start3A_658, %dma_start3A_659] : memref<2x128xi32, #tpu.memory_space<vmem>> -> memref<1x128xi32, #tpu.memory_space<vmem>>
    %dma_start3A_661 = tpu.memref_squeeze %dma_start3A_660 : memref<1x128xi32, #tpu.memory_space<vmem>> -> memref<128xi32, #tpu.memory_space<vmem>>
    %dma_start3A_662 = tpu.memref_slice %arg3[%add3A_657] : memref<100000xi32, #tpu.memory_space<hbm>> -> memref<128xi32, #tpu.memory_space<hbm>>
    %dma_start3A_663 = arith.constant 0 : i32
    %dma_start3A_664 = tpu.memref_slice %arg14[%dma_start3A_658, %dma_start3A_663] : memref<2x128xi32, #tpu.memory_space<vmem>> -> memref<1x128xi32, #tpu.memory_space<vmem>>
    %dma_start3A_665 = tpu.memref_squeeze %dma_start3A_664 : memref<1x128xi32, #tpu.memory_space<vmem>> -> memref<128xi32, #tpu.memory_space<vmem>>
    %dma_start3A_666 = tpu.memref_slice %arg3[%add3A_657] : memref<100000xi32, #tpu.memory_space<hbm>> -> memref<128xi32, #tpu.memory_space<hbm>>
    tpu.enqueue_dma source(%dma_start3A_666 : memref<128xi32, #tpu.memory_space<hbm>>) target(%dma_start3A_665 : memref<128xi32, #tpu.memory_space<vmem>>) target_semaphore(%arg25 : memref<!tpu.dma_semaphore, #tpu.memory_space<semaphore_mem>>)
    %dma_wait3A_667 = arith.constant 0 : i32
    %dma_wait3A_668 = arith.constant 0 : i32
    %dma_wait3A_669 = arith.constant 0 : i32
    %dma_wait3A_670 = tpu.memref_slice %arg9[%dma_wait3A_668, %dma_wait3A_669] : memref<256x64xf32, #tpu.memory_space<vmem>> -> memref<128x64xf32, #tpu.memory_space<vmem>>
    %dma_wait3A_671 = arith.constant 0 : i32
    %dma_wait3A_672 = tpu.memref_slice %arg15[%dma_wait3A_667, %dma_wait3A_671] : memref<2x128xi32, #tpu.memory_space<vmem>> -> memref<1x128xi32, #tpu.memory_space<vmem>>
    %dma_wait3A_673 = tpu.memref_squeeze %dma_wait3A_672 : memref<1x128xi32, #tpu.memory_space<vmem>> -> memref<128xi32, #tpu.memory_space<vmem>>
    %dma_wait3A_674 = arith.constant 0 : i32
    %dma_wait3A_675 = arith.constant 0 : i32
    %dma_wait3A_676 = tpu.memref_slice %arg21[%dma_wait3A_674, %dma_wait3A_675] : memref<1024x64xf32, #tpu.memory_space<vmem_shared>> -> memref<1024x64xf32, #tpu.memory_space<vmem_shared>>
    tpu.wait_indirect_dma semaphore(%arg32 : memref<!tpu.dma_semaphore, #tpu.memory_space<semaphore_mem>>) src(%dma_wait3A_670 : memref<128x64xf32, #tpu.memory_space<vmem>>) dst(%dma_wait3A_676 : memref<1024x64xf32, #tpu.memory_space<vmem_shared>>)
    %dma_wait3A_677 = arith.constant 1 : i32
    %dma_wait3A_678 = arith.constant 128 : i32
    %dma_wait3A_679 = arith.constant 0 : i32
    %dma_wait3A_680 = tpu.memref_slice %arg9[%dma_wait3A_678, %dma_wait3A_679] : memref<256x64xf32, #tpu.memory_space<vmem>> -> memref<128x64xf32, #tpu.memory_space<vmem>>
    %dma_wait3A_681 = arith.constant 0 : i32
    %dma_wait3A_682 = tpu.memref_slice %arg15[%dma_wait3A_677, %dma_wait3A_681] : memref<2x128xi32, #tpu.memory_space<vmem>> -> memref<1x128xi32, #tpu.memory_space<vmem>>
    %dma_wait3A_683 = tpu.memref_squeeze %dma_wait3A_682 : memref<1x128xi32, #tpu.memory_space<vmem>> -> memref<128xi32, #tpu.memory_space<vmem>>
    %dma_wait3A_684 = arith.constant 0 : i32
    %dma_wait3A_685 = arith.constant 0 : i32
    %dma_wait3A_686 = tpu.memref_slice %arg21[%dma_wait3A_684, %dma_wait3A_685] : memref<1024x64xf32, #tpu.memory_space<vmem_shared>> -> memref<1024x64xf32, #tpu.memory_space<vmem_shared>>
    tpu.wait_indirect_dma semaphore(%arg32 : memref<!tpu.dma_semaphore, #tpu.memory_space<semaphore_mem>>) src(%dma_wait3A_680 : memref<128x64xf32, #tpu.memory_space<vmem>>) dst(%dma_wait3A_686 : memref<1024x64xf32, #tpu.memory_space<vmem_shared>>)
    %add3A_687 = arith.constant 10 : i32
    %add3A_688 = arith.addi %mul3A_2, %add3A_687 : i32
    %mul3A_689 = arith.constant 256 : i32
    %mul3A_690 = arith.muli %add3A_688, %mul3A_689 : i32
    %dma_start3A_691 = tpu.memref_slice %arg2[%mul3A_690, %mul3A_0] : memref<100000x128xf32, #tpu.memory_space<hbm>> -> memref<256x64xf32, #tpu.memory_space<hbm>>
    %dma_start3A_692 = tpu.memref_slice %arg2[%mul3A_690, %mul3A_0] : memref<100000x128xf32, #tpu.memory_space<hbm>> -> memref<256x64xf32, #tpu.memory_space<hbm>>
    tpu.enqueue_dma source(%dma_start3A_692 : memref<256x64xf32, #tpu.memory_space<hbm>>) target(%arg9 : memref<256x64xf32, #tpu.memory_space<vmem>>) target_semaphore(%arg26 : memref<!tpu.dma_semaphore, #tpu.memory_space<semaphore_mem>>)
    %add3A_693 = arith.constant 0 : i32
    %add3A_694 = arith.addi %mul3A_690, %add3A_693 : i32
    %dma_start3A_695 = arith.constant 0 : i32
    %dma_start3A_696 = arith.constant 0 : i32
    %dma_start3A_697 = tpu.memref_slice %arg15[%dma_start3A_695, %dma_start3A_696] : memref<2x128xi32, #tpu.memory_space<vmem>> -> memref<1x128xi32, #tpu.memory_space<vmem>>
    %dma_start3A_698 = tpu.memref_squeeze %dma_start3A_697 : memref<1x128xi32, #tpu.memory_space<vmem>> -> memref<128xi32, #tpu.memory_space<vmem>>
    %dma_start3A_699 = tpu.memref_slice %arg3[%add3A_694] : memref<100000xi32, #tpu.memory_space<hbm>> -> memref<128xi32, #tpu.memory_space<hbm>>
    %dma_start3A_700 = arith.constant 0 : i32
    %dma_start3A_701 = tpu.memref_slice %arg15[%dma_start3A_695, %dma_start3A_700] : memref<2x128xi32, #tpu.memory_space<vmem>> -> memref<1x128xi32, #tpu.memory_space<vmem>>
    %dma_start3A_702 = tpu.memref_squeeze %dma_start3A_701 : memref<1x128xi32, #tpu.memory_space<vmem>> -> memref<128xi32, #tpu.memory_space<vmem>>
    %dma_start3A_703 = tpu.memref_slice %arg3[%add3A_694] : memref<100000xi32, #tpu.memory_space<hbm>> -> memref<128xi32, #tpu.memory_space<hbm>>
    tpu.enqueue_dma source(%dma_start3A_703 : memref<128xi32, #tpu.memory_space<hbm>>) target(%dma_start3A_702 : memref<128xi32, #tpu.memory_space<vmem>>) target_semaphore(%arg26 : memref<!tpu.dma_semaphore, #tpu.memory_space<semaphore_mem>>)
    %add3A_704 = arith.constant 128 : i32
    %add3A_705 = arith.addi %mul3A_690, %add3A_704 : i32
    %dma_start3A_706 = arith.constant 1 : i32
    %dma_start3A_707 = arith.constant 0 : i32
    %dma_start3A_708 = tpu.memref_slice %arg15[%dma_start3A_706, %dma_start3A_707] : memref<2x128xi32, #tpu.memory_space<vmem>> -> memref<1x128xi32, #tpu.memory_space<vmem>>
    %dma_start3A_709 = tpu.memref_squeeze %dma_start3A_708 : memref<1x128xi32, #tpu.memory_space<vmem>> -> memref<128xi32, #tpu.memory_space<vmem>>
    %dma_start3A_710 = tpu.memref_slice %arg3[%add3A_705] : memref<100000xi32, #tpu.memory_space<hbm>> -> memref<128xi32, #tpu.memory_space<hbm>>
    %dma_start3A_711 = arith.constant 0 : i32
    %dma_start3A_712 = tpu.memref_slice %arg15[%dma_start3A_706, %dma_start3A_711] : memref<2x128xi32, #tpu.memory_space<vmem>> -> memref<1x128xi32, #tpu.memory_space<vmem>>
    %dma_start3A_713 = tpu.memref_squeeze %dma_start3A_712 : memref<1x128xi32, #tpu.memory_space<vmem>> -> memref<128xi32, #tpu.memory_space<vmem>>
    %dma_start3A_714 = tpu.memref_slice %arg3[%add3A_705] : memref<100000xi32, #tpu.memory_space<hbm>> -> memref<128xi32, #tpu.memory_space<hbm>>
    tpu.enqueue_dma source(%dma_start3A_714 : memref<128xi32, #tpu.memory_space<hbm>>) target(%dma_start3A_713 : memref<128xi32, #tpu.memory_space<vmem>>) target_semaphore(%arg26 : memref<!tpu.dma_semaphore, #tpu.memory_space<semaphore_mem>>)
    %dma_wait3A_715 = arith.constant 0 : i32
    %dma_wait3A_716 = arith.constant 0 : i32
    %dma_wait3A_717 = arith.constant 0 : i32
    %dma_wait3A_718 = tpu.memref_slice %arg10[%dma_wait3A_716, %dma_wait3A_717] : memref<256x64xf32, #tpu.memory_space<vmem>> -> memref<128x64xf32, #tpu.memory_space<vmem>>
    %dma_wait3A_719 = arith.constant 0 : i32
    %dma_wait3A_720 = tpu.memref_slice %arg16[%dma_wait3A_715, %dma_wait3A_719] : memref<2x128xi32, #tpu.memory_space<vmem>> -> memref<1x128xi32, #tpu.memory_space<vmem>>
    %dma_wait3A_721 = tpu.memref_squeeze %dma_wait3A_720 : memref<1x128xi32, #tpu.memory_space<vmem>> -> memref<128xi32, #tpu.memory_space<vmem>>
    %dma_wait3A_722 = arith.constant 0 : i32
    %dma_wait3A_723 = arith.constant 0 : i32
    %dma_wait3A_724 = tpu.memref_slice %arg21[%dma_wait3A_722, %dma_wait3A_723] : memref<1024x64xf32, #tpu.memory_space<vmem_shared>> -> memref<1024x64xf32, #tpu.memory_space<vmem_shared>>
    tpu.wait_indirect_dma semaphore(%arg33 : memref<!tpu.dma_semaphore, #tpu.memory_space<semaphore_mem>>) src(%dma_wait3A_718 : memref<128x64xf32, #tpu.memory_space<vmem>>) dst(%dma_wait3A_724 : memref<1024x64xf32, #tpu.memory_space<vmem_shared>>)
    %dma_wait3A_725 = arith.constant 1 : i32
    %dma_wait3A_726 = arith.constant 128 : i32
    %dma_wait3A_727 = arith.constant 0 : i32
    %dma_wait3A_728 = tpu.memref_slice %arg10[%dma_wait3A_726, %dma_wait3A_727] : memref<256x64xf32, #tpu.memory_space<vmem>> -> memref<128x64xf32, #tpu.memory_space<vmem>>
    %dma_wait3A_729 = arith.constant 0 : i32
    %dma_wait3A_730 = tpu.memref_slice %arg16[%dma_wait3A_725, %dma_wait3A_729] : memref<2x128xi32, #tpu.memory_space<vmem>> -> memref<1x128xi32, #tpu.memory_space<vmem>>
    %dma_wait3A_731 = tpu.memref_squeeze %dma_wait3A_730 : memref<1x128xi32, #tpu.memory_space<vmem>> -> memref<128xi32, #tpu.memory_space<vmem>>
    %dma_wait3A_732 = arith.constant 0 : i32
    %dma_wait3A_733 = arith.constant 0 : i32
    %dma_wait3A_734 = tpu.memref_slice %arg21[%dma_wait3A_732, %dma_wait3A_733] : memref<1024x64xf32, #tpu.memory_space<vmem_shared>> -> memref<1024x64xf32, #tpu.memory_space<vmem_shared>>
    tpu.wait_indirect_dma semaphore(%arg33 : memref<!tpu.dma_semaphore, #tpu.memory_space<semaphore_mem>>) src(%dma_wait3A_728 : memref<128x64xf32, #tpu.memory_space<vmem>>) dst(%dma_wait3A_734 : memref<1024x64xf32, #tpu.memory_space<vmem_shared>>)
    %add3A_735 = arith.constant 11 : i32
    %add3A_736 = arith.addi %mul3A_2, %add3A_735 : i32
    %mul3A_737 = arith.constant 256 : i32
    %mul3A_738 = arith.muli %add3A_736, %mul3A_737 : i32
    %dma_start3A_739 = tpu.memref_slice %arg2[%mul3A_738, %mul3A_0] : memref<100000x128xf32, #tpu.memory_space<hbm>> -> memref<256x64xf32, #tpu.memory_space<hbm>>
    %dma_start3A_740 = tpu.memref_slice %arg2[%mul3A_738, %mul3A_0] : memref<100000x128xf32, #tpu.memory_space<hbm>> -> memref<256x64xf32, #tpu.memory_space<hbm>>
    tpu.enqueue_dma source(%dma_start3A_740 : memref<256x64xf32, #tpu.memory_space<hbm>>) target(%arg10 : memref<256x64xf32, #tpu.memory_space<vmem>>) target_semaphore(%arg27 : memref<!tpu.dma_semaphore, #tpu.memory_space<semaphore_mem>>)
    %add3A_741 = arith.constant 0 : i32
    %add3A_742 = arith.addi %mul3A_738, %add3A_741 : i32
    %dma_start3A_743 = arith.constant 0 : i32
    %dma_start3A_744 = arith.constant 0 : i32
    %dma_start3A_745 = tpu.memref_slice %arg16[%dma_start3A_743, %dma_start3A_744] : memref<2x128xi32, #tpu.memory_space<vmem>> -> memref<1x128xi32, #tpu.memory_space<vmem>>
    %dma_start3A_746 = tpu.memref_squeeze %dma_start3A_745 : memref<1x128xi32, #tpu.memory_space<vmem>> -> memref<128xi32, #tpu.memory_space<vmem>>
    %dma_start3A_747 = tpu.memref_slice %arg3[%add3A_742] : memref<100000xi32, #tpu.memory_space<hbm>> -> memref<128xi32, #tpu.memory_space<hbm>>
    %dma_start3A_748 = arith.constant 0 : i32
    %dma_start3A_749 = tpu.memref_slice %arg16[%dma_start3A_743, %dma_start3A_748] : memref<2x128xi32, #tpu.memory_space<vmem>> -> memref<1x128xi32, #tpu.memory_space<vmem>>
    %dma_start3A_750 = tpu.memref_squeeze %dma_start3A_749 : memref<1x128xi32, #tpu.memory_space<vmem>> -> memref<128xi32, #tpu.memory_space<vmem>>
    %dma_start3A_751 = tpu.memref_slice %arg3[%add3A_742] : memref<100000xi32, #tpu.memory_space<hbm>> -> memref<128xi32, #tpu.memory_space<hbm>>
    tpu.enqueue_dma source(%dma_start3A_751 : memref<128xi32, #tpu.memory_space<hbm>>) target(%dma_start3A_750 : memref<128xi32, #tpu.memory_space<vmem>>) target_semaphore(%arg27 : memref<!tpu.dma_semaphore, #tpu.memory_space<semaphore_mem>>)
    %add3A_752 = arith.constant 128 : i32
    %add3A_753 = arith.addi %mul3A_738, %add3A_752 : i32
    %dma_start3A_754 = arith.constant 1 : i32
    %dma_start3A_755 = arith.constant 0 : i32
    %dma_start3A_756 = tpu.memref_slice %arg16[%dma_start3A_754, %dma_start3A_755] : memref<2x128xi32, #tpu.memory_space<vmem>> -> memref<1x128xi32, #tpu.memory_space<vmem>>
    %dma_start3A_757 = tpu.memref_squeeze %dma_start3A_756 : memref<1x128xi32, #tpu.memory_space<vmem>> -> memref<128xi32, #tpu.memory_space<vmem>>
    %dma_start3A_758 = tpu.memref_slice %arg3[%add3A_753] : memref<100000xi32, #tpu.memory_space<hbm>> -> memref<128xi32, #tpu.memory_space<hbm>>
    %dma_start3A_759 = arith.constant 0 : i32
    %dma_start3A_760 = tpu.memref_slice %arg16[%dma_start3A_754, %dma_start3A_759] : memref<2x128xi32, #tpu.memory_space<vmem>> -> memref<1x128xi32, #tpu.memory_space<vmem>>
    %dma_start3A_761 = tpu.memref_squeeze %dma_start3A_760 : memref<1x128xi32, #tpu.memory_space<vmem>> -> memref<128xi32, #tpu.memory_space<vmem>>
    %dma_start3A_762 = tpu.memref_slice %arg3[%add3A_753] : memref<100000xi32, #tpu.memory_space<hbm>> -> memref<128xi32, #tpu.memory_space<hbm>>
    tpu.enqueue_dma source(%dma_start3A_762 : memref<128xi32, #tpu.memory_space<hbm>>) target(%dma_start3A_761 : memref<128xi32, #tpu.memory_space<vmem>>) target_semaphore(%arg27 : memref<!tpu.dma_semaphore, #tpu.memory_space<semaphore_mem>>)
    %dma_wait3A_763 = arith.constant 0 : i32
    %dma_wait3A_764 = arith.constant 0 : i32
    %dma_wait3A_765 = tpu.memref_slice %arg2[%dma_wait3A_763, %dma_wait3A_764] : memref<100000x128xf32, #tpu.memory_space<hbm>> -> memref<256x64xf32, #tpu.memory_space<hbm>>
    %dma_wait3A_766 = arith.constant 0 : i32
    %dma_wait3A_767 = arith.constant 0 : i32
    %dma_wait3A_768 = tpu.memref_slice %arg2[%dma_wait3A_766, %dma_wait3A_767] : memref<100000x128xf32, #tpu.memory_space<hbm>> -> memref<256x64xf32, #tpu.memory_space<hbm>>
    tpu.wait_dma2 semaphore(%arg22 : memref<!tpu.dma_semaphore, #tpu.memory_space<semaphore_mem>>) src(%dma_wait3A_768 : memref<256x64xf32, #tpu.memory_space<hbm>>) dst(%arg5 : memref<256x64xf32, #tpu.memory_space<vmem>>)
    %dma_wait3A_769 = arith.constant 0 : i32
    %dma_wait3A_770 = arith.constant 0 : i32
    %dma_wait3A_771 = tpu.memref_slice %arg11[%dma_wait3A_769, %dma_wait3A_770] : memref<2x128xi32, #tpu.memory_space<vmem>> -> memref<1x128xi32, #tpu.memory_space<vmem>>
    %dma_wait3A_772 = tpu.memref_squeeze %dma_wait3A_771 : memref<1x128xi32, #tpu.memory_space<vmem>> -> memref<128xi32, #tpu.memory_space<vmem>>
    %dma_wait3A_773 = arith.constant 0 : i32
    %dma_wait3A_774 = tpu.memref_slice %arg3[%dma_wait3A_773] : memref<100000xi32, #tpu.memory_space<hbm>> -> memref<128xi32, #tpu.memory_space<hbm>>
    %dma_wait3A_775 = arith.constant 0 : i32
    %dma_wait3A_776 = tpu.memref_slice %arg11[%dma_wait3A_769, %dma_wait3A_775] : memref<2x128xi32, #tpu.memory_space<vmem>> -> memref<1x128xi32, #tpu.memory_space<vmem>>
    %dma_wait3A_777 = tpu.memref_squeeze %dma_wait3A_776 : memref<1x128xi32, #tpu.memory_space<vmem>> -> memref<128xi32, #tpu.memory_space<vmem>>
    %dma_wait3A_778 = arith.constant 0 : i32
    %dma_wait3A_779 = tpu.memref_slice %arg3[%dma_wait3A_778] : memref<100000xi32, #tpu.memory_space<hbm>> -> memref<128xi32, #tpu.memory_space<hbm>>
    tpu.wait_dma2 semaphore(%arg22 : memref<!tpu.dma_semaphore, #tpu.memory_space<semaphore_mem>>) src(%dma_wait3A_779 : memref<128xi32, #tpu.memory_space<hbm>>) dst(%dma_wait3A_777 : memref<128xi32, #tpu.memory_space<vmem>>)
    %dma_wait3A_780 = arith.constant 1 : i32
    %dma_wait3A_781 = arith.constant 0 : i32
    %dma_wait3A_782 = tpu.memref_slice %arg11[%dma_wait3A_780, %dma_wait3A_781] : memref<2x128xi32, #tpu.memory_space<vmem>> -> memref<1x128xi32, #tpu.memory_space<vmem>>
    %dma_wait3A_783 = tpu.memref_squeeze %dma_wait3A_782 : memref<1x128xi32, #tpu.memory_space<vmem>> -> memref<128xi32, #tpu.memory_space<vmem>>
    %dma_wait3A_784 = arith.constant 0 : i32
    %dma_wait3A_785 = tpu.memref_slice %arg3[%dma_wait3A_784] : memref<100000xi32, #tpu.memory_space<hbm>> -> memref<128xi32, #tpu.memory_space<hbm>>
    %dma_wait3A_786 = arith.constant 0 : i32
    %dma_wait3A_787 = tpu.memref_slice %arg11[%dma_wait3A_780, %dma_wait3A_786] : memref<2x128xi32, #tpu.memory_space<vmem>> -> memref<1x128xi32, #tpu.memory_space<vmem>>
    %dma_wait3A_788 = tpu.memref_squeeze %dma_wait3A_787 : memref<1x128xi32, #tpu.memory_space<vmem>> -> memref<128xi32, #tpu.memory_space<vmem>>
    %dma_wait3A_789 = arith.constant 0 : i32
    %dma_wait3A_790 = tpu.memref_slice %arg3[%dma_wait3A_789] : memref<100000xi32, #tpu.memory_space<hbm>> -> memref<128xi32, #tpu.memory_space<hbm>>
    tpu.wait_dma2 semaphore(%arg22 : memref<!tpu.dma_semaphore, #tpu.memory_space<semaphore_mem>>) src(%dma_wait3A_790 : memref<128xi32, #tpu.memory_space<hbm>>) dst(%dma_wait3A_788 : memref<128xi32, #tpu.memory_space<vmem>>)
    %dma_start3A_791 = arith.constant 0 : i32
    %dma_start3A_792 = arith.constant 0 : i32
    %dma_start3A_793 = arith.constant 0 : i32
    %dma_start3A_794 = tpu.memref_slice %arg5[%dma_start3A_792, %dma_start3A_793] : memref<256x64xf32, #tpu.memory_space<vmem>> -> memref<128x64xf32, #tpu.memory_space<vmem>>
    %dma_start3A_795 = arith.constant 0 : i32
    %dma_start3A_796 = tpu.memref_slice %arg11[%dma_start3A_791, %dma_start3A_795] : memref<2x128xi32, #tpu.memory_space<vmem>> -> memref<1x128xi32, #tpu.memory_space<vmem>>
    %dma_start3A_797 = tpu.memref_squeeze %dma_start3A_796 : memref<1x128xi32, #tpu.memory_space<vmem>> -> memref<128xi32, #tpu.memory_space<vmem>>
    %dma_start3A_798 = arith.constant 0 : i32
    %dma_start3A_799 = arith.constant 0 : i32
    %dma_start3A_800 = tpu.memref_slice %arg21[%dma_start3A_798, %dma_start3A_799] : memref<1024x64xf32, #tpu.memory_space<vmem_shared>> -> memref<1024x64xf32, #tpu.memory_space<vmem_shared>>
    tpu.enqueue_indirect_dma source(%dma_start3A_794 : memref<128x64xf32, #tpu.memory_space<vmem>>) target(%dma_start3A_800 : memref<1024x64xf32, #tpu.memory_space<vmem_shared>>) offsets(%dma_start3A_797 : memref<128xi32, #tpu.memory_space<vmem>>) semaphore(%arg28 : memref<!tpu.dma_semaphore, #tpu.memory_space<semaphore_mem>>) {add = true}
    %dma_start3A_801 = arith.constant 1 : i32
    %dma_start3A_802 = arith.constant 128 : i32
    %dma_start3A_803 = arith.constant 0 : i32
    %dma_start3A_804 = tpu.memref_slice %arg5[%dma_start3A_802, %dma_start3A_803] : memref<256x64xf32, #tpu.memory_space<vmem>> -> memref<128x64xf32, #tpu.memory_space<vmem>>
    %dma_start3A_805 = arith.constant 0 : i32
    %dma_start3A_806 = tpu.memref_slice %arg11[%dma_start3A_801, %dma_start3A_805] : memref<2x128xi32, #tpu.memory_space<vmem>> -> memref<1x128xi32, #tpu.memory_space<vmem>>
    %dma_start3A_807 = tpu.memref_squeeze %dma_start3A_806 : memref<1x128xi32, #tpu.memory_space<vmem>> -> memref<128xi32, #tpu.memory_space<vmem>>
    %dma_start3A_808 = arith.constant 0 : i32
    %dma_start3A_809 = arith.constant 0 : i32
    %dma_start3A_810 = tpu.memref_slice %arg21[%dma_start3A_808, %dma_start3A_809] : memref<1024x64xf32, #tpu.memory_space<vmem_shared>> -> memref<1024x64xf32, #tpu.memory_space<vmem_shared>>
    tpu.enqueue_indirect_dma source(%dma_start3A_804 : memref<128x64xf32, #tpu.memory_space<vmem>>) target(%dma_start3A_810 : memref<1024x64xf32, #tpu.memory_space<vmem_shared>>) offsets(%dma_start3A_807 : memref<128xi32, #tpu.memory_space<vmem>>) semaphore(%arg28 : memref<!tpu.dma_semaphore, #tpu.memory_space<semaphore_mem>>) {add = true}
    %dma_wait3A_811 = arith.constant 0 : i32
    %dma_wait3A_812 = arith.constant 0 : i32
    %dma_wait3A_813 = tpu.memref_slice %arg2[%dma_wait3A_811, %dma_wait3A_812] : memref<100000x128xf32, #tpu.memory_space<hbm>> -> memref<256x64xf32, #tpu.memory_space<hbm>>
    %dma_wait3A_814 = arith.constant 0 : i32
    %dma_wait3A_815 = arith.constant 0 : i32
    %dma_wait3A_816 = tpu.memref_slice %arg2[%dma_wait3A_814, %dma_wait3A_815] : memref<100000x128xf32, #tpu.memory_space<hbm>> -> memref<256x64xf32, #tpu.memory_space<hbm>>
    tpu.wait_dma2 semaphore(%arg23 : memref<!tpu.dma_semaphore, #tpu.memory_space<semaphore_mem>>) src(%dma_wait3A_816 : memref<256x64xf32, #tpu.memory_space<hbm>>) dst(%arg6 : memref<256x64xf32, #tpu.memory_space<vmem>>)
    %dma_wait3A_817 = arith.constant 0 : i32
    %dma_wait3A_818 = arith.constant 0 : i32
    %dma_wait3A_819 = tpu.memref_slice %arg12[%dma_wait3A_817, %dma_wait3A_818] : memref<2x128xi32, #tpu.memory_space<vmem>> -> memref<1x128xi32, #tpu.memory_space<vmem>>
    %dma_wait3A_820 = tpu.memref_squeeze %dma_wait3A_819 : memref<1x128xi32, #tpu.memory_space<vmem>> -> memref<128xi32, #tpu.memory_space<vmem>>
    %dma_wait3A_821 = arith.constant 0 : i32
    %dma_wait3A_822 = tpu.memref_slice %arg3[%dma_wait3A_821] : memref<100000xi32, #tpu.memory_space<hbm>> -> memref<128xi32, #tpu.memory_space<hbm>>
    %dma_wait3A_823 = arith.constant 0 : i32
    %dma_wait3A_824 = tpu.memref_slice %arg12[%dma_wait3A_817, %dma_wait3A_823] : memref<2x128xi32, #tpu.memory_space<vmem>> -> memref<1x128xi32, #tpu.memory_space<vmem>>
    %dma_wait3A_825 = tpu.memref_squeeze %dma_wait3A_824 : memref<1x128xi32, #tpu.memory_space<vmem>> -> memref<128xi32, #tpu.memory_space<vmem>>
    %dma_wait3A_826 = arith.constant 0 : i32
    %dma_wait3A_827 = tpu.memref_slice %arg3[%dma_wait3A_826] : memref<100000xi32, #tpu.memory_space<hbm>> -> memref<128xi32, #tpu.memory_space<hbm>>
    tpu.wait_dma2 semaphore(%arg23 : memref<!tpu.dma_semaphore, #tpu.memory_space<semaphore_mem>>) src(%dma_wait3A_827 : memref<128xi32, #tpu.memory_space<hbm>>) dst(%dma_wait3A_825 : memref<128xi32, #tpu.memory_space<vmem>>)
    %dma_wait3A_828 = arith.constant 1 : i32
    %dma_wait3A_829 = arith.constant 0 : i32
    %dma_wait3A_830 = tpu.memref_slice %arg12[%dma_wait3A_828, %dma_wait3A_829] : memref<2x128xi32, #tpu.memory_space<vmem>> -> memref<1x128xi32, #tpu.memory_space<vmem>>
    %dma_wait3A_831 = tpu.memref_squeeze %dma_wait3A_830 : memref<1x128xi32, #tpu.memory_space<vmem>> -> memref<128xi32, #tpu.memory_space<vmem>>
    %dma_wait3A_832 = arith.constant 0 : i32
    %dma_wait3A_833 = tpu.memref_slice %arg3[%dma_wait3A_832] : memref<100000xi32, #tpu.memory_space<hbm>> -> memref<128xi32, #tpu.memory_space<hbm>>
    %dma_wait3A_834 = arith.constant 0 : i32
    %dma_wait3A_835 = tpu.memref_slice %arg12[%dma_wait3A_828, %dma_wait3A_834] : memref<2x128xi32, #tpu.memory_space<vmem>> -> memref<1x128xi32, #tpu.memory_space<vmem>>
    %dma_wait3A_836 = tpu.memref_squeeze %dma_wait3A_835 : memref<1x128xi32, #tpu.memory_space<vmem>> -> memref<128xi32, #tpu.memory_space<vmem>>
    %dma_wait3A_837 = arith.constant 0 : i32
    %dma_wait3A_838 = tpu.memref_slice %arg3[%dma_wait3A_837] : memref<100000xi32, #tpu.memory_space<hbm>> -> memref<128xi32, #tpu.memory_space<hbm>>
    tpu.wait_dma2 semaphore(%arg23 : memref<!tpu.dma_semaphore, #tpu.memory_space<semaphore_mem>>) src(%dma_wait3A_838 : memref<128xi32, #tpu.memory_space<hbm>>) dst(%dma_wait3A_836 : memref<128xi32, #tpu.memory_space<vmem>>)
    %dma_start3A_839 = arith.constant 0 : i32
    %dma_start3A_840 = arith.constant 0 : i32
    %dma_start3A_841 = arith.constant 0 : i32
    %dma_start3A_842 = tpu.memref_slice %arg6[%dma_start3A_840, %dma_start3A_841] : memref<256x64xf32, #tpu.memory_space<vmem>> -> memref<128x64xf32, #tpu.memory_space<vmem>>
    %dma_start3A_843 = arith.constant 0 : i32
    %dma_start3A_844 = tpu.memref_slice %arg12[%dma_start3A_839, %dma_start3A_843] : memref<2x128xi32, #tpu.memory_space<vmem>> -> memref<1x128xi32, #tpu.memory_space<vmem>>
    %dma_start3A_845 = tpu.memref_squeeze %dma_start3A_844 : memref<1x128xi32, #tpu.memory_space<vmem>> -> memref<128xi32, #tpu.memory_space<vmem>>
    %dma_start3A_846 = arith.constant 0 : i32
    %dma_start3A_847 = arith.constant 0 : i32
    %dma_start3A_848 = tpu.memref_slice %arg21[%dma_start3A_846, %dma_start3A_847] : memref<1024x64xf32, #tpu.memory_space<vmem_shared>> -> memref<1024x64xf32, #tpu.memory_space<vmem_shared>>
    tpu.enqueue_indirect_dma source(%dma_start3A_842 : memref<128x64xf32, #tpu.memory_space<vmem>>) target(%dma_start3A_848 : memref<1024x64xf32, #tpu.memory_space<vmem_shared>>) offsets(%dma_start3A_845 : memref<128xi32, #tpu.memory_space<vmem>>) semaphore(%arg29 : memref<!tpu.dma_semaphore, #tpu.memory_space<semaphore_mem>>) {add = true}
    %dma_start3A_849 = arith.constant 1 : i32
    %dma_start3A_850 = arith.constant 128 : i32
    %dma_start3A_851 = arith.constant 0 : i32
    %dma_start3A_852 = tpu.memref_slice %arg6[%dma_start3A_850, %dma_start3A_851] : memref<256x64xf32, #tpu.memory_space<vmem>> -> memref<128x64xf32, #tpu.memory_space<vmem>>
    %dma_start3A_853 = arith.constant 0 : i32
    %dma_start3A_854 = tpu.memref_slice %arg12[%dma_start3A_849, %dma_start3A_853] : memref<2x128xi32, #tpu.memory_space<vmem>> -> memref<1x128xi32, #tpu.memory_space<vmem>>
    %dma_start3A_855 = tpu.memref_squeeze %dma_start3A_854 : memref<1x128xi32, #tpu.memory_space<vmem>> -> memref<128xi32, #tpu.memory_space<vmem>>
    %dma_start3A_856 = arith.constant 0 : i32
    %dma_start3A_857 = arith.constant 0 : i32
    %dma_start3A_858 = tpu.memref_slice %arg21[%dma_start3A_856, %dma_start3A_857] : memref<1024x64xf32, #tpu.memory_space<vmem_shared>> -> memref<1024x64xf32, #tpu.memory_space<vmem_shared>>
    tpu.enqueue_indirect_dma source(%dma_start3A_852 : memref<128x64xf32, #tpu.memory_space<vmem>>) target(%dma_start3A_858 : memref<1024x64xf32, #tpu.memory_space<vmem_shared>>) offsets(%dma_start3A_855 : memref<128xi32, #tpu.memory_space<vmem>>) semaphore(%arg29 : memref<!tpu.dma_semaphore, #tpu.memory_space<semaphore_mem>>) {add = true}
    %dma_wait3A_859 = arith.constant 0 : i32
    %dma_wait3A_860 = arith.constant 0 : i32
    %dma_wait3A_861 = tpu.memref_slice %arg2[%dma_wait3A_859, %dma_wait3A_860] : memref<100000x128xf32, #tpu.memory_space<hbm>> -> memref<256x64xf32, #tpu.memory_space<hbm>>
    %dma_wait3A_862 = arith.constant 0 : i32
    %dma_wait3A_863 = arith.constant 0 : i32
    %dma_wait3A_864 = tpu.memref_slice %arg2[%dma_wait3A_862, %dma_wait3A_863] : memref<100000x128xf32, #tpu.memory_space<hbm>> -> memref<256x64xf32, #tpu.memory_space<hbm>>
    tpu.wait_dma2 semaphore(%arg24 : memref<!tpu.dma_semaphore, #tpu.memory_space<semaphore_mem>>) src(%dma_wait3A_864 : memref<256x64xf32, #tpu.memory_space<hbm>>) dst(%arg7 : memref<256x64xf32, #tpu.memory_space<vmem>>)
    %dma_wait3A_865 = arith.constant 0 : i32
    %dma_wait3A_866 = arith.constant 0 : i32
    %dma_wait3A_867 = tpu.memref_slice %arg13[%dma_wait3A_865, %dma_wait3A_866] : memref<2x128xi32, #tpu.memory_space<vmem>> -> memref<1x128xi32, #tpu.memory_space<vmem>>
    %dma_wait3A_868 = tpu.memref_squeeze %dma_wait3A_867 : memref<1x128xi32, #tpu.memory_space<vmem>> -> memref<128xi32, #tpu.memory_space<vmem>>
    %dma_wait3A_869 = arith.constant 0 : i32
    %dma_wait3A_870 = tpu.memref_slice %arg3[%dma_wait3A_869] : memref<100000xi32, #tpu.memory_space<hbm>> -> memref<128xi32, #tpu.memory_space<hbm>>
    %dma_wait3A_871 = arith.constant 0 : i32
    %dma_wait3A_872 = tpu.memref_slice %arg13[%dma_wait3A_865, %dma_wait3A_871] : memref<2x128xi32, #tpu.memory_space<vmem>> -> memref<1x128xi32, #tpu.memory_space<vmem>>
    %dma_wait3A_873 = tpu.memref_squeeze %dma_wait3A_872 : memref<1x128xi32, #tpu.memory_space<vmem>> -> memref<128xi32, #tpu.memory_space<vmem>>
    %dma_wait3A_874 = arith.constant 0 : i32
    %dma_wait3A_875 = tpu.memref_slice %arg3[%dma_wait3A_874] : memref<100000xi32, #tpu.memory_space<hbm>> -> memref<128xi32, #tpu.memory_space<hbm>>
    tpu.wait_dma2 semaphore(%arg24 : memref<!tpu.dma_semaphore, #tpu.memory_space<semaphore_mem>>) src(%dma_wait3A_875 : memref<128xi32, #tpu.memory_space<hbm>>) dst(%dma_wait3A_873 : memref<128xi32, #tpu.memory_space<vmem>>)
    %dma_wait3A_876 = arith.constant 1 : i32
    %dma_wait3A_877 = arith.constant 0 : i32
    %dma_wait3A_878 = tpu.memref_slice %arg13[%dma_wait3A_876, %dma_wait3A_877] : memref<2x128xi32, #tpu.memory_space<vmem>> -> memref<1x128xi32, #tpu.memory_space<vmem>>
    %dma_wait3A_879 = tpu.memref_squeeze %dma_wait3A_878 : memref<1x128xi32, #tpu.memory_space<vmem>> -> memref<128xi32, #tpu.memory_space<vmem>>
    %dma_wait3A_880 = arith.constant 0 : i32
    %dma_wait3A_881 = tpu.memref_slice %arg3[%dma_wait3A_880] : memref<100000xi32, #tpu.memory_space<hbm>> -> memref<128xi32, #tpu.memory_space<hbm>>
    %dma_wait3A_882 = arith.constant 0 : i32
    %dma_wait3A_883 = tpu.memref_slice %arg13[%dma_wait3A_876, %dma_wait3A_882] : memref<2x128xi32, #tpu.memory_space<vmem>> -> memref<1x128xi32, #tpu.memory_space<vmem>>
    %dma_wait3A_884 = tpu.memref_squeeze %dma_wait3A_883 : memref<1x128xi32, #tpu.memory_space<vmem>> -> memref<128xi32, #tpu.memory_space<vmem>>
    %dma_wait3A_885 = arith.constant 0 : i32
    %dma_wait3A_886 = tpu.memref_slice %arg3[%dma_wait3A_885] : memref<100000xi32, #tpu.memory_space<hbm>> -> memref<128xi32, #tpu.memory_space<hbm>>
    tpu.wait_dma2 semaphore(%arg24 : memref<!tpu.dma_semaphore, #tpu.memory_space<semaphore_mem>>) src(%dma_wait3A_886 : memref<128xi32, #tpu.memory_space<hbm>>) dst(%dma_wait3A_884 : memref<128xi32, #tpu.memory_space<vmem>>)
    %dma_start3A_887 = arith.constant 0 : i32
    %dma_start3A_888 = arith.constant 0 : i32
    %dma_start3A_889 = arith.constant 0 : i32
    %dma_start3A_890 = tpu.memref_slice %arg7[%dma_start3A_888, %dma_start3A_889] : memref<256x64xf32, #tpu.memory_space<vmem>> -> memref<128x64xf32, #tpu.memory_space<vmem>>
    %dma_start3A_891 = arith.constant 0 : i32
    %dma_start3A_892 = tpu.memref_slice %arg13[%dma_start3A_887, %dma_start3A_891] : memref<2x128xi32, #tpu.memory_space<vmem>> -> memref<1x128xi32, #tpu.memory_space<vmem>>
    %dma_start3A_893 = tpu.memref_squeeze %dma_start3A_892 : memref<1x128xi32, #tpu.memory_space<vmem>> -> memref<128xi32, #tpu.memory_space<vmem>>
    %dma_start3A_894 = arith.constant 0 : i32
    %dma_start3A_895 = arith.constant 0 : i32
    %dma_start3A_896 = tpu.memref_slice %arg21[%dma_start3A_894, %dma_start3A_895] : memref<1024x64xf32, #tpu.memory_space<vmem_shared>> -> memref<1024x64xf32, #tpu.memory_space<vmem_shared>>
    tpu.enqueue_indirect_dma source(%dma_start3A_890 : memref<128x64xf32, #tpu.memory_space<vmem>>) target(%dma_start3A_896 : memref<1024x64xf32, #tpu.memory_space<vmem_shared>>) offsets(%dma_start3A_893 : memref<128xi32, #tpu.memory_space<vmem>>) semaphore(%arg30 : memref<!tpu.dma_semaphore, #tpu.memory_space<semaphore_mem>>) {add = true}
    %dma_start3A_897 = arith.constant 1 : i32
    %dma_start3A_898 = arith.constant 128 : i32
    %dma_start3A_899 = arith.constant 0 : i32
    %dma_start3A_900 = tpu.memref_slice %arg7[%dma_start3A_898, %dma_start3A_899] : memref<256x64xf32, #tpu.memory_space<vmem>> -> memref<128x64xf32, #tpu.memory_space<vmem>>
    %dma_start3A_901 = arith.constant 0 : i32
    %dma_start3A_902 = tpu.memref_slice %arg13[%dma_start3A_897, %dma_start3A_901] : memref<2x128xi32, #tpu.memory_space<vmem>> -> memref<1x128xi32, #tpu.memory_space<vmem>>
    %dma_start3A_903 = tpu.memref_squeeze %dma_start3A_902 : memref<1x128xi32, #tpu.memory_space<vmem>> -> memref<128xi32, #tpu.memory_space<vmem>>
    %dma_start3A_904 = arith.constant 0 : i32
    %dma_start3A_905 = arith.constant 0 : i32
    %dma_start3A_906 = tpu.memref_slice %arg21[%dma_start3A_904, %dma_start3A_905] : memref<1024x64xf32, #tpu.memory_space<vmem_shared>> -> memref<1024x64xf32, #tpu.memory_space<vmem_shared>>
    tpu.enqueue_indirect_dma source(%dma_start3A_900 : memref<128x64xf32, #tpu.memory_space<vmem>>) target(%dma_start3A_906 : memref<1024x64xf32, #tpu.memory_space<vmem_shared>>) offsets(%dma_start3A_903 : memref<128xi32, #tpu.memory_space<vmem>>) semaphore(%arg30 : memref<!tpu.dma_semaphore, #tpu.memory_space<semaphore_mem>>) {add = true}
    %dma_wait3A_907 = arith.constant 0 : i32
    %dma_wait3A_908 = arith.constant 0 : i32
    %dma_wait3A_909 = tpu.memref_slice %arg2[%dma_wait3A_907, %dma_wait3A_908] : memref<100000x128xf32, #tpu.memory_space<hbm>> -> memref<256x64xf32, #tpu.memory_space<hbm>>
    %dma_wait3A_910 = arith.constant 0 : i32
    %dma_wait3A_911 = arith.constant 0 : i32
    %dma_wait3A_912 = tpu.memref_slice %arg2[%dma_wait3A_910, %dma_wait3A_911] : memref<100000x128xf32, #tpu.memory_space<hbm>> -> memref<256x64xf32, #tpu.memory_space<hbm>>
    tpu.wait_dma2 semaphore(%arg25 : memref<!tpu.dma_semaphore, #tpu.memory_space<semaphore_mem>>) src(%dma_wait3A_912 : memref<256x64xf32, #tpu.memory_space<hbm>>) dst(%arg8 : memref<256x64xf32, #tpu.memory_space<vmem>>)
    %dma_wait3A_913 = arith.constant 0 : i32
    %dma_wait3A_914 = arith.constant 0 : i32
    %dma_wait3A_915 = tpu.memref_slice %arg14[%dma_wait3A_913, %dma_wait3A_914] : memref<2x128xi32, #tpu.memory_space<vmem>> -> memref<1x128xi32, #tpu.memory_space<vmem>>
    %dma_wait3A_916 = tpu.memref_squeeze %dma_wait3A_915 : memref<1x128xi32, #tpu.memory_space<vmem>> -> memref<128xi32, #tpu.memory_space<vmem>>
    %dma_wait3A_917 = arith.constant 0 : i32
    %dma_wait3A_918 = tpu.memref_slice %arg3[%dma_wait3A_917] : memref<100000xi32, #tpu.memory_space<hbm>> -> memref<128xi32, #tpu.memory_space<hbm>>
    %dma_wait3A_919 = arith.constant 0 : i32
    %dma_wait3A_920 = tpu.memref_slice %arg14[%dma_wait3A_913, %dma_wait3A_919] : memref<2x128xi32, #tpu.memory_space<vmem>> -> memref<1x128xi32, #tpu.memory_space<vmem>>
    %dma_wait3A_921 = tpu.memref_squeeze %dma_wait3A_920 : memref<1x128xi32, #tpu.memory_space<vmem>> -> memref<128xi32, #tpu.memory_space<vmem>>
    %dma_wait3A_922 = arith.constant 0 : i32
    %dma_wait3A_923 = tpu.memref_slice %arg3[%dma_wait3A_922] : memref<100000xi32, #tpu.memory_space<hbm>> -> memref<128xi32, #tpu.memory_space<hbm>>
    tpu.wait_dma2 semaphore(%arg25 : memref<!tpu.dma_semaphore, #tpu.memory_space<semaphore_mem>>) src(%dma_wait3A_923 : memref<128xi32, #tpu.memory_space<hbm>>) dst(%dma_wait3A_921 : memref<128xi32, #tpu.memory_space<vmem>>)
    %dma_wait3A_924 = arith.constant 1 : i32
    %dma_wait3A_925 = arith.constant 0 : i32
    %dma_wait3A_926 = tpu.memref_slice %arg14[%dma_wait3A_924, %dma_wait3A_925] : memref<2x128xi32, #tpu.memory_space<vmem>> -> memref<1x128xi32, #tpu.memory_space<vmem>>
    %dma_wait3A_927 = tpu.memref_squeeze %dma_wait3A_926 : memref<1x128xi32, #tpu.memory_space<vmem>> -> memref<128xi32, #tpu.memory_space<vmem>>
    %dma_wait3A_928 = arith.constant 0 : i32
    %dma_wait3A_929 = tpu.memref_slice %arg3[%dma_wait3A_928] : memref<100000xi32, #tpu.memory_space<hbm>> -> memref<128xi32, #tpu.memory_space<hbm>>
    %dma_wait3A_930 = arith.constant 0 : i32
    %dma_wait3A_931 = tpu.memref_slice %arg14[%dma_wait3A_924, %dma_wait3A_930] : memref<2x128xi32, #tpu.memory_space<vmem>> -> memref<1x128xi32, #tpu.memory_space<vmem>>
    %dma_wait3A_932 = tpu.memref_squeeze %dma_wait3A_931 : memref<1x128xi32, #tpu.memory_space<vmem>> -> memref<128xi32, #tpu.memory_space<vmem>>
    %dma_wait3A_933 = arith.constant 0 : i32
    %dma_wait3A_934 = tpu.memref_slice %arg3[%dma_wait3A_933] : memref<100000xi32, #tpu.memory_space<hbm>> -> memref<128xi32, #tpu.memory_space<hbm>>
    tpu.wait_dma2 semaphore(%arg25 : memref<!tpu.dma_semaphore, #tpu.memory_space<semaphore_mem>>) src(%dma_wait3A_934 : memref<128xi32, #tpu.memory_space<hbm>>) dst(%dma_wait3A_932 : memref<128xi32, #tpu.memory_space<vmem>>)
    %dma_start3A_935 = arith.constant 0 : i32
    %dma_start3A_936 = arith.constant 0 : i32
    %dma_start3A_937 = arith.constant 0 : i32
    %dma_start3A_938 = tpu.memref_slice %arg8[%dma_start3A_936, %dma_start3A_937] : memref<256x64xf32, #tpu.memory_space<vmem>> -> memref<128x64xf32, #tpu.memory_space<vmem>>
    %dma_start3A_939 = arith.constant 0 : i32
    %dma_start3A_940 = tpu.memref_slice %arg14[%dma_start3A_935, %dma_start3A_939] : memref<2x128xi32, #tpu.memory_space<vmem>> -> memref<1x128xi32, #tpu.memory_space<vmem>>
    %dma_start3A_941 = tpu.memref_squeeze %dma_start3A_940 : memref<1x128xi32, #tpu.memory_space<vmem>> -> memref<128xi32, #tpu.memory_space<vmem>>
    %dma_start3A_942 = arith.constant 0 : i32
    %dma_start3A_943 = arith.constant 0 : i32
    %dma_start3A_944 = tpu.memref_slice %arg21[%dma_start3A_942, %dma_start3A_943] : memref<1024x64xf32, #tpu.memory_space<vmem_shared>> -> memref<1024x64xf32, #tpu.memory_space<vmem_shared>>
    tpu.enqueue_indirect_dma source(%dma_start3A_938 : memref<128x64xf32, #tpu.memory_space<vmem>>) target(%dma_start3A_944 : memref<1024x64xf32, #tpu.memory_space<vmem_shared>>) offsets(%dma_start3A_941 : memref<128xi32, #tpu.memory_space<vmem>>) semaphore(%arg31 : memref<!tpu.dma_semaphore, #tpu.memory_space<semaphore_mem>>) {add = true}
    %dma_start3A_945 = arith.constant 1 : i32
    %dma_start3A_946 = arith.constant 128 : i32
    %dma_start3A_947 = arith.constant 0 : i32
    %dma_start3A_948 = tpu.memref_slice %arg8[%dma_start3A_946, %dma_start3A_947] : memref<256x64xf32, #tpu.memory_space<vmem>> -> memref<128x64xf32, #tpu.memory_space<vmem>>
    %dma_start3A_949 = arith.constant 0 : i32
    %dma_start3A_950 = tpu.memref_slice %arg14[%dma_start3A_945, %dma_start3A_949] : memref<2x128xi32, #tpu.memory_space<vmem>> -> memref<1x128xi32, #tpu.memory_space<vmem>>
    %dma_start3A_951 = tpu.memref_squeeze %dma_start3A_950 : memref<1x128xi32, #tpu.memory_space<vmem>> -> memref<128xi32, #tpu.memory_space<vmem>>
    %dma_start3A_952 = arith.constant 0 : i32
    %dma_start3A_953 = arith.constant 0 : i32
    %dma_start3A_954 = tpu.memref_slice %arg21[%dma_start3A_952, %dma_start3A_953] : memref<1024x64xf32, #tpu.memory_space<vmem_shared>> -> memref<1024x64xf32, #tpu.memory_space<vmem_shared>>
    tpu.enqueue_indirect_dma source(%dma_start3A_948 : memref<128x64xf32, #tpu.memory_space<vmem>>) target(%dma_start3A_954 : memref<1024x64xf32, #tpu.memory_space<vmem_shared>>) offsets(%dma_start3A_951 : memref<128xi32, #tpu.memory_space<vmem>>) semaphore(%arg31 : memref<!tpu.dma_semaphore, #tpu.memory_space<semaphore_mem>>) {add = true}
    %dma_wait3A_955 = arith.constant 0 : i32
    %dma_wait3A_956 = arith.constant 0 : i32
    %dma_wait3A_957 = tpu.memref_slice %arg2[%dma_wait3A_955, %dma_wait3A_956] : memref<100000x128xf32, #tpu.memory_space<hbm>> -> memref<256x64xf32, #tpu.memory_space<hbm>>
    %dma_wait3A_958 = arith.constant 0 : i32
    %dma_wait3A_959 = arith.constant 0 : i32
    %dma_wait3A_960 = tpu.memref_slice %arg2[%dma_wait3A_958, %dma_wait3A_959] : memref<100000x128xf32, #tpu.memory_space<hbm>> -> memref<256x64xf32, #tpu.memory_space<hbm>>
    tpu.wait_dma2 semaphore(%arg26 : memref<!tpu.dma_semaphore, #tpu.memory_space<semaphore_mem>>) src(%dma_wait3A_960 : memref<256x64xf32, #tpu.memory_space<hbm>>) dst(%arg9 : memref<256x64xf32, #tpu.memory_space<vmem>>)
    %dma_wait3A_961 = arith.constant 0 : i32
    %dma_wait3A_962 = arith.constant 0 : i32
    %dma_wait3A_963 = tpu.memref_slice %arg15[%dma_wait3A_961, %dma_wait3A_962] : memref<2x128xi32, #tpu.memory_space<vmem>> -> memref<1x128xi32, #tpu.memory_space<vmem>>
    %dma_wait3A_964 = tpu.memref_squeeze %dma_wait3A_963 : memref<1x128xi32, #tpu.memory_space<vmem>> -> memref<128xi32, #tpu.memory_space<vmem>>
    %dma_wait3A_965 = arith.constant 0 : i32
    %dma_wait3A_966 = tpu.memref_slice %arg3[%dma_wait3A_965] : memref<100000xi32, #tpu.memory_space<hbm>> -> memref<128xi32, #tpu.memory_space<hbm>>
    %dma_wait3A_967 = arith.constant 0 : i32
    %dma_wait3A_968 = tpu.memref_slice %arg15[%dma_wait3A_961, %dma_wait3A_967] : memref<2x128xi32, #tpu.memory_space<vmem>> -> memref<1x128xi32, #tpu.memory_space<vmem>>
    %dma_wait3A_969 = tpu.memref_squeeze %dma_wait3A_968 : memref<1x128xi32, #tpu.memory_space<vmem>> -> memref<128xi32, #tpu.memory_space<vmem>>
    %dma_wait3A_970 = arith.constant 0 : i32
    %dma_wait3A_971 = tpu.memref_slice %arg3[%dma_wait3A_970] : memref<100000xi32, #tpu.memory_space<hbm>> -> memref<128xi32, #tpu.memory_space<hbm>>
    tpu.wait_dma2 semaphore(%arg26 : memref<!tpu.dma_semaphore, #tpu.memory_space<semaphore_mem>>) src(%dma_wait3A_971 : memref<128xi32, #tpu.memory_space<hbm>>) dst(%dma_wait3A_969 : memref<128xi32, #tpu.memory_space<vmem>>)
    %dma_wait3A_972 = arith.constant 1 : i32
    %dma_wait3A_973 = arith.constant 0 : i32
    %dma_wait3A_974 = tpu.memref_slice %arg15[%dma_wait3A_972, %dma_wait3A_973] : memref<2x128xi32, #tpu.memory_space<vmem>> -> memref<1x128xi32, #tpu.memory_space<vmem>>
    %dma_wait3A_975 = tpu.memref_squeeze %dma_wait3A_974 : memref<1x128xi32, #tpu.memory_space<vmem>> -> memref<128xi32, #tpu.memory_space<vmem>>
    %dma_wait3A_976 = arith.constant 0 : i32
    %dma_wait3A_977 = tpu.memref_slice %arg3[%dma_wait3A_976] : memref<100000xi32, #tpu.memory_space<hbm>> -> memref<128xi32, #tpu.memory_space<hbm>>
    %dma_wait3A_978 = arith.constant 0 : i32
    %dma_wait3A_979 = tpu.memref_slice %arg15[%dma_wait3A_972, %dma_wait3A_978] : memref<2x128xi32, #tpu.memory_space<vmem>> -> memref<1x128xi32, #tpu.memory_space<vmem>>
    %dma_wait3A_980 = tpu.memref_squeeze %dma_wait3A_979 : memref<1x128xi32, #tpu.memory_space<vmem>> -> memref<128xi32, #tpu.memory_space<vmem>>
    %dma_wait3A_981 = arith.constant 0 : i32
    %dma_wait3A_982 = tpu.memref_slice %arg3[%dma_wait3A_981] : memref<100000xi32, #tpu.memory_space<hbm>> -> memref<128xi32, #tpu.memory_space<hbm>>
    tpu.wait_dma2 semaphore(%arg26 : memref<!tpu.dma_semaphore, #tpu.memory_space<semaphore_mem>>) src(%dma_wait3A_982 : memref<128xi32, #tpu.memory_space<hbm>>) dst(%dma_wait3A_980 : memref<128xi32, #tpu.memory_space<vmem>>)
    %dma_start3A_983 = arith.constant 0 : i32
    %dma_start3A_984 = arith.constant 0 : i32
    %dma_start3A_985 = arith.constant 0 : i32
    %dma_start3A_986 = tpu.memref_slice %arg9[%dma_start3A_984, %dma_start3A_985] : memref<256x64xf32, #tpu.memory_space<vmem>> -> memref<128x64xf32, #tpu.memory_space<vmem>>
    %dma_start3A_987 = arith.constant 0 : i32
    %dma_start3A_988 = tpu.memref_slice %arg15[%dma_start3A_983, %dma_start3A_987] : memref<2x128xi32, #tpu.memory_space<vmem>> -> memref<1x128xi32, #tpu.memory_space<vmem>>
    %dma_start3A_989 = tpu.memref_squeeze %dma_start3A_988 : memref<1x128xi32, #tpu.memory_space<vmem>> -> memref<128xi32, #tpu.memory_space<vmem>>
    %dma_start3A_990 = arith.constant 0 : i32
    %dma_start3A_991 = arith.constant 0 : i32
    %dma_start3A_992 = tpu.memref_slice %arg21[%dma_start3A_990, %dma_start3A_991] : memref<1024x64xf32, #tpu.memory_space<vmem_shared>> -> memref<1024x64xf32, #tpu.memory_space<vmem_shared>>
    tpu.enqueue_indirect_dma source(%dma_start3A_986 : memref<128x64xf32, #tpu.memory_space<vmem>>) target(%dma_start3A_992 : memref<1024x64xf32, #tpu.memory_space<vmem_shared>>) offsets(%dma_start3A_989 : memref<128xi32, #tpu.memory_space<vmem>>) semaphore(%arg32 : memref<!tpu.dma_semaphore, #tpu.memory_space<semaphore_mem>>) {add = true}
    %dma_start3A_993 = arith.constant 1 : i32
    %dma_start3A_994 = arith.constant 128 : i32
    %dma_start3A_995 = arith.constant 0 : i32
    %dma_start3A_996 = tpu.memref_slice %arg9[%dma_start3A_994, %dma_start3A_995] : memref<256x64xf32, #tpu.memory_space<vmem>> -> memref<128x64xf32, #tpu.memory_space<vmem>>
    %dma_start3A_997 = arith.constant 0 : i32
    %dma_start3A_998 = tpu.memref_slice %arg15[%dma_start3A_993, %dma_start3A_997] : memref<2x128xi32, #tpu.memory_space<vmem>> -> memref<1x128xi32, #tpu.memory_space<vmem>>
    %dma_start3A_999 = tpu.memref_squeeze %dma_start3A_998 : memref<1x128xi32, #tpu.memory_space<vmem>> -> memref<128xi32, #tpu.memory_space<vmem>>
    %dma_start3A_1000 = arith.constant 0 : i32
    %dma_start3A_1001 = arith.constant 0 : i32
    %dma_start3A_1002 = tpu.memref_slice %arg21[%dma_start3A_1000, %dma_start3A_1001] : memref<1024x64xf32, #tpu.memory_space<vmem_shared>> -> memref<1024x64xf32, #tpu.memory_space<vmem_shared>>
    tpu.enqueue_indirect_dma source(%dma_start3A_996 : memref<128x64xf32, #tpu.memory_space<vmem>>) target(%dma_start3A_1002 : memref<1024x64xf32, #tpu.memory_space<vmem_shared>>) offsets(%dma_start3A_999 : memref<128xi32, #tpu.memory_space<vmem>>) semaphore(%arg32 : memref<!tpu.dma_semaphore, #tpu.memory_space<semaphore_mem>>) {add = true}
    %dma_wait3A_1003 = arith.constant 0 : i32
    %dma_wait3A_1004 = arith.constant 0 : i32
    %dma_wait3A_1005 = tpu.memref_slice %arg2[%dma_wait3A_1003, %dma_wait3A_1004] : memref<100000x128xf32, #tpu.memory_space<hbm>> -> memref<256x64xf32, #tpu.memory_space<hbm>>
    %dma_wait3A_1006 = arith.constant 0 : i32
    %dma_wait3A_1007 = arith.constant 0 : i32
    %dma_wait3A_1008 = tpu.memref_slice %arg2[%dma_wait3A_1006, %dma_wait3A_1007] : memref<100000x128xf32, #tpu.memory_space<hbm>> -> memref<256x64xf32, #tpu.memory_space<hbm>>
    tpu.wait_dma2 semaphore(%arg27 : memref<!tpu.dma_semaphore, #tpu.memory_space<semaphore_mem>>) src(%dma_wait3A_1008 : memref<256x64xf32, #tpu.memory_space<hbm>>) dst(%arg10 : memref<256x64xf32, #tpu.memory_space<vmem>>)
    %dma_wait3A_1009 = arith.constant 0 : i32
    %dma_wait3A_1010 = arith.constant 0 : i32
    %dma_wait3A_1011 = tpu.memref_slice %arg16[%dma_wait3A_1009, %dma_wait3A_1010] : memref<2x128xi32, #tpu.memory_space<vmem>> -> memref<1x128xi32, #tpu.memory_space<vmem>>
    %dma_wait3A_1012 = tpu.memref_squeeze %dma_wait3A_1011 : memref<1x128xi32, #tpu.memory_space<vmem>> -> memref<128xi32, #tpu.memory_space<vmem>>
    %dma_wait3A_1013 = arith.constant 0 : i32
    %dma_wait3A_1014 = tpu.memref_slice %arg3[%dma_wait3A_1013] : memref<100000xi32, #tpu.memory_space<hbm>> -> memref<128xi32, #tpu.memory_space<hbm>>
    %dma_wait3A_1015 = arith.constant 0 : i32
    %dma_wait3A_1016 = tpu.memref_slice %arg16[%dma_wait3A_1009, %dma_wait3A_1015] : memref<2x128xi32, #tpu.memory_space<vmem>> -> memref<1x128xi32, #tpu.memory_space<vmem>>
    %dma_wait3A_1017 = tpu.memref_squeeze %dma_wait3A_1016 : memref<1x128xi32, #tpu.memory_space<vmem>> -> memref<128xi32, #tpu.memory_space<vmem>>
    %dma_wait3A_1018 = arith.constant 0 : i32
    %dma_wait3A_1019 = tpu.memref_slice %arg3[%dma_wait3A_1018] : memref<100000xi32, #tpu.memory_space<hbm>> -> memref<128xi32, #tpu.memory_space<hbm>>
    tpu.wait_dma2 semaphore(%arg27 : memref<!tpu.dma_semaphore, #tpu.memory_space<semaphore_mem>>) src(%dma_wait3A_1019 : memref<128xi32, #tpu.memory_space<hbm>>) dst(%dma_wait3A_1017 : memref<128xi32, #tpu.memory_space<vmem>>)
    %dma_wait3A_1020 = arith.constant 1 : i32
    %dma_wait3A_1021 = arith.constant 0 : i32
    %dma_wait3A_1022 = tpu.memref_slice %arg16[%dma_wait3A_1020, %dma_wait3A_1021] : memref<2x128xi32, #tpu.memory_space<vmem>> -> memref<1x128xi32, #tpu.memory_space<vmem>>
    %dma_wait3A_1023 = tpu.memref_squeeze %dma_wait3A_1022 : memref<1x128xi32, #tpu.memory_space<vmem>> -> memref<128xi32, #tpu.memory_space<vmem>>
    %dma_wait3A_1024 = arith.constant 0 : i32
    %dma_wait3A_1025 = tpu.memref_slice %arg3[%dma_wait3A_1024] : memref<100000xi32, #tpu.memory_space<hbm>> -> memref<128xi32, #tpu.memory_space<hbm>>
    %dma_wait3A_1026 = arith.constant 0 : i32
    %dma_wait3A_1027 = tpu.memref_slice %arg16[%dma_wait3A_1020, %dma_wait3A_1026] : memref<2x128xi32, #tpu.memory_space<vmem>> -> memref<1x128xi32, #tpu.memory_space<vmem>>
    %dma_wait3A_1028 = tpu.memref_squeeze %dma_wait3A_1027 : memref<1x128xi32, #tpu.memory_space<vmem>> -> memref<128xi32, #tpu.memory_space<vmem>>
    %dma_wait3A_1029 = arith.constant 0 : i32
    %dma_wait3A_1030 = tpu.memref_slice %arg3[%dma_wait3A_1029] : memref<100000xi32, #tpu.memory_space<hbm>> -> memref<128xi32, #tpu.memory_space<hbm>>
    tpu.wait_dma2 semaphore(%arg27 : memref<!tpu.dma_semaphore, #tpu.memory_space<semaphore_mem>>) src(%dma_wait3A_1030 : memref<128xi32, #tpu.memory_space<hbm>>) dst(%dma_wait3A_1028 : memref<128xi32, #tpu.memory_space<vmem>>)
    %dma_start3A_1031 = arith.constant 0 : i32
    %dma_start3A_1032 = arith.constant 0 : i32
    %dma_start3A_1033 = arith.constant 0 : i32
    %dma_start3A_1034 = tpu.memref_slice %arg10[%dma_start3A_1032, %dma_start3A_1033] : memref<256x64xf32, #tpu.memory_space<vmem>> -> memref<128x64xf32, #tpu.memory_space<vmem>>
    %dma_start3A_1035 = arith.constant 0 : i32
    %dma_start3A_1036 = tpu.memref_slice %arg16[%dma_start3A_1031, %dma_start3A_1035] : memref<2x128xi32, #tpu.memory_space<vmem>> -> memref<1x128xi32, #tpu.memory_space<vmem>>
    %dma_start3A_1037 = tpu.memref_squeeze %dma_start3A_1036 : memref<1x128xi32, #tpu.memory_space<vmem>> -> memref<128xi32, #tpu.memory_space<vmem>>
    %dma_start3A_1038 = arith.constant 0 : i32
    %dma_start3A_1039 = arith.constant 0 : i32
    %dma_start3A_1040 = tpu.memref_slice %arg21[%dma_start3A_1038, %dma_start3A_1039] : memref<1024x64xf32, #tpu.memory_space<vmem_shared>> -> memref<1024x64xf32, #tpu.memory_space<vmem_shared>>
    tpu.enqueue_indirect_dma source(%dma_start3A_1034 : memref<128x64xf32, #tpu.memory_space<vmem>>) target(%dma_start3A_1040 : memref<1024x64xf32, #tpu.memory_space<vmem_shared>>) offsets(%dma_start3A_1037 : memref<128xi32, #tpu.memory_space<vmem>>) semaphore(%arg33 : memref<!tpu.dma_semaphore, #tpu.memory_space<semaphore_mem>>) {add = true}
    %dma_start3A_1041 = arith.constant 1 : i32
    %dma_start3A_1042 = arith.constant 128 : i32
    %dma_start3A_1043 = arith.constant 0 : i32
    %dma_start3A_1044 = tpu.memref_slice %arg10[%dma_start3A_1042, %dma_start3A_1043] : memref<256x64xf32, #tpu.memory_space<vmem>> -> memref<128x64xf32, #tpu.memory_space<vmem>>
    %dma_start3A_1045 = arith.constant 0 : i32
    %dma_start3A_1046 = tpu.memref_slice %arg16[%dma_start3A_1041, %dma_start3A_1045] : memref<2x128xi32, #tpu.memory_space<vmem>> -> memref<1x128xi32, #tpu.memory_space<vmem>>
    %dma_start3A_1047 = tpu.memref_squeeze %dma_start3A_1046 : memref<1x128xi32, #tpu.memory_space<vmem>> -> memref<128xi32, #tpu.memory_space<vmem>>
    %dma_start3A_1048 = arith.constant 0 : i32
    %dma_start3A_1049 = arith.constant 0 : i32
    %dma_start3A_1050 = tpu.memref_slice %arg21[%dma_start3A_1048, %dma_start3A_1049] : memref<1024x64xf32, #tpu.memory_space<vmem_shared>> -> memref<1024x64xf32, #tpu.memory_space<vmem_shared>>
    tpu.enqueue_indirect_dma source(%dma_start3A_1044 : memref<128x64xf32, #tpu.memory_space<vmem>>) target(%dma_start3A_1050 : memref<1024x64xf32, #tpu.memory_space<vmem_shared>>) offsets(%dma_start3A_1047 : memref<128xi32, #tpu.memory_space<vmem>>) semaphore(%arg33 : memref<!tpu.dma_semaphore, #tpu.memory_space<semaphore_mem>>) {add = true}
    %dma_wait3A_1051 = arith.constant 0 : i32
    %dma_wait3A_1052 = arith.constant 0 : i32
    %dma_wait3A_1053 = arith.constant 0 : i32
    %dma_wait3A_1054 = tpu.memref_slice %arg5[%dma_wait3A_1052, %dma_wait3A_1053] : memref<256x64xf32, #tpu.memory_space<vmem>> -> memref<128x64xf32, #tpu.memory_space<vmem>>
    %dma_wait3A_1055 = arith.constant 0 : i32
    %dma_wait3A_1056 = tpu.memref_slice %arg11[%dma_wait3A_1051, %dma_wait3A_1055] : memref<2x128xi32, #tpu.memory_space<vmem>> -> memref<1x128xi32, #tpu.memory_space<vmem>>
    %dma_wait3A_1057 = tpu.memref_squeeze %dma_wait3A_1056 : memref<1x128xi32, #tpu.memory_space<vmem>> -> memref<128xi32, #tpu.memory_space<vmem>>
    %dma_wait3A_1058 = arith.constant 0 : i32
    %dma_wait3A_1059 = arith.constant 0 : i32
    %dma_wait3A_1060 = tpu.memref_slice %arg21[%dma_wait3A_1058, %dma_wait3A_1059] : memref<1024x64xf32, #tpu.memory_space<vmem_shared>> -> memref<1024x64xf32, #tpu.memory_space<vmem_shared>>
    tpu.wait_indirect_dma semaphore(%arg28 : memref<!tpu.dma_semaphore, #tpu.memory_space<semaphore_mem>>) src(%dma_wait3A_1054 : memref<128x64xf32, #tpu.memory_space<vmem>>) dst(%dma_wait3A_1060 : memref<1024x64xf32, #tpu.memory_space<vmem_shared>>)
    %dma_wait3A_1061 = arith.constant 1 : i32
    %dma_wait3A_1062 = arith.constant 128 : i32
    %dma_wait3A_1063 = arith.constant 0 : i32
    %dma_wait3A_1064 = tpu.memref_slice %arg5[%dma_wait3A_1062, %dma_wait3A_1063] : memref<256x64xf32, #tpu.memory_space<vmem>> -> memref<128x64xf32, #tpu.memory_space<vmem>>
    %dma_wait3A_1065 = arith.constant 0 : i32
    %dma_wait3A_1066 = tpu.memref_slice %arg11[%dma_wait3A_1061, %dma_wait3A_1065] : memref<2x128xi32, #tpu.memory_space<vmem>> -> memref<1x128xi32, #tpu.memory_space<vmem>>
    %dma_wait3A_1067 = tpu.memref_squeeze %dma_wait3A_1066 : memref<1x128xi32, #tpu.memory_space<vmem>> -> memref<128xi32, #tpu.memory_space<vmem>>
    %dma_wait3A_1068 = arith.constant 0 : i32
    %dma_wait3A_1069 = arith.constant 0 : i32
    %dma_wait3A_1070 = tpu.memref_slice %arg21[%dma_wait3A_1068, %dma_wait3A_1069] : memref<1024x64xf32, #tpu.memory_space<vmem_shared>> -> memref<1024x64xf32, #tpu.memory_space<vmem_shared>>
    tpu.wait_indirect_dma semaphore(%arg28 : memref<!tpu.dma_semaphore, #tpu.memory_space<semaphore_mem>>) src(%dma_wait3A_1064 : memref<128x64xf32, #tpu.memory_space<vmem>>) dst(%dma_wait3A_1070 : memref<1024x64xf32, #tpu.memory_space<vmem_shared>>)
    %add3A_1071 = arith.constant 12 : i32
    %add3A_1072 = arith.addi %mul3A_2, %add3A_1071 : i32
    %mul3A_1073 = arith.constant 256 : i32
    %mul3A_1074 = arith.muli %add3A_1072, %mul3A_1073 : i32
    %dma_start3A_1075 = tpu.memref_slice %arg2[%mul3A_1074, %mul3A_0] : memref<100000x128xf32, #tpu.memory_space<hbm>> -> memref<256x64xf32, #tpu.memory_space<hbm>>
    %dma_start3A_1076 = tpu.memref_slice %arg2[%mul3A_1074, %mul3A_0] : memref<100000x128xf32, #tpu.memory_space<hbm>> -> memref<256x64xf32, #tpu.memory_space<hbm>>
    tpu.enqueue_dma source(%dma_start3A_1076 : memref<256x64xf32, #tpu.memory_space<hbm>>) target(%arg5 : memref<256x64xf32, #tpu.memory_space<vmem>>) target_semaphore(%arg22 : memref<!tpu.dma_semaphore, #tpu.memory_space<semaphore_mem>>)
    %add3A_1077 = arith.constant 0 : i32
    %add3A_1078 = arith.addi %mul3A_1074, %add3A_1077 : i32
    %dma_start3A_1079 = arith.constant 0 : i32
    %dma_start3A_1080 = arith.constant 0 : i32
    %dma_start3A_1081 = tpu.memref_slice %arg11[%dma_start3A_1079, %dma_start3A_1080] : memref<2x128xi32, #tpu.memory_space<vmem>> -> memref<1x128xi32, #tpu.memory_space<vmem>>
    %dma_start3A_1082 = tpu.memref_squeeze %dma_start3A_1081 : memref<1x128xi32, #tpu.memory_space<vmem>> -> memref<128xi32, #tpu.memory_space<vmem>>
    %dma_start3A_1083 = tpu.memref_slice %arg3[%add3A_1078] : memref<100000xi32, #tpu.memory_space<hbm>> -> memref<128xi32, #tpu.memory_space<hbm>>
    %dma_start3A_1084 = arith.constant 0 : i32
    %dma_start3A_1085 = tpu.memref_slice %arg11[%dma_start3A_1079, %dma_start3A_1084] : memref<2x128xi32, #tpu.memory_space<vmem>> -> memref<1x128xi32, #tpu.memory_space<vmem>>
    %dma_start3A_1086 = tpu.memref_squeeze %dma_start3A_1085 : memref<1x128xi32, #tpu.memory_space<vmem>> -> memref<128xi32, #tpu.memory_space<vmem>>
    %dma_start3A_1087 = tpu.memref_slice %arg3[%add3A_1078] : memref<100000xi32, #tpu.memory_space<hbm>> -> memref<128xi32, #tpu.memory_space<hbm>>
    tpu.enqueue_dma source(%dma_start3A_1087 : memref<128xi32, #tpu.memory_space<hbm>>) target(%dma_start3A_1086 : memref<128xi32, #tpu.memory_space<vmem>>) target_semaphore(%arg22 : memref<!tpu.dma_semaphore, #tpu.memory_space<semaphore_mem>>)
    %add3A_1088 = arith.constant 128 : i32
    %add3A_1089 = arith.addi %mul3A_1074, %add3A_1088 : i32
    %dma_start3A_1090 = arith.constant 1 : i32
    %dma_start3A_1091 = arith.constant 0 : i32
    %dma_start3A_1092 = tpu.memref_slice %arg11[%dma_start3A_1090, %dma_start3A_1091] : memref<2x128xi32, #tpu.memory_space<vmem>> -> memref<1x128xi32, #tpu.memory_space<vmem>>
    %dma_start3A_1093 = tpu.memref_squeeze %dma_start3A_1092 : memref<1x128xi32, #tpu.memory_space<vmem>> -> memref<128xi32, #tpu.memory_space<vmem>>
    %dma_start3A_1094 = tpu.memref_slice %arg3[%add3A_1089] : memref<100000xi32, #tpu.memory_space<hbm>> -> memref<128xi32, #tpu.memory_space<hbm>>
    %dma_start3A_1095 = arith.constant 0 : i32
    %dma_start3A_1096 = tpu.memref_slice %arg11[%dma_start3A_1090, %dma_start3A_1095] : memref<2x128xi32, #tpu.memory_space<vmem>> -> memref<1x128xi32, #tpu.memory_space<vmem>>
    %dma_start3A_1097 = tpu.memref_squeeze %dma_start3A_1096 : memref<1x128xi32, #tpu.memory_space<vmem>> -> memref<128xi32, #tpu.memory_space<vmem>>
    %dma_start3A_1098 = tpu.memref_slice %arg3[%add3A_1089] : memref<100000xi32, #tpu.memory_space<hbm>> -> memref<128xi32, #tpu.memory_space<hbm>>
    tpu.enqueue_dma source(%dma_start3A_1098 : memref<128xi32, #tpu.memory_space<hbm>>) target(%dma_start3A_1097 : memref<128xi32, #tpu.memory_space<vmem>>) target_semaphore(%arg22 : memref<!tpu.dma_semaphore, #tpu.memory_space<semaphore_mem>>)
    %dma_wait3A_1099 = arith.constant 0 : i32
    %dma_wait3A_1100 = arith.constant 0 : i32
    %dma_wait3A_1101 = arith.constant 0 : i32
    %dma_wait3A_1102 = tpu.memref_slice %arg6[%dma_wait3A_1100, %dma_wait3A_1101] : memref<256x64xf32, #tpu.memory_space<vmem>> -> memref<128x64xf32, #tpu.memory_space<vmem>>
    %dma_wait3A_1103 = arith.constant 0 : i32
    %dma_wait3A_1104 = tpu.memref_slice %arg12[%dma_wait3A_1099, %dma_wait3A_1103] : memref<2x128xi32, #tpu.memory_space<vmem>> -> memref<1x128xi32, #tpu.memory_space<vmem>>
    %dma_wait3A_1105 = tpu.memref_squeeze %dma_wait3A_1104 : memref<1x128xi32, #tpu.memory_space<vmem>> -> memref<128xi32, #tpu.memory_space<vmem>>
    %dma_wait3A_1106 = arith.constant 0 : i32
    %dma_wait3A_1107 = arith.constant 0 : i32
    %dma_wait3A_1108 = tpu.memref_slice %arg21[%dma_wait3A_1106, %dma_wait3A_1107] : memref<1024x64xf32, #tpu.memory_space<vmem_shared>> -> memref<1024x64xf32, #tpu.memory_space<vmem_shared>>
    tpu.wait_indirect_dma semaphore(%arg29 : memref<!tpu.dma_semaphore, #tpu.memory_space<semaphore_mem>>) src(%dma_wait3A_1102 : memref<128x64xf32, #tpu.memory_space<vmem>>) dst(%dma_wait3A_1108 : memref<1024x64xf32, #tpu.memory_space<vmem_shared>>)
    %dma_wait3A_1109 = arith.constant 1 : i32
    %dma_wait3A_1110 = arith.constant 128 : i32
    %dma_wait3A_1111 = arith.constant 0 : i32
    %dma_wait3A_1112 = tpu.memref_slice %arg6[%dma_wait3A_1110, %dma_wait3A_1111] : memref<256x64xf32, #tpu.memory_space<vmem>> -> memref<128x64xf32, #tpu.memory_space<vmem>>
    %dma_wait3A_1113 = arith.constant 0 : i32
    %dma_wait3A_1114 = tpu.memref_slice %arg12[%dma_wait3A_1109, %dma_wait3A_1113] : memref<2x128xi32, #tpu.memory_space<vmem>> -> memref<1x128xi32, #tpu.memory_space<vmem>>
    %dma_wait3A_1115 = tpu.memref_squeeze %dma_wait3A_1114 : memref<1x128xi32, #tpu.memory_space<vmem>> -> memref<128xi32, #tpu.memory_space<vmem>>
    %dma_wait3A_1116 = arith.constant 0 : i32
    %dma_wait3A_1117 = arith.constant 0 : i32
    %dma_wait3A_1118 = tpu.memref_slice %arg21[%dma_wait3A_1116, %dma_wait3A_1117] : memref<1024x64xf32, #tpu.memory_space<vmem_shared>> -> memref<1024x64xf32, #tpu.memory_space<vmem_shared>>
    tpu.wait_indirect_dma semaphore(%arg29 : memref<!tpu.dma_semaphore, #tpu.memory_space<semaphore_mem>>) src(%dma_wait3A_1112 : memref<128x64xf32, #tpu.memory_space<vmem>>) dst(%dma_wait3A_1118 : memref<1024x64xf32, #tpu.memory_space<vmem_shared>>)
    %add3A_1119 = arith.constant 13 : i32
    %add3A_1120 = arith.addi %mul3A_2, %add3A_1119 : i32
    %mul3A_1121 = arith.constant 256 : i32
    %mul3A_1122 = arith.muli %add3A_1120, %mul3A_1121 : i32
    %dma_start3A_1123 = tpu.memref_slice %arg2[%mul3A_1122, %mul3A_0] : memref<100000x128xf32, #tpu.memory_space<hbm>> -> memref<256x64xf32, #tpu.memory_space<hbm>>
    %dma_start3A_1124 = tpu.memref_slice %arg2[%mul3A_1122, %mul3A_0] : memref<100000x128xf32, #tpu.memory_space<hbm>> -> memref<256x64xf32, #tpu.memory_space<hbm>>
    tpu.enqueue_dma source(%dma_start3A_1124 : memref<256x64xf32, #tpu.memory_space<hbm>>) target(%arg6 : memref<256x64xf32, #tpu.memory_space<vmem>>) target_semaphore(%arg23 : memref<!tpu.dma_semaphore, #tpu.memory_space<semaphore_mem>>)
    %add3A_1125 = arith.constant 0 : i32
    %add3A_1126 = arith.addi %mul3A_1122, %add3A_1125 : i32
    %dma_start3A_1127 = arith.constant 0 : i32
    %dma_start3A_1128 = arith.constant 0 : i32
    %dma_start3A_1129 = tpu.memref_slice %arg12[%dma_start3A_1127, %dma_start3A_1128] : memref<2x128xi32, #tpu.memory_space<vmem>> -> memref<1x128xi32, #tpu.memory_space<vmem>>
    %dma_start3A_1130 = tpu.memref_squeeze %dma_start3A_1129 : memref<1x128xi32, #tpu.memory_space<vmem>> -> memref<128xi32, #tpu.memory_space<vmem>>
    %dma_start3A_1131 = tpu.memref_slice %arg3[%add3A_1126] : memref<100000xi32, #tpu.memory_space<hbm>> -> memref<128xi32, #tpu.memory_space<hbm>>
    %dma_start3A_1132 = arith.constant 0 : i32
    %dma_start3A_1133 = tpu.memref_slice %arg12[%dma_start3A_1127, %dma_start3A_1132] : memref<2x128xi32, #tpu.memory_space<vmem>> -> memref<1x128xi32, #tpu.memory_space<vmem>>
    %dma_start3A_1134 = tpu.memref_squeeze %dma_start3A_1133 : memref<1x128xi32, #tpu.memory_space<vmem>> -> memref<128xi32, #tpu.memory_space<vmem>>
    %dma_start3A_1135 = tpu.memref_slice %arg3[%add3A_1126] : memref<100000xi32, #tpu.memory_space<hbm>> -> memref<128xi32, #tpu.memory_space<hbm>>
    tpu.enqueue_dma source(%dma_start3A_1135 : memref<128xi32, #tpu.memory_space<hbm>>) target(%dma_start3A_1134 : memref<128xi32, #tpu.memory_space<vmem>>) target_semaphore(%arg23 : memref<!tpu.dma_semaphore, #tpu.memory_space<semaphore_mem>>)
    %add3A_1136 = arith.constant 128 : i32
    %add3A_1137 = arith.addi %mul3A_1122, %add3A_1136 : i32
    %dma_start3A_1138 = arith.constant 1 : i32
    %dma_start3A_1139 = arith.constant 0 : i32
    %dma_start3A_1140 = tpu.memref_slice %arg12[%dma_start3A_1138, %dma_start3A_1139] : memref<2x128xi32, #tpu.memory_space<vmem>> -> memref<1x128xi32, #tpu.memory_space<vmem>>
    %dma_start3A_1141 = tpu.memref_squeeze %dma_start3A_1140 : memref<1x128xi32, #tpu.memory_space<vmem>> -> memref<128xi32, #tpu.memory_space<vmem>>
    %dma_start3A_1142 = tpu.memref_slice %arg3[%add3A_1137] : memref<100000xi32, #tpu.memory_space<hbm>> -> memref<128xi32, #tpu.memory_space<hbm>>
    %dma_start3A_1143 = arith.constant 0 : i32
    %dma_start3A_1144 = tpu.memref_slice %arg12[%dma_start3A_1138, %dma_start3A_1143] : memref<2x128xi32, #tpu.memory_space<vmem>> -> memref<1x128xi32, #tpu.memory_space<vmem>>
    %dma_start3A_1145 = tpu.memref_squeeze %dma_start3A_1144 : memref<1x128xi32, #tpu.memory_space<vmem>> -> memref<128xi32, #tpu.memory_space<vmem>>
    %dma_start3A_1146 = tpu.memref_slice %arg3[%add3A_1137] : memref<100000xi32, #tpu.memory_space<hbm>> -> memref<128xi32, #tpu.memory_space<hbm>>
    tpu.enqueue_dma source(%dma_start3A_1146 : memref<128xi32, #tpu.memory_space<hbm>>) target(%dma_start3A_1145 : memref<128xi32, #tpu.memory_space<vmem>>) target_semaphore(%arg23 : memref<!tpu.dma_semaphore, #tpu.memory_space<semaphore_mem>>)
    %dma_wait3A_1147 = arith.constant 0 : i32
    %dma_wait3A_1148 = arith.constant 0 : i32
    %dma_wait3A_1149 = arith.constant 0 : i32
    %dma_wait3A_1150 = tpu.memref_slice %arg7[%dma_wait3A_1148, %dma_wait3A_1149] : memref<256x64xf32, #tpu.memory_space<vmem>> -> memref<128x64xf32, #tpu.memory_space<vmem>>
    %dma_wait3A_1151 = arith.constant 0 : i32
    %dma_wait3A_1152 = tpu.memref_slice %arg13[%dma_wait3A_1147, %dma_wait3A_1151] : memref<2x128xi32, #tpu.memory_space<vmem>> -> memref<1x128xi32, #tpu.memory_space<vmem>>
    %dma_wait3A_1153 = tpu.memref_squeeze %dma_wait3A_1152 : memref<1x128xi32, #tpu.memory_space<vmem>> -> memref<128xi32, #tpu.memory_space<vmem>>
    %dma_wait3A_1154 = arith.constant 0 : i32
    %dma_wait3A_1155 = arith.constant 0 : i32
    %dma_wait3A_1156 = tpu.memref_slice %arg21[%dma_wait3A_1154, %dma_wait3A_1155] : memref<1024x64xf32, #tpu.memory_space<vmem_shared>> -> memref<1024x64xf32, #tpu.memory_space<vmem_shared>>
    tpu.wait_indirect_dma semaphore(%arg30 : memref<!tpu.dma_semaphore, #tpu.memory_space<semaphore_mem>>) src(%dma_wait3A_1150 : memref<128x64xf32, #tpu.memory_space<vmem>>) dst(%dma_wait3A_1156 : memref<1024x64xf32, #tpu.memory_space<vmem_shared>>)
    %dma_wait3A_1157 = arith.constant 1 : i32
    %dma_wait3A_1158 = arith.constant 128 : i32
    %dma_wait3A_1159 = arith.constant 0 : i32
    %dma_wait3A_1160 = tpu.memref_slice %arg7[%dma_wait3A_1158, %dma_wait3A_1159] : memref<256x64xf32, #tpu.memory_space<vmem>> -> memref<128x64xf32, #tpu.memory_space<vmem>>
    %dma_wait3A_1161 = arith.constant 0 : i32
    %dma_wait3A_1162 = tpu.memref_slice %arg13[%dma_wait3A_1157, %dma_wait3A_1161] : memref<2x128xi32, #tpu.memory_space<vmem>> -> memref<1x128xi32, #tpu.memory_space<vmem>>
    %dma_wait3A_1163 = tpu.memref_squeeze %dma_wait3A_1162 : memref<1x128xi32, #tpu.memory_space<vmem>> -> memref<128xi32, #tpu.memory_space<vmem>>
    %dma_wait3A_1164 = arith.constant 0 : i32
    %dma_wait3A_1165 = arith.constant 0 : i32
    %dma_wait3A_1166 = tpu.memref_slice %arg21[%dma_wait3A_1164, %dma_wait3A_1165] : memref<1024x64xf32, #tpu.memory_space<vmem_shared>> -> memref<1024x64xf32, #tpu.memory_space<vmem_shared>>
    tpu.wait_indirect_dma semaphore(%arg30 : memref<!tpu.dma_semaphore, #tpu.memory_space<semaphore_mem>>) src(%dma_wait3A_1160 : memref<128x64xf32, #tpu.memory_space<vmem>>) dst(%dma_wait3A_1166 : memref<1024x64xf32, #tpu.memory_space<vmem_shared>>)
    %add3A_1167 = arith.constant 14 : i32
    %add3A_1168 = arith.addi %mul3A_2, %add3A_1167 : i32
    %mul3A_1169 = arith.constant 256 : i32
    %mul3A_1170 = arith.muli %add3A_1168, %mul3A_1169 : i32
    %dma_start3A_1171 = tpu.memref_slice %arg2[%mul3A_1170, %mul3A_0] : memref<100000x128xf32, #tpu.memory_space<hbm>> -> memref<256x64xf32, #tpu.memory_space<hbm>>
    %dma_start3A_1172 = tpu.memref_slice %arg2[%mul3A_1170, %mul3A_0] : memref<100000x128xf32, #tpu.memory_space<hbm>> -> memref<256x64xf32, #tpu.memory_space<hbm>>
    tpu.enqueue_dma source(%dma_start3A_1172 : memref<256x64xf32, #tpu.memory_space<hbm>>) target(%arg7 : memref<256x64xf32, #tpu.memory_space<vmem>>) target_semaphore(%arg24 : memref<!tpu.dma_semaphore, #tpu.memory_space<semaphore_mem>>)
    %add3A_1173 = arith.constant 0 : i32
    %add3A_1174 = arith.addi %mul3A_1170, %add3A_1173 : i32
    %dma_start3A_1175 = arith.constant 0 : i32
    %dma_start3A_1176 = arith.constant 0 : i32
    %dma_start3A_1177 = tpu.memref_slice %arg13[%dma_start3A_1175, %dma_start3A_1176] : memref<2x128xi32, #tpu.memory_space<vmem>> -> memref<1x128xi32, #tpu.memory_space<vmem>>
    %dma_start3A_1178 = tpu.memref_squeeze %dma_start3A_1177 : memref<1x128xi32, #tpu.memory_space<vmem>> -> memref<128xi32, #tpu.memory_space<vmem>>
    %dma_start3A_1179 = tpu.memref_slice %arg3[%add3A_1174] : memref<100000xi32, #tpu.memory_space<hbm>> -> memref<128xi32, #tpu.memory_space<hbm>>
    %dma_start3A_1180 = arith.constant 0 : i32
    %dma_start3A_1181 = tpu.memref_slice %arg13[%dma_start3A_1175, %dma_start3A_1180] : memref<2x128xi32, #tpu.memory_space<vmem>> -> memref<1x128xi32, #tpu.memory_space<vmem>>
    %dma_start3A_1182 = tpu.memref_squeeze %dma_start3A_1181 : memref<1x128xi32, #tpu.memory_space<vmem>> -> memref<128xi32, #tpu.memory_space<vmem>>
    %dma_start3A_1183 = tpu.memref_slice %arg3[%add3A_1174] : memref<100000xi32, #tpu.memory_space<hbm>> -> memref<128xi32, #tpu.memory_space<hbm>>
    tpu.enqueue_dma source(%dma_start3A_1183 : memref<128xi32, #tpu.memory_space<hbm>>) target(%dma_start3A_1182 : memref<128xi32, #tpu.memory_space<vmem>>) target_semaphore(%arg24 : memref<!tpu.dma_semaphore, #tpu.memory_space<semaphore_mem>>)
    %add3A_1184 = arith.constant 128 : i32
    %add3A_1185 = arith.addi %mul3A_1170, %add3A_1184 : i32
    %dma_start3A_1186 = arith.constant 1 : i32
    %dma_start3A_1187 = arith.constant 0 : i32
    %dma_start3A_1188 = tpu.memref_slice %arg13[%dma_start3A_1186, %dma_start3A_1187] : memref<2x128xi32, #tpu.memory_space<vmem>> -> memref<1x128xi32, #tpu.memory_space<vmem>>
    %dma_start3A_1189 = tpu.memref_squeeze %dma_start3A_1188 : memref<1x128xi32, #tpu.memory_space<vmem>> -> memref<128xi32, #tpu.memory_space<vmem>>
    %dma_start3A_1190 = tpu.memref_slice %arg3[%add3A_1185] : memref<100000xi32, #tpu.memory_space<hbm>> -> memref<128xi32, #tpu.memory_space<hbm>>
    %dma_start3A_1191 = arith.constant 0 : i32
    %dma_start3A_1192 = tpu.memref_slice %arg13[%dma_start3A_1186, %dma_start3A_1191] : memref<2x128xi32, #tpu.memory_space<vmem>> -> memref<1x128xi32, #tpu.memory_space<vmem>>
    %dma_start3A_1193 = tpu.memref_squeeze %dma_start3A_1192 : memref<1x128xi32, #tpu.memory_space<vmem>> -> memref<128xi32, #tpu.memory_space<vmem>>
    %dma_start3A_1194 = tpu.memref_slice %arg3[%add3A_1185] : memref<100000xi32, #tpu.memory_space<hbm>> -> memref<128xi32, #tpu.memory_space<hbm>>
    tpu.enqueue_dma source(%dma_start3A_1194 : memref<128xi32, #tpu.memory_space<hbm>>) target(%dma_start3A_1193 : memref<128xi32, #tpu.memory_space<vmem>>) target_semaphore(%arg24 : memref<!tpu.dma_semaphore, #tpu.memory_space<semaphore_mem>>)
    %dma_wait3A_1195 = arith.constant 0 : i32
    %dma_wait3A_1196 = arith.constant 0 : i32
    %dma_wait3A_1197 = arith.constant 0 : i32
    %dma_wait3A_1198 = tpu.memref_slice %arg8[%dma_wait3A_1196, %dma_wait3A_1197] : memref<256x64xf32, #tpu.memory_space<vmem>> -> memref<128x64xf32, #tpu.memory_space<vmem>>
    %dma_wait3A_1199 = arith.constant 0 : i32
    %dma_wait3A_1200 = tpu.memref_slice %arg14[%dma_wait3A_1195, %dma_wait3A_1199] : memref<2x128xi32, #tpu.memory_space<vmem>> -> memref<1x128xi32, #tpu.memory_space<vmem>>
    %dma_wait3A_1201 = tpu.memref_squeeze %dma_wait3A_1200 : memref<1x128xi32, #tpu.memory_space<vmem>> -> memref<128xi32, #tpu.memory_space<vmem>>
    %dma_wait3A_1202 = arith.constant 0 : i32
    %dma_wait3A_1203 = arith.constant 0 : i32
    %dma_wait3A_1204 = tpu.memref_slice %arg21[%dma_wait3A_1202, %dma_wait3A_1203] : memref<1024x64xf32, #tpu.memory_space<vmem_shared>> -> memref<1024x64xf32, #tpu.memory_space<vmem_shared>>
    tpu.wait_indirect_dma semaphore(%arg31 : memref<!tpu.dma_semaphore, #tpu.memory_space<semaphore_mem>>) src(%dma_wait3A_1198 : memref<128x64xf32, #tpu.memory_space<vmem>>) dst(%dma_wait3A_1204 : memref<1024x64xf32, #tpu.memory_space<vmem_shared>>)
    %dma_wait3A_1205 = arith.constant 1 : i32
    %dma_wait3A_1206 = arith.constant 128 : i32
    %dma_wait3A_1207 = arith.constant 0 : i32
    %dma_wait3A_1208 = tpu.memref_slice %arg8[%dma_wait3A_1206, %dma_wait3A_1207] : memref<256x64xf32, #tpu.memory_space<vmem>> -> memref<128x64xf32, #tpu.memory_space<vmem>>
    %dma_wait3A_1209 = arith.constant 0 : i32
    %dma_wait3A_1210 = tpu.memref_slice %arg14[%dma_wait3A_1205, %dma_wait3A_1209] : memref<2x128xi32, #tpu.memory_space<vmem>> -> memref<1x128xi32, #tpu.memory_space<vmem>>
    %dma_wait3A_1211 = tpu.memref_squeeze %dma_wait3A_1210 : memref<1x128xi32, #tpu.memory_space<vmem>> -> memref<128xi32, #tpu.memory_space<vmem>>
    %dma_wait3A_1212 = arith.constant 0 : i32
    %dma_wait3A_1213 = arith.constant 0 : i32
    %dma_wait3A_1214 = tpu.memref_slice %arg21[%dma_wait3A_1212, %dma_wait3A_1213] : memref<1024x64xf32, #tpu.memory_space<vmem_shared>> -> memref<1024x64xf32, #tpu.memory_space<vmem_shared>>
    tpu.wait_indirect_dma semaphore(%arg31 : memref<!tpu.dma_semaphore, #tpu.memory_space<semaphore_mem>>) src(%dma_wait3A_1208 : memref<128x64xf32, #tpu.memory_space<vmem>>) dst(%dma_wait3A_1214 : memref<1024x64xf32, #tpu.memory_space<vmem_shared>>)
    %add3A_1215 = arith.constant 15 : i32
    %add3A_1216 = arith.addi %mul3A_2, %add3A_1215 : i32
    %mul3A_1217 = arith.constant 256 : i32
    %mul3A_1218 = arith.muli %add3A_1216, %mul3A_1217 : i32
    %dma_start3A_1219 = tpu.memref_slice %arg2[%mul3A_1218, %mul3A_0] : memref<100000x128xf32, #tpu.memory_space<hbm>> -> memref<256x64xf32, #tpu.memory_space<hbm>>
    %dma_start3A_1220 = tpu.memref_slice %arg2[%mul3A_1218, %mul3A_0] : memref<100000x128xf32, #tpu.memory_space<hbm>> -> memref<256x64xf32, #tpu.memory_space<hbm>>
    tpu.enqueue_dma source(%dma_start3A_1220 : memref<256x64xf32, #tpu.memory_space<hbm>>) target(%arg8 : memref<256x64xf32, #tpu.memory_space<vmem>>) target_semaphore(%arg25 : memref<!tpu.dma_semaphore, #tpu.memory_space<semaphore_mem>>)
    %add3A_1221 = arith.constant 0 : i32
    %add3A_1222 = arith.addi %mul3A_1218, %add3A_1221 : i32
    %dma_start3A_1223 = arith.constant 0 : i32
    %dma_start3A_1224 = arith.constant 0 : i32
    %dma_start3A_1225 = tpu.memref_slice %arg14[%dma_start3A_1223, %dma_start3A_1224] : memref<2x128xi32, #tpu.memory_space<vmem>> -> memref<1x128xi32, #tpu.memory_space<vmem>>
    %dma_start3A_1226 = tpu.memref_squeeze %dma_start3A_1225 : memref<1x128xi32, #tpu.memory_space<vmem>> -> memref<128xi32, #tpu.memory_space<vmem>>
    %dma_start3A_1227 = tpu.memref_slice %arg3[%add3A_1222] : memref<100000xi32, #tpu.memory_space<hbm>> -> memref<128xi32, #tpu.memory_space<hbm>>
    %dma_start3A_1228 = arith.constant 0 : i32
    %dma_start3A_1229 = tpu.memref_slice %arg14[%dma_start3A_1223, %dma_start3A_1228] : memref<2x128xi32, #tpu.memory_space<vmem>> -> memref<1x128xi32, #tpu.memory_space<vmem>>
    %dma_start3A_1230 = tpu.memref_squeeze %dma_start3A_1229 : memref<1x128xi32, #tpu.memory_space<vmem>> -> memref<128xi32, #tpu.memory_space<vmem>>
    %dma_start3A_1231 = tpu.memref_slice %arg3[%add3A_1222] : memref<100000xi32, #tpu.memory_space<hbm>> -> memref<128xi32, #tpu.memory_space<hbm>>
    tpu.enqueue_dma source(%dma_start3A_1231 : memref<128xi32, #tpu.memory_space<hbm>>) target(%dma_start3A_1230 : memref<128xi32, #tpu.memory_space<vmem>>) target_semaphore(%arg25 : memref<!tpu.dma_semaphore, #tpu.memory_space<semaphore_mem>>)
    %add3A_1232 = arith.constant 128 : i32
    %add3A_1233 = arith.addi %mul3A_1218, %add3A_1232 : i32
    %dma_start3A_1234 = arith.constant 1 : i32
    %dma_start3A_1235 = arith.constant 0 : i32
    %dma_start3A_1236 = tpu.memref_slice %arg14[%dma_start3A_1234, %dma_start3A_1235] : memref<2x128xi32, #tpu.memory_space<vmem>> -> memref<1x128xi32, #tpu.memory_space<vmem>>
    %dma_start3A_1237 = tpu.memref_squeeze %dma_start3A_1236 : memref<1x128xi32, #tpu.memory_space<vmem>> -> memref<128xi32, #tpu.memory_space<vmem>>
    %dma_start3A_1238 = tpu.memref_slice %arg3[%add3A_1233] : memref<100000xi32, #tpu.memory_space<hbm>> -> memref<128xi32, #tpu.memory_space<hbm>>
    %dma_start3A_1239 = arith.constant 0 : i32
    %dma_start3A_1240 = tpu.memref_slice %arg14[%dma_start3A_1234, %dma_start3A_1239] : memref<2x128xi32, #tpu.memory_space<vmem>> -> memref<1x128xi32, #tpu.memory_space<vmem>>
    %dma_start3A_1241 = tpu.memref_squeeze %dma_start3A_1240 : memref<1x128xi32, #tpu.memory_space<vmem>> -> memref<128xi32, #tpu.memory_space<vmem>>
    %dma_start3A_1242 = tpu.memref_slice %arg3[%add3A_1233] : memref<100000xi32, #tpu.memory_space<hbm>> -> memref<128xi32, #tpu.memory_space<hbm>>
    tpu.enqueue_dma source(%dma_start3A_1242 : memref<128xi32, #tpu.memory_space<hbm>>) target(%dma_start3A_1241 : memref<128xi32, #tpu.memory_space<vmem>>) target_semaphore(%arg25 : memref<!tpu.dma_semaphore, #tpu.memory_space<semaphore_mem>>)
    %dma_wait3A_1243 = arith.constant 0 : i32
    %dma_wait3A_1244 = arith.constant 0 : i32
    %dma_wait3A_1245 = arith.constant 0 : i32
    %dma_wait3A_1246 = tpu.memref_slice %arg9[%dma_wait3A_1244, %dma_wait3A_1245] : memref<256x64xf32, #tpu.memory_space<vmem>> -> memref<128x64xf32, #tpu.memory_space<vmem>>
    %dma_wait3A_1247 = arith.constant 0 : i32
    %dma_wait3A_1248 = tpu.memref_slice %arg15[%dma_wait3A_1243, %dma_wait3A_1247] : memref<2x128xi32, #tpu.memory_space<vmem>> -> memref<1x128xi32, #tpu.memory_space<vmem>>
    %dma_wait3A_1249 = tpu.memref_squeeze %dma_wait3A_1248 : memref<1x128xi32, #tpu.memory_space<vmem>> -> memref<128xi32, #tpu.memory_space<vmem>>
    %dma_wait3A_1250 = arith.constant 0 : i32
    %dma_wait3A_1251 = arith.constant 0 : i32
    %dma_wait3A_1252 = tpu.memref_slice %arg21[%dma_wait3A_1250, %dma_wait3A_1251] : memref<1024x64xf32, #tpu.memory_space<vmem_shared>> -> memref<1024x64xf32, #tpu.memory_space<vmem_shared>>
    tpu.wait_indirect_dma semaphore(%arg32 : memref<!tpu.dma_semaphore, #tpu.memory_space<semaphore_mem>>) src(%dma_wait3A_1246 : memref<128x64xf32, #tpu.memory_space<vmem>>) dst(%dma_wait3A_1252 : memref<1024x64xf32, #tpu.memory_space<vmem_shared>>)
    %dma_wait3A_1253 = arith.constant 1 : i32
    %dma_wait3A_1254 = arith.constant 128 : i32
    %dma_wait3A_1255 = arith.constant 0 : i32
    %dma_wait3A_1256 = tpu.memref_slice %arg9[%dma_wait3A_1254, %dma_wait3A_1255] : memref<256x64xf32, #tpu.memory_space<vmem>> -> memref<128x64xf32, #tpu.memory_space<vmem>>
    %dma_wait3A_1257 = arith.constant 0 : i32
    %dma_wait3A_1258 = tpu.memref_slice %arg15[%dma_wait3A_1253, %dma_wait3A_1257] : memref<2x128xi32, #tpu.memory_space<vmem>> -> memref<1x128xi32, #tpu.memory_space<vmem>>
    %dma_wait3A_1259 = tpu.memref_squeeze %dma_wait3A_1258 : memref<1x128xi32, #tpu.memory_space<vmem>> -> memref<128xi32, #tpu.memory_space<vmem>>
    %dma_wait3A_1260 = arith.constant 0 : i32
    %dma_wait3A_1261 = arith.constant 0 : i32
    %dma_wait3A_1262 = tpu.memref_slice %arg21[%dma_wait3A_1260, %dma_wait3A_1261] : memref<1024x64xf32, #tpu.memory_space<vmem_shared>> -> memref<1024x64xf32, #tpu.memory_space<vmem_shared>>
    tpu.wait_indirect_dma semaphore(%arg32 : memref<!tpu.dma_semaphore, #tpu.memory_space<semaphore_mem>>) src(%dma_wait3A_1256 : memref<128x64xf32, #tpu.memory_space<vmem>>) dst(%dma_wait3A_1262 : memref<1024x64xf32, #tpu.memory_space<vmem_shared>>)
    %dma_wait3A_1263 = arith.constant 0 : i32
    %dma_wait3A_1264 = arith.constant 0 : i32
    %dma_wait3A_1265 = arith.constant 0 : i32
    %dma_wait3A_1266 = tpu.memref_slice %arg10[%dma_wait3A_1264, %dma_wait3A_1265] : memref<256x64xf32, #tpu.memory_space<vmem>> -> memref<128x64xf32, #tpu.memory_space<vmem>>
    %dma_wait3A_1267 = arith.constant 0 : i32
    %dma_wait3A_1268 = tpu.memref_slice %arg16[%dma_wait3A_1263, %dma_wait3A_1267] : memref<2x128xi32, #tpu.memory_space<vmem>> -> memref<1x128xi32, #tpu.memory_space<vmem>>
    %dma_wait3A_1269 = tpu.memref_squeeze %dma_wait3A_1268 : memref<1x128xi32, #tpu.memory_space<vmem>> -> memref<128xi32, #tpu.memory_space<vmem>>
    %dma_wait3A_1270 = arith.constant 0 : i32
    %dma_wait3A_1271 = arith.constant 0 : i32
    %dma_wait3A_1272 = tpu.memref_slice %arg21[%dma_wait3A_1270, %dma_wait3A_1271] : memref<1024x64xf32, #tpu.memory_space<vmem_shared>> -> memref<1024x64xf32, #tpu.memory_space<vmem_shared>>
    tpu.wait_indirect_dma semaphore(%arg33 : memref<!tpu.dma_semaphore, #tpu.memory_space<semaphore_mem>>) src(%dma_wait3A_1266 : memref<128x64xf32, #tpu.memory_space<vmem>>) dst(%dma_wait3A_1272 : memref<1024x64xf32, #tpu.memory_space<vmem_shared>>)
    %dma_wait3A_1273 = arith.constant 1 : i32
    %dma_wait3A_1274 = arith.constant 128 : i32
    %dma_wait3A_1275 = arith.constant 0 : i32
    %dma_wait3A_1276 = tpu.memref_slice %arg10[%dma_wait3A_1274, %dma_wait3A_1275] : memref<256x64xf32, #tpu.memory_space<vmem>> -> memref<128x64xf32, #tpu.memory_space<vmem>>
    %dma_wait3A_1277 = arith.constant 0 : i32
    %dma_wait3A_1278 = tpu.memref_slice %arg16[%dma_wait3A_1273, %dma_wait3A_1277] : memref<2x128xi32, #tpu.memory_space<vmem>> -> memref<1x128xi32, #tpu.memory_space<vmem>>
    %dma_wait3A_1279 = tpu.memref_squeeze %dma_wait3A_1278 : memref<1x128xi32, #tpu.memory_space<vmem>> -> memref<128xi32, #tpu.memory_space<vmem>>
    %dma_wait3A_1280 = arith.constant 0 : i32
    %dma_wait3A_1281 = arith.constant 0 : i32
    %dma_wait3A_1282 = tpu.memref_slice %arg21[%dma_wait3A_1280, %dma_wait3A_1281] : memref<1024x64xf32, #tpu.memory_space<vmem_shared>> -> memref<1024x64xf32, #tpu.memory_space<vmem_shared>>
    tpu.wait_indirect_dma semaphore(%arg33 : memref<!tpu.dma_semaphore, #tpu.memory_space<semaphore_mem>>) src(%dma_wait3A_1276 : memref<128x64xf32, #tpu.memory_space<vmem>>) dst(%dma_wait3A_1282 : memref<1024x64xf32, #tpu.memory_space<vmem_shared>>)
    %dma_wait3A_1283 = arith.constant 0 : i32
    %dma_wait3A_1284 = arith.constant 0 : i32
    %dma_wait3A_1285 = tpu.memref_slice %arg2[%dma_wait3A_1283, %dma_wait3A_1284] : memref<100000x128xf32, #tpu.memory_space<hbm>> -> memref<256x64xf32, #tpu.memory_space<hbm>>
    %dma_wait3A_1286 = arith.constant 0 : i32
    %dma_wait3A_1287 = arith.constant 0 : i32
    %dma_wait3A_1288 = tpu.memref_slice %arg2[%dma_wait3A_1286, %dma_wait3A_1287] : memref<100000x128xf32, #tpu.memory_space<hbm>> -> memref<256x64xf32, #tpu.memory_space<hbm>>
    tpu.wait_dma2 semaphore(%arg22 : memref<!tpu.dma_semaphore, #tpu.memory_space<semaphore_mem>>) src(%dma_wait3A_1288 : memref<256x64xf32, #tpu.memory_space<hbm>>) dst(%arg5 : memref<256x64xf32, #tpu.memory_space<vmem>>)
    %dma_wait3A_1289 = arith.constant 0 : i32
    %dma_wait3A_1290 = arith.constant 0 : i32
    %dma_wait3A_1291 = tpu.memref_slice %arg11[%dma_wait3A_1289, %dma_wait3A_1290] : memref<2x128xi32, #tpu.memory_space<vmem>> -> memref<1x128xi32, #tpu.memory_space<vmem>>
    %dma_wait3A_1292 = tpu.memref_squeeze %dma_wait3A_1291 : memref<1x128xi32, #tpu.memory_space<vmem>> -> memref<128xi32, #tpu.memory_space<vmem>>
    %dma_wait3A_1293 = arith.constant 0 : i32
    %dma_wait3A_1294 = tpu.memref_slice %arg3[%dma_wait3A_1293] : memref<100000xi32, #tpu.memory_space<hbm>> -> memref<128xi32, #tpu.memory_space<hbm>>
    %dma_wait3A_1295 = arith.constant 0 : i32
    %dma_wait3A_1296 = tpu.memref_slice %arg11[%dma_wait3A_1289, %dma_wait3A_1295] : memref<2x128xi32, #tpu.memory_space<vmem>> -> memref<1x128xi32, #tpu.memory_space<vmem>>
    %dma_wait3A_1297 = tpu.memref_squeeze %dma_wait3A_1296 : memref<1x128xi32, #tpu.memory_space<vmem>> -> memref<128xi32, #tpu.memory_space<vmem>>
    %dma_wait3A_1298 = arith.constant 0 : i32
    %dma_wait3A_1299 = tpu.memref_slice %arg3[%dma_wait3A_1298] : memref<100000xi32, #tpu.memory_space<hbm>> -> memref<128xi32, #tpu.memory_space<hbm>>
    tpu.wait_dma2 semaphore(%arg22 : memref<!tpu.dma_semaphore, #tpu.memory_space<semaphore_mem>>) src(%dma_wait3A_1299 : memref<128xi32, #tpu.memory_space<hbm>>) dst(%dma_wait3A_1297 : memref<128xi32, #tpu.memory_space<vmem>>)
    %dma_wait3A_1300 = arith.constant 1 : i32
    %dma_wait3A_1301 = arith.constant 0 : i32
    %dma_wait3A_1302 = tpu.memref_slice %arg11[%dma_wait3A_1300, %dma_wait3A_1301] : memref<2x128xi32, #tpu.memory_space<vmem>> -> memref<1x128xi32, #tpu.memory_space<vmem>>
    %dma_wait3A_1303 = tpu.memref_squeeze %dma_wait3A_1302 : memref<1x128xi32, #tpu.memory_space<vmem>> -> memref<128xi32, #tpu.memory_space<vmem>>
    %dma_wait3A_1304 = arith.constant 0 : i32
    %dma_wait3A_1305 = tpu.memref_slice %arg3[%dma_wait3A_1304] : memref<100000xi32, #tpu.memory_space<hbm>> -> memref<128xi32, #tpu.memory_space<hbm>>
    %dma_wait3A_1306 = arith.constant 0 : i32
    %dma_wait3A_1307 = tpu.memref_slice %arg11[%dma_wait3A_1300, %dma_wait3A_1306] : memref<2x128xi32, #tpu.memory_space<vmem>> -> memref<1x128xi32, #tpu.memory_space<vmem>>
    %dma_wait3A_1308 = tpu.memref_squeeze %dma_wait3A_1307 : memref<1x128xi32, #tpu.memory_space<vmem>> -> memref<128xi32, #tpu.memory_space<vmem>>
    %dma_wait3A_1309 = arith.constant 0 : i32
    %dma_wait3A_1310 = tpu.memref_slice %arg3[%dma_wait3A_1309] : memref<100000xi32, #tpu.memory_space<hbm>> -> memref<128xi32, #tpu.memory_space<hbm>>
    tpu.wait_dma2 semaphore(%arg22 : memref<!tpu.dma_semaphore, #tpu.memory_space<semaphore_mem>>) src(%dma_wait3A_1310 : memref<128xi32, #tpu.memory_space<hbm>>) dst(%dma_wait3A_1308 : memref<128xi32, #tpu.memory_space<vmem>>)
    %dma_start3A_1311 = arith.constant 0 : i32
    %dma_start3A_1312 = arith.constant 0 : i32
    %dma_start3A_1313 = arith.constant 0 : i32
    %dma_start3A_1314 = tpu.memref_slice %arg5[%dma_start3A_1312, %dma_start3A_1313] : memref<256x64xf32, #tpu.memory_space<vmem>> -> memref<128x64xf32, #tpu.memory_space<vmem>>
    %dma_start3A_1315 = arith.constant 0 : i32
    %dma_start3A_1316 = tpu.memref_slice %arg11[%dma_start3A_1311, %dma_start3A_1315] : memref<2x128xi32, #tpu.memory_space<vmem>> -> memref<1x128xi32, #tpu.memory_space<vmem>>
    %dma_start3A_1317 = tpu.memref_squeeze %dma_start3A_1316 : memref<1x128xi32, #tpu.memory_space<vmem>> -> memref<128xi32, #tpu.memory_space<vmem>>
    %dma_start3A_1318 = arith.constant 0 : i32
    %dma_start3A_1319 = arith.constant 0 : i32
    %dma_start3A_1320 = tpu.memref_slice %arg21[%dma_start3A_1318, %dma_start3A_1319] : memref<1024x64xf32, #tpu.memory_space<vmem_shared>> -> memref<1024x64xf32, #tpu.memory_space<vmem_shared>>
    tpu.enqueue_indirect_dma source(%dma_start3A_1314 : memref<128x64xf32, #tpu.memory_space<vmem>>) target(%dma_start3A_1320 : memref<1024x64xf32, #tpu.memory_space<vmem_shared>>) offsets(%dma_start3A_1317 : memref<128xi32, #tpu.memory_space<vmem>>) semaphore(%arg28 : memref<!tpu.dma_semaphore, #tpu.memory_space<semaphore_mem>>) {add = true}
    %dma_start3A_1321 = arith.constant 1 : i32
    %dma_start3A_1322 = arith.constant 128 : i32
    %dma_start3A_1323 = arith.constant 0 : i32
    %dma_start3A_1324 = tpu.memref_slice %arg5[%dma_start3A_1322, %dma_start3A_1323] : memref<256x64xf32, #tpu.memory_space<vmem>> -> memref<128x64xf32, #tpu.memory_space<vmem>>
    %dma_start3A_1325 = arith.constant 0 : i32
    %dma_start3A_1326 = tpu.memref_slice %arg11[%dma_start3A_1321, %dma_start3A_1325] : memref<2x128xi32, #tpu.memory_space<vmem>> -> memref<1x128xi32, #tpu.memory_space<vmem>>
    %dma_start3A_1327 = tpu.memref_squeeze %dma_start3A_1326 : memref<1x128xi32, #tpu.memory_space<vmem>> -> memref<128xi32, #tpu.memory_space<vmem>>
    %dma_start3A_1328 = arith.constant 0 : i32
    %dma_start3A_1329 = arith.constant 0 : i32
    %dma_start3A_1330 = tpu.memref_slice %arg21[%dma_start3A_1328, %dma_start3A_1329] : memref<1024x64xf32, #tpu.memory_space<vmem_shared>> -> memref<1024x64xf32, #tpu.memory_space<vmem_shared>>
    tpu.enqueue_indirect_dma source(%dma_start3A_1324 : memref<128x64xf32, #tpu.memory_space<vmem>>) target(%dma_start3A_1330 : memref<1024x64xf32, #tpu.memory_space<vmem_shared>>) offsets(%dma_start3A_1327 : memref<128xi32, #tpu.memory_space<vmem>>) semaphore(%arg28 : memref<!tpu.dma_semaphore, #tpu.memory_space<semaphore_mem>>) {add = true}
    %dma_wait3A_1331 = arith.constant 0 : i32
    %dma_wait3A_1332 = arith.constant 0 : i32
    %dma_wait3A_1333 = tpu.memref_slice %arg2[%dma_wait3A_1331, %dma_wait3A_1332] : memref<100000x128xf32, #tpu.memory_space<hbm>> -> memref<256x64xf32, #tpu.memory_space<hbm>>
    %dma_wait3A_1334 = arith.constant 0 : i32
    %dma_wait3A_1335 = arith.constant 0 : i32
    %dma_wait3A_1336 = tpu.memref_slice %arg2[%dma_wait3A_1334, %dma_wait3A_1335] : memref<100000x128xf32, #tpu.memory_space<hbm>> -> memref<256x64xf32, #tpu.memory_space<hbm>>
    tpu.wait_dma2 semaphore(%arg23 : memref<!tpu.dma_semaphore, #tpu.memory_space<semaphore_mem>>) src(%dma_wait3A_1336 : memref<256x64xf32, #tpu.memory_space<hbm>>) dst(%arg6 : memref<256x64xf32, #tpu.memory_space<vmem>>)
    %dma_wait3A_1337 = arith.constant 0 : i32
    %dma_wait3A_1338 = arith.constant 0 : i32
    %dma_wait3A_1339 = tpu.memref_slice %arg12[%dma_wait3A_1337, %dma_wait3A_1338] : memref<2x128xi32, #tpu.memory_space<vmem>> -> memref<1x128xi32, #tpu.memory_space<vmem>>
    %dma_wait3A_1340 = tpu.memref_squeeze %dma_wait3A_1339 : memref<1x128xi32, #tpu.memory_space<vmem>> -> memref<128xi32, #tpu.memory_space<vmem>>
    %dma_wait3A_1341 = arith.constant 0 : i32
    %dma_wait3A_1342 = tpu.memref_slice %arg3[%dma_wait3A_1341] : memref<100000xi32, #tpu.memory_space<hbm>> -> memref<128xi32, #tpu.memory_space<hbm>>
    %dma_wait3A_1343 = arith.constant 0 : i32
    %dma_wait3A_1344 = tpu.memref_slice %arg12[%dma_wait3A_1337, %dma_wait3A_1343] : memref<2x128xi32, #tpu.memory_space<vmem>> -> memref<1x128xi32, #tpu.memory_space<vmem>>
    %dma_wait3A_1345 = tpu.memref_squeeze %dma_wait3A_1344 : memref<1x128xi32, #tpu.memory_space<vmem>> -> memref<128xi32, #tpu.memory_space<vmem>>
    %dma_wait3A_1346 = arith.constant 0 : i32
    %dma_wait3A_1347 = tpu.memref_slice %arg3[%dma_wait3A_1346] : memref<100000xi32, #tpu.memory_space<hbm>> -> memref<128xi32, #tpu.memory_space<hbm>>
    tpu.wait_dma2 semaphore(%arg23 : memref<!tpu.dma_semaphore, #tpu.memory_space<semaphore_mem>>) src(%dma_wait3A_1347 : memref<128xi32, #tpu.memory_space<hbm>>) dst(%dma_wait3A_1345 : memref<128xi32, #tpu.memory_space<vmem>>)
    %dma_wait3A_1348 = arith.constant 1 : i32
    %dma_wait3A_1349 = arith.constant 0 : i32
    %dma_wait3A_1350 = tpu.memref_slice %arg12[%dma_wait3A_1348, %dma_wait3A_1349] : memref<2x128xi32, #tpu.memory_space<vmem>> -> memref<1x128xi32, #tpu.memory_space<vmem>>
    %dma_wait3A_1351 = tpu.memref_squeeze %dma_wait3A_1350 : memref<1x128xi32, #tpu.memory_space<vmem>> -> memref<128xi32, #tpu.memory_space<vmem>>
    %dma_wait3A_1352 = arith.constant 0 : i32
    %dma_wait3A_1353 = tpu.memref_slice %arg3[%dma_wait3A_1352] : memref<100000xi32, #tpu.memory_space<hbm>> -> memref<128xi32, #tpu.memory_space<hbm>>
    %dma_wait3A_1354 = arith.constant 0 : i32
    %dma_wait3A_1355 = tpu.memref_slice %arg12[%dma_wait3A_1348, %dma_wait3A_1354] : memref<2x128xi32, #tpu.memory_space<vmem>> -> memref<1x128xi32, #tpu.memory_space<vmem>>
    %dma_wait3A_1356 = tpu.memref_squeeze %dma_wait3A_1355 : memref<1x128xi32, #tpu.memory_space<vmem>> -> memref<128xi32, #tpu.memory_space<vmem>>
    %dma_wait3A_1357 = arith.constant 0 : i32
    %dma_wait3A_1358 = tpu.memref_slice %arg3[%dma_wait3A_1357] : memref<100000xi32, #tpu.memory_space<hbm>> -> memref<128xi32, #tpu.memory_space<hbm>>
    tpu.wait_dma2 semaphore(%arg23 : memref<!tpu.dma_semaphore, #tpu.memory_space<semaphore_mem>>) src(%dma_wait3A_1358 : memref<128xi32, #tpu.memory_space<hbm>>) dst(%dma_wait3A_1356 : memref<128xi32, #tpu.memory_space<vmem>>)
    %dma_start3A_1359 = arith.constant 0 : i32
    %dma_start3A_1360 = arith.constant 0 : i32
    %dma_start3A_1361 = arith.constant 0 : i32
    %dma_start3A_1362 = tpu.memref_slice %arg6[%dma_start3A_1360, %dma_start3A_1361] : memref<256x64xf32, #tpu.memory_space<vmem>> -> memref<128x64xf32, #tpu.memory_space<vmem>>
    %dma_start3A_1363 = arith.constant 0 : i32
    %dma_start3A_1364 = tpu.memref_slice %arg12[%dma_start3A_1359, %dma_start3A_1363] : memref<2x128xi32, #tpu.memory_space<vmem>> -> memref<1x128xi32, #tpu.memory_space<vmem>>
    %dma_start3A_1365 = tpu.memref_squeeze %dma_start3A_1364 : memref<1x128xi32, #tpu.memory_space<vmem>> -> memref<128xi32, #tpu.memory_space<vmem>>
    %dma_start3A_1366 = arith.constant 0 : i32
    %dma_start3A_1367 = arith.constant 0 : i32
    %dma_start3A_1368 = tpu.memref_slice %arg21[%dma_start3A_1366, %dma_start3A_1367] : memref<1024x64xf32, #tpu.memory_space<vmem_shared>> -> memref<1024x64xf32, #tpu.memory_space<vmem_shared>>
    tpu.enqueue_indirect_dma source(%dma_start3A_1362 : memref<128x64xf32, #tpu.memory_space<vmem>>) target(%dma_start3A_1368 : memref<1024x64xf32, #tpu.memory_space<vmem_shared>>) offsets(%dma_start3A_1365 : memref<128xi32, #tpu.memory_space<vmem>>) semaphore(%arg29 : memref<!tpu.dma_semaphore, #tpu.memory_space<semaphore_mem>>) {add = true}
    %dma_start3A_1369 = arith.constant 1 : i32
    %dma_start3A_1370 = arith.constant 128 : i32
    %dma_start3A_1371 = arith.constant 0 : i32
    %dma_start3A_1372 = tpu.memref_slice %arg6[%dma_start3A_1370, %dma_start3A_1371] : memref<256x64xf32, #tpu.memory_space<vmem>> -> memref<128x64xf32, #tpu.memory_space<vmem>>
    %dma_start3A_1373 = arith.constant 0 : i32
    %dma_start3A_1374 = tpu.memref_slice %arg12[%dma_start3A_1369, %dma_start3A_1373] : memref<2x128xi32, #tpu.memory_space<vmem>> -> memref<1x128xi32, #tpu.memory_space<vmem>>
    %dma_start3A_1375 = tpu.memref_squeeze %dma_start3A_1374 : memref<1x128xi32, #tpu.memory_space<vmem>> -> memref<128xi32, #tpu.memory_space<vmem>>
    %dma_start3A_1376 = arith.constant 0 : i32
    %dma_start3A_1377 = arith.constant 0 : i32
    %dma_start3A_1378 = tpu.memref_slice %arg21[%dma_start3A_1376, %dma_start3A_1377] : memref<1024x64xf32, #tpu.memory_space<vmem_shared>> -> memref<1024x64xf32, #tpu.memory_space<vmem_shared>>
    tpu.enqueue_indirect_dma source(%dma_start3A_1372 : memref<128x64xf32, #tpu.memory_space<vmem>>) target(%dma_start3A_1378 : memref<1024x64xf32, #tpu.memory_space<vmem_shared>>) offsets(%dma_start3A_1375 : memref<128xi32, #tpu.memory_space<vmem>>) semaphore(%arg29 : memref<!tpu.dma_semaphore, #tpu.memory_space<semaphore_mem>>) {add = true}
    %dma_wait3A_1379 = arith.constant 0 : i32
    %dma_wait3A_1380 = arith.constant 0 : i32
    %dma_wait3A_1381 = tpu.memref_slice %arg2[%dma_wait3A_1379, %dma_wait3A_1380] : memref<100000x128xf32, #tpu.memory_space<hbm>> -> memref<256x64xf32, #tpu.memory_space<hbm>>
    %dma_wait3A_1382 = arith.constant 0 : i32
    %dma_wait3A_1383 = arith.constant 0 : i32
    %dma_wait3A_1384 = tpu.memref_slice %arg2[%dma_wait3A_1382, %dma_wait3A_1383] : memref<100000x128xf32, #tpu.memory_space<hbm>> -> memref<256x64xf32, #tpu.memory_space<hbm>>
    tpu.wait_dma2 semaphore(%arg24 : memref<!tpu.dma_semaphore, #tpu.memory_space<semaphore_mem>>) src(%dma_wait3A_1384 : memref<256x64xf32, #tpu.memory_space<hbm>>) dst(%arg7 : memref<256x64xf32, #tpu.memory_space<vmem>>)
    %dma_wait3A_1385 = arith.constant 0 : i32
    %dma_wait3A_1386 = arith.constant 0 : i32
    %dma_wait3A_1387 = tpu.memref_slice %arg13[%dma_wait3A_1385, %dma_wait3A_1386] : memref<2x128xi32, #tpu.memory_space<vmem>> -> memref<1x128xi32, #tpu.memory_space<vmem>>
    %dma_wait3A_1388 = tpu.memref_squeeze %dma_wait3A_1387 : memref<1x128xi32, #tpu.memory_space<vmem>> -> memref<128xi32, #tpu.memory_space<vmem>>
    %dma_wait3A_1389 = arith.constant 0 : i32
    %dma_wait3A_1390 = tpu.memref_slice %arg3[%dma_wait3A_1389] : memref<100000xi32, #tpu.memory_space<hbm>> -> memref<128xi32, #tpu.memory_space<hbm>>
    %dma_wait3A_1391 = arith.constant 0 : i32
    %dma_wait3A_1392 = tpu.memref_slice %arg13[%dma_wait3A_1385, %dma_wait3A_1391] : memref<2x128xi32, #tpu.memory_space<vmem>> -> memref<1x128xi32, #tpu.memory_space<vmem>>
    %dma_wait3A_1393 = tpu.memref_squeeze %dma_wait3A_1392 : memref<1x128xi32, #tpu.memory_space<vmem>> -> memref<128xi32, #tpu.memory_space<vmem>>
    %dma_wait3A_1394 = arith.constant 0 : i32
    %dma_wait3A_1395 = tpu.memref_slice %arg3[%dma_wait3A_1394] : memref<100000xi32, #tpu.memory_space<hbm>> -> memref<128xi32, #tpu.memory_space<hbm>>
    tpu.wait_dma2 semaphore(%arg24 : memref<!tpu.dma_semaphore, #tpu.memory_space<semaphore_mem>>) src(%dma_wait3A_1395 : memref<128xi32, #tpu.memory_space<hbm>>) dst(%dma_wait3A_1393 : memref<128xi32, #tpu.memory_space<vmem>>)
    %dma_wait3A_1396 = arith.constant 1 : i32
    %dma_wait3A_1397 = arith.constant 0 : i32
    %dma_wait3A_1398 = tpu.memref_slice %arg13[%dma_wait3A_1396, %dma_wait3A_1397] : memref<2x128xi32, #tpu.memory_space<vmem>> -> memref<1x128xi32, #tpu.memory_space<vmem>>
    %dma_wait3A_1399 = tpu.memref_squeeze %dma_wait3A_1398 : memref<1x128xi32, #tpu.memory_space<vmem>> -> memref<128xi32, #tpu.memory_space<vmem>>
    %dma_wait3A_1400 = arith.constant 0 : i32
    %dma_wait3A_1401 = tpu.memref_slice %arg3[%dma_wait3A_1400] : memref<100000xi32, #tpu.memory_space<hbm>> -> memref<128xi32, #tpu.memory_space<hbm>>
    %dma_wait3A_1402 = arith.constant 0 : i32
    %dma_wait3A_1403 = tpu.memref_slice %arg13[%dma_wait3A_1396, %dma_wait3A_1402] : memref<2x128xi32, #tpu.memory_space<vmem>> -> memref<1x128xi32, #tpu.memory_space<vmem>>
    %dma_wait3A_1404 = tpu.memref_squeeze %dma_wait3A_1403 : memref<1x128xi32, #tpu.memory_space<vmem>> -> memref<128xi32, #tpu.memory_space<vmem>>
    %dma_wait3A_1405 = arith.constant 0 : i32
    %dma_wait3A_1406 = tpu.memref_slice %arg3[%dma_wait3A_1405] : memref<100000xi32, #tpu.memory_space<hbm>> -> memref<128xi32, #tpu.memory_space<hbm>>
    tpu.wait_dma2 semaphore(%arg24 : memref<!tpu.dma_semaphore, #tpu.memory_space<semaphore_mem>>) src(%dma_wait3A_1406 : memref<128xi32, #tpu.memory_space<hbm>>) dst(%dma_wait3A_1404 : memref<128xi32, #tpu.memory_space<vmem>>)
    %dma_start3A_1407 = arith.constant 0 : i32
    %dma_start3A_1408 = arith.constant 0 : i32
    %dma_start3A_1409 = arith.constant 0 : i32
    %dma_start3A_1410 = tpu.memref_slice %arg7[%dma_start3A_1408, %dma_start3A_1409] : memref<256x64xf32, #tpu.memory_space<vmem>> -> memref<128x64xf32, #tpu.memory_space<vmem>>
    %dma_start3A_1411 = arith.constant 0 : i32
    %dma_start3A_1412 = tpu.memref_slice %arg13[%dma_start3A_1407, %dma_start3A_1411] : memref<2x128xi32, #tpu.memory_space<vmem>> -> memref<1x128xi32, #tpu.memory_space<vmem>>
    %dma_start3A_1413 = tpu.memref_squeeze %dma_start3A_1412 : memref<1x128xi32, #tpu.memory_space<vmem>> -> memref<128xi32, #tpu.memory_space<vmem>>
    %dma_start3A_1414 = arith.constant 0 : i32
    %dma_start3A_1415 = arith.constant 0 : i32
    %dma_start3A_1416 = tpu.memref_slice %arg21[%dma_start3A_1414, %dma_start3A_1415] : memref<1024x64xf32, #tpu.memory_space<vmem_shared>> -> memref<1024x64xf32, #tpu.memory_space<vmem_shared>>
    tpu.enqueue_indirect_dma source(%dma_start3A_1410 : memref<128x64xf32, #tpu.memory_space<vmem>>) target(%dma_start3A_1416 : memref<1024x64xf32, #tpu.memory_space<vmem_shared>>) offsets(%dma_start3A_1413 : memref<128xi32, #tpu.memory_space<vmem>>) semaphore(%arg30 : memref<!tpu.dma_semaphore, #tpu.memory_space<semaphore_mem>>) {add = true}
    %dma_start3A_1417 = arith.constant 1 : i32
    %dma_start3A_1418 = arith.constant 128 : i32
    %dma_start3A_1419 = arith.constant 0 : i32
    %dma_start3A_1420 = tpu.memref_slice %arg7[%dma_start3A_1418, %dma_start3A_1419] : memref<256x64xf32, #tpu.memory_space<vmem>> -> memref<128x64xf32, #tpu.memory_space<vmem>>
    %dma_start3A_1421 = arith.constant 0 : i32
    %dma_start3A_1422 = tpu.memref_slice %arg13[%dma_start3A_1417, %dma_start3A_1421] : memref<2x128xi32, #tpu.memory_space<vmem>> -> memref<1x128xi32, #tpu.memory_space<vmem>>
    %dma_start3A_1423 = tpu.memref_squeeze %dma_start3A_1422 : memref<1x128xi32, #tpu.memory_space<vmem>> -> memref<128xi32, #tpu.memory_space<vmem>>
    %dma_start3A_1424 = arith.constant 0 : i32
    %dma_start3A_1425 = arith.constant 0 : i32
    %dma_start3A_1426 = tpu.memref_slice %arg21[%dma_start3A_1424, %dma_start3A_1425] : memref<1024x64xf32, #tpu.memory_space<vmem_shared>> -> memref<1024x64xf32, #tpu.memory_space<vmem_shared>>
    tpu.enqueue_indirect_dma source(%dma_start3A_1420 : memref<128x64xf32, #tpu.memory_space<vmem>>) target(%dma_start3A_1426 : memref<1024x64xf32, #tpu.memory_space<vmem_shared>>) offsets(%dma_start3A_1423 : memref<128xi32, #tpu.memory_space<vmem>>) semaphore(%arg30 : memref<!tpu.dma_semaphore, #tpu.memory_space<semaphore_mem>>) {add = true}
    %dma_wait3A_1427 = arith.constant 0 : i32
    %dma_wait3A_1428 = arith.constant 0 : i32
    %dma_wait3A_1429 = tpu.memref_slice %arg2[%dma_wait3A_1427, %dma_wait3A_1428] : memref<100000x128xf32, #tpu.memory_space<hbm>> -> memref<256x64xf32, #tpu.memory_space<hbm>>
    %dma_wait3A_1430 = arith.constant 0 : i32
    %dma_wait3A_1431 = arith.constant 0 : i32
    %dma_wait3A_1432 = tpu.memref_slice %arg2[%dma_wait3A_1430, %dma_wait3A_1431] : memref<100000x128xf32, #tpu.memory_space<hbm>> -> memref<256x64xf32, #tpu.memory_space<hbm>>
    tpu.wait_dma2 semaphore(%arg25 : memref<!tpu.dma_semaphore, #tpu.memory_space<semaphore_mem>>) src(%dma_wait3A_1432 : memref<256x64xf32, #tpu.memory_space<hbm>>) dst(%arg8 : memref<256x64xf32, #tpu.memory_space<vmem>>)
    %dma_wait3A_1433 = arith.constant 0 : i32
    %dma_wait3A_1434 = arith.constant 0 : i32
    %dma_wait3A_1435 = tpu.memref_slice %arg14[%dma_wait3A_1433, %dma_wait3A_1434] : memref<2x128xi32, #tpu.memory_space<vmem>> -> memref<1x128xi32, #tpu.memory_space<vmem>>
    %dma_wait3A_1436 = tpu.memref_squeeze %dma_wait3A_1435 : memref<1x128xi32, #tpu.memory_space<vmem>> -> memref<128xi32, #tpu.memory_space<vmem>>
    %dma_wait3A_1437 = arith.constant 0 : i32
    %dma_wait3A_1438 = tpu.memref_slice %arg3[%dma_wait3A_1437] : memref<100000xi32, #tpu.memory_space<hbm>> -> memref<128xi32, #tpu.memory_space<hbm>>
    %dma_wait3A_1439 = arith.constant 0 : i32
    %dma_wait3A_1440 = tpu.memref_slice %arg14[%dma_wait3A_1433, %dma_wait3A_1439] : memref<2x128xi32, #tpu.memory_space<vmem>> -> memref<1x128xi32, #tpu.memory_space<vmem>>
    %dma_wait3A_1441 = tpu.memref_squeeze %dma_wait3A_1440 : memref<1x128xi32, #tpu.memory_space<vmem>> -> memref<128xi32, #tpu.memory_space<vmem>>
    %dma_wait3A_1442 = arith.constant 0 : i32
    %dma_wait3A_1443 = tpu.memref_slice %arg3[%dma_wait3A_1442] : memref<100000xi32, #tpu.memory_space<hbm>> -> memref<128xi32, #tpu.memory_space<hbm>>
    tpu.wait_dma2 semaphore(%arg25 : memref<!tpu.dma_semaphore, #tpu.memory_space<semaphore_mem>>) src(%dma_wait3A_1443 : memref<128xi32, #tpu.memory_space<hbm>>) dst(%dma_wait3A_1441 : memref<128xi32, #tpu.memory_space<vmem>>)
    %dma_wait3A_1444 = arith.constant 1 : i32
    %dma_wait3A_1445 = arith.constant 0 : i32
    %dma_wait3A_1446 = tpu.memref_slice %arg14[%dma_wait3A_1444, %dma_wait3A_1445] : memref<2x128xi32, #tpu.memory_space<vmem>> -> memref<1x128xi32, #tpu.memory_space<vmem>>
    %dma_wait3A_1447 = tpu.memref_squeeze %dma_wait3A_1446 : memref<1x128xi32, #tpu.memory_space<vmem>> -> memref<128xi32, #tpu.memory_space<vmem>>
    %dma_wait3A_1448 = arith.constant 0 : i32
    %dma_wait3A_1449 = tpu.memref_slice %arg3[%dma_wait3A_1448] : memref<100000xi32, #tpu.memory_space<hbm>> -> memref<128xi32, #tpu.memory_space<hbm>>
    %dma_wait3A_1450 = arith.constant 0 : i32
    %dma_wait3A_1451 = tpu.memref_slice %arg14[%dma_wait3A_1444, %dma_wait3A_1450] : memref<2x128xi32, #tpu.memory_space<vmem>> -> memref<1x128xi32, #tpu.memory_space<vmem>>
    %dma_wait3A_1452 = tpu.memref_squeeze %dma_wait3A_1451 : memref<1x128xi32, #tpu.memory_space<vmem>> -> memref<128xi32, #tpu.memory_space<vmem>>
    %dma_wait3A_1453 = arith.constant 0 : i32
    %dma_wait3A_1454 = tpu.memref_slice %arg3[%dma_wait3A_1453] : memref<100000xi32, #tpu.memory_space<hbm>> -> memref<128xi32, #tpu.memory_space<hbm>>
    tpu.wait_dma2 semaphore(%arg25 : memref<!tpu.dma_semaphore, #tpu.memory_space<semaphore_mem>>) src(%dma_wait3A_1454 : memref<128xi32, #tpu.memory_space<hbm>>) dst(%dma_wait3A_1452 : memref<128xi32, #tpu.memory_space<vmem>>)
    %dma_start3A_1455 = arith.constant 0 : i32
    %dma_start3A_1456 = arith.constant 0 : i32
    %dma_start3A_1457 = arith.constant 0 : i32
    %dma_start3A_1458 = tpu.memref_slice %arg8[%dma_start3A_1456, %dma_start3A_1457] : memref<256x64xf32, #tpu.memory_space<vmem>> -> memref<128x64xf32, #tpu.memory_space<vmem>>
    %dma_start3A_1459 = arith.constant 0 : i32
    %dma_start3A_1460 = tpu.memref_slice %arg14[%dma_start3A_1455, %dma_start3A_1459] : memref<2x128xi32, #tpu.memory_space<vmem>> -> memref<1x128xi32, #tpu.memory_space<vmem>>
    %dma_start3A_1461 = tpu.memref_squeeze %dma_start3A_1460 : memref<1x128xi32, #tpu.memory_space<vmem>> -> memref<128xi32, #tpu.memory_space<vmem>>
    %dma_start3A_1462 = arith.constant 0 : i32
    %dma_start3A_1463 = arith.constant 0 : i32
    %dma_start3A_1464 = tpu.memref_slice %arg21[%dma_start3A_1462, %dma_start3A_1463] : memref<1024x64xf32, #tpu.memory_space<vmem_shared>> -> memref<1024x64xf32, #tpu.memory_space<vmem_shared>>
    tpu.enqueue_indirect_dma source(%dma_start3A_1458 : memref<128x64xf32, #tpu.memory_space<vmem>>) target(%dma_start3A_1464 : memref<1024x64xf32, #tpu.memory_space<vmem_shared>>) offsets(%dma_start3A_1461 : memref<128xi32, #tpu.memory_space<vmem>>) semaphore(%arg31 : memref<!tpu.dma_semaphore, #tpu.memory_space<semaphore_mem>>) {add = true}
    %dma_start3A_1465 = arith.constant 1 : i32
    %dma_start3A_1466 = arith.constant 128 : i32
    %dma_start3A_1467 = arith.constant 0 : i32
    %dma_start3A_1468 = tpu.memref_slice %arg8[%dma_start3A_1466, %dma_start3A_1467] : memref<256x64xf32, #tpu.memory_space<vmem>> -> memref<128x64xf32, #tpu.memory_space<vmem>>
    %dma_start3A_1469 = arith.constant 0 : i32
    %dma_start3A_1470 = tpu.memref_slice %arg14[%dma_start3A_1465, %dma_start3A_1469] : memref<2x128xi32, #tpu.memory_space<vmem>> -> memref<1x128xi32, #tpu.memory_space<vmem>>
    %dma_start3A_1471 = tpu.memref_squeeze %dma_start3A_1470 : memref<1x128xi32, #tpu.memory_space<vmem>> -> memref<128xi32, #tpu.memory_space<vmem>>
    %dma_start3A_1472 = arith.constant 0 : i32
    %dma_start3A_1473 = arith.constant 0 : i32
    %dma_start3A_1474 = tpu.memref_slice %arg21[%dma_start3A_1472, %dma_start3A_1473] : memref<1024x64xf32, #tpu.memory_space<vmem_shared>> -> memref<1024x64xf32, #tpu.memory_space<vmem_shared>>
    tpu.enqueue_indirect_dma source(%dma_start3A_1468 : memref<128x64xf32, #tpu.memory_space<vmem>>) target(%dma_start3A_1474 : memref<1024x64xf32, #tpu.memory_space<vmem_shared>>) offsets(%dma_start3A_1471 : memref<128xi32, #tpu.memory_space<vmem>>) semaphore(%arg31 : memref<!tpu.dma_semaphore, #tpu.memory_space<semaphore_mem>>) {add = true}
    %dma_wait3A_1475 = arith.constant 0 : i32
    %dma_wait3A_1476 = arith.constant 0 : i32
    %dma_wait3A_1477 = arith.constant 0 : i32
    %dma_wait3A_1478 = tpu.memref_slice %arg5[%dma_wait3A_1476, %dma_wait3A_1477] : memref<256x64xf32, #tpu.memory_space<vmem>> -> memref<128x64xf32, #tpu.memory_space<vmem>>
    %dma_wait3A_1479 = arith.constant 0 : i32
    %dma_wait3A_1480 = tpu.memref_slice %arg11[%dma_wait3A_1475, %dma_wait3A_1479] : memref<2x128xi32, #tpu.memory_space<vmem>> -> memref<1x128xi32, #tpu.memory_space<vmem>>
    %dma_wait3A_1481 = tpu.memref_squeeze %dma_wait3A_1480 : memref<1x128xi32, #tpu.memory_space<vmem>> -> memref<128xi32, #tpu.memory_space<vmem>>
    %dma_wait3A_1482 = arith.constant 0 : i32
    %dma_wait3A_1483 = arith.constant 0 : i32
    %dma_wait3A_1484 = tpu.memref_slice %arg21[%dma_wait3A_1482, %dma_wait3A_1483] : memref<1024x64xf32, #tpu.memory_space<vmem_shared>> -> memref<1024x64xf32, #tpu.memory_space<vmem_shared>>
    tpu.wait_indirect_dma semaphore(%arg28 : memref<!tpu.dma_semaphore, #tpu.memory_space<semaphore_mem>>) src(%dma_wait3A_1478 : memref<128x64xf32, #tpu.memory_space<vmem>>) dst(%dma_wait3A_1484 : memref<1024x64xf32, #tpu.memory_space<vmem_shared>>)
    %dma_wait3A_1485 = arith.constant 1 : i32
    %dma_wait3A_1486 = arith.constant 128 : i32
    %dma_wait3A_1487 = arith.constant 0 : i32
    %dma_wait3A_1488 = tpu.memref_slice %arg5[%dma_wait3A_1486, %dma_wait3A_1487] : memref<256x64xf32, #tpu.memory_space<vmem>> -> memref<128x64xf32, #tpu.memory_space<vmem>>
    %dma_wait3A_1489 = arith.constant 0 : i32
    %dma_wait3A_1490 = tpu.memref_slice %arg11[%dma_wait3A_1485, %dma_wait3A_1489] : memref<2x128xi32, #tpu.memory_space<vmem>> -> memref<1x128xi32, #tpu.memory_space<vmem>>
    %dma_wait3A_1491 = tpu.memref_squeeze %dma_wait3A_1490 : memref<1x128xi32, #tpu.memory_space<vmem>> -> memref<128xi32, #tpu.memory_space<vmem>>
    %dma_wait3A_1492 = arith.constant 0 : i32
    %dma_wait3A_1493 = arith.constant 0 : i32
    %dma_wait3A_1494 = tpu.memref_slice %arg21[%dma_wait3A_1492, %dma_wait3A_1493] : memref<1024x64xf32, #tpu.memory_space<vmem_shared>> -> memref<1024x64xf32, #tpu.memory_space<vmem_shared>>
    tpu.wait_indirect_dma semaphore(%arg28 : memref<!tpu.dma_semaphore, #tpu.memory_space<semaphore_mem>>) src(%dma_wait3A_1488 : memref<128x64xf32, #tpu.memory_space<vmem>>) dst(%dma_wait3A_1494 : memref<1024x64xf32, #tpu.memory_space<vmem_shared>>)
    %dma_wait3A_1495 = arith.constant 0 : i32
    %dma_wait3A_1496 = arith.constant 0 : i32
    %dma_wait3A_1497 = arith.constant 0 : i32
    %dma_wait3A_1498 = tpu.memref_slice %arg6[%dma_wait3A_1496, %dma_wait3A_1497] : memref<256x64xf32, #tpu.memory_space<vmem>> -> memref<128x64xf32, #tpu.memory_space<vmem>>
    %dma_wait3A_1499 = arith.constant 0 : i32
    %dma_wait3A_1500 = tpu.memref_slice %arg12[%dma_wait3A_1495, %dma_wait3A_1499] : memref<2x128xi32, #tpu.memory_space<vmem>> -> memref<1x128xi32, #tpu.memory_space<vmem>>
    %dma_wait3A_1501 = tpu.memref_squeeze %dma_wait3A_1500 : memref<1x128xi32, #tpu.memory_space<vmem>> -> memref<128xi32, #tpu.memory_space<vmem>>
    %dma_wait3A_1502 = arith.constant 0 : i32
    %dma_wait3A_1503 = arith.constant 0 : i32
    %dma_wait3A_1504 = tpu.memref_slice %arg21[%dma_wait3A_1502, %dma_wait3A_1503] : memref<1024x64xf32, #tpu.memory_space<vmem_shared>> -> memref<1024x64xf32, #tpu.memory_space<vmem_shared>>
    tpu.wait_indirect_dma semaphore(%arg29 : memref<!tpu.dma_semaphore, #tpu.memory_space<semaphore_mem>>) src(%dma_wait3A_1498 : memref<128x64xf32, #tpu.memory_space<vmem>>) dst(%dma_wait3A_1504 : memref<1024x64xf32, #tpu.memory_space<vmem_shared>>)
    %dma_wait3A_1505 = arith.constant 1 : i32
    %dma_wait3A_1506 = arith.constant 128 : i32
    %dma_wait3A_1507 = arith.constant 0 : i32
    %dma_wait3A_1508 = tpu.memref_slice %arg6[%dma_wait3A_1506, %dma_wait3A_1507] : memref<256x64xf32, #tpu.memory_space<vmem>> -> memref<128x64xf32, #tpu.memory_space<vmem>>
    %dma_wait3A_1509 = arith.constant 0 : i32
    %dma_wait3A_1510 = tpu.memref_slice %arg12[%dma_wait3A_1505, %dma_wait3A_1509] : memref<2x128xi32, #tpu.memory_space<vmem>> -> memref<1x128xi32, #tpu.memory_space<vmem>>
    %dma_wait3A_1511 = tpu.memref_squeeze %dma_wait3A_1510 : memref<1x128xi32, #tpu.memory_space<vmem>> -> memref<128xi32, #tpu.memory_space<vmem>>
    %dma_wait3A_1512 = arith.constant 0 : i32
    %dma_wait3A_1513 = arith.constant 0 : i32
    %dma_wait3A_1514 = tpu.memref_slice %arg21[%dma_wait3A_1512, %dma_wait3A_1513] : memref<1024x64xf32, #tpu.memory_space<vmem_shared>> -> memref<1024x64xf32, #tpu.memory_space<vmem_shared>>
    tpu.wait_indirect_dma semaphore(%arg29 : memref<!tpu.dma_semaphore, #tpu.memory_space<semaphore_mem>>) src(%dma_wait3A_1508 : memref<128x64xf32, #tpu.memory_space<vmem>>) dst(%dma_wait3A_1514 : memref<1024x64xf32, #tpu.memory_space<vmem_shared>>)
    %dma_wait3A_1515 = arith.constant 0 : i32
    %dma_wait3A_1516 = arith.constant 0 : i32
    %dma_wait3A_1517 = arith.constant 0 : i32
    %dma_wait3A_1518 = tpu.memref_slice %arg7[%dma_wait3A_1516, %dma_wait3A_1517] : memref<256x64xf32, #tpu.memory_space<vmem>> -> memref<128x64xf32, #tpu.memory_space<vmem>>
    %dma_wait3A_1519 = arith.constant 0 : i32
    %dma_wait3A_1520 = tpu.memref_slice %arg13[%dma_wait3A_1515, %dma_wait3A_1519] : memref<2x128xi32, #tpu.memory_space<vmem>> -> memref<1x128xi32, #tpu.memory_space<vmem>>
    %dma_wait3A_1521 = tpu.memref_squeeze %dma_wait3A_1520 : memref<1x128xi32, #tpu.memory_space<vmem>> -> memref<128xi32, #tpu.memory_space<vmem>>
    %dma_wait3A_1522 = arith.constant 0 : i32
    %dma_wait3A_1523 = arith.constant 0 : i32
    %dma_wait3A_1524 = tpu.memref_slice %arg21[%dma_wait3A_1522, %dma_wait3A_1523] : memref<1024x64xf32, #tpu.memory_space<vmem_shared>> -> memref<1024x64xf32, #tpu.memory_space<vmem_shared>>
    tpu.wait_indirect_dma semaphore(%arg30 : memref<!tpu.dma_semaphore, #tpu.memory_space<semaphore_mem>>) src(%dma_wait3A_1518 : memref<128x64xf32, #tpu.memory_space<vmem>>) dst(%dma_wait3A_1524 : memref<1024x64xf32, #tpu.memory_space<vmem_shared>>)
    %dma_wait3A_1525 = arith.constant 1 : i32
    %dma_wait3A_1526 = arith.constant 128 : i32
    %dma_wait3A_1527 = arith.constant 0 : i32
    %dma_wait3A_1528 = tpu.memref_slice %arg7[%dma_wait3A_1526, %dma_wait3A_1527] : memref<256x64xf32, #tpu.memory_space<vmem>> -> memref<128x64xf32, #tpu.memory_space<vmem>>
    %dma_wait3A_1529 = arith.constant 0 : i32
    %dma_wait3A_1530 = tpu.memref_slice %arg13[%dma_wait3A_1525, %dma_wait3A_1529] : memref<2x128xi32, #tpu.memory_space<vmem>> -> memref<1x128xi32, #tpu.memory_space<vmem>>
    %dma_wait3A_1531 = tpu.memref_squeeze %dma_wait3A_1530 : memref<1x128xi32, #tpu.memory_space<vmem>> -> memref<128xi32, #tpu.memory_space<vmem>>
    %dma_wait3A_1532 = arith.constant 0 : i32
    %dma_wait3A_1533 = arith.constant 0 : i32
    %dma_wait3A_1534 = tpu.memref_slice %arg21[%dma_wait3A_1532, %dma_wait3A_1533] : memref<1024x64xf32, #tpu.memory_space<vmem_shared>> -> memref<1024x64xf32, #tpu.memory_space<vmem_shared>>
    tpu.wait_indirect_dma semaphore(%arg30 : memref<!tpu.dma_semaphore, #tpu.memory_space<semaphore_mem>>) src(%dma_wait3A_1528 : memref<128x64xf32, #tpu.memory_space<vmem>>) dst(%dma_wait3A_1534 : memref<1024x64xf32, #tpu.memory_space<vmem_shared>>)
    %dma_wait3A_1535 = arith.constant 0 : i32
    %dma_wait3A_1536 = arith.constant 0 : i32
    %dma_wait3A_1537 = arith.constant 0 : i32
    %dma_wait3A_1538 = tpu.memref_slice %arg8[%dma_wait3A_1536, %dma_wait3A_1537] : memref<256x64xf32, #tpu.memory_space<vmem>> -> memref<128x64xf32, #tpu.memory_space<vmem>>
    %dma_wait3A_1539 = arith.constant 0 : i32
    %dma_wait3A_1540 = tpu.memref_slice %arg14[%dma_wait3A_1535, %dma_wait3A_1539] : memref<2x128xi32, #tpu.memory_space<vmem>> -> memref<1x128xi32, #tpu.memory_space<vmem>>
    %dma_wait3A_1541 = tpu.memref_squeeze %dma_wait3A_1540 : memref<1x128xi32, #tpu.memory_space<vmem>> -> memref<128xi32, #tpu.memory_space<vmem>>
    %dma_wait3A_1542 = arith.constant 0 : i32
    %dma_wait3A_1543 = arith.constant 0 : i32
    %dma_wait3A_1544 = tpu.memref_slice %arg21[%dma_wait3A_1542, %dma_wait3A_1543] : memref<1024x64xf32, #tpu.memory_space<vmem_shared>> -> memref<1024x64xf32, #tpu.memory_space<vmem_shared>>
    tpu.wait_indirect_dma semaphore(%arg31 : memref<!tpu.dma_semaphore, #tpu.memory_space<semaphore_mem>>) src(%dma_wait3A_1538 : memref<128x64xf32, #tpu.memory_space<vmem>>) dst(%dma_wait3A_1544 : memref<1024x64xf32, #tpu.memory_space<vmem_shared>>)
    %dma_wait3A_1545 = arith.constant 1 : i32
    %dma_wait3A_1546 = arith.constant 128 : i32
    %dma_wait3A_1547 = arith.constant 0 : i32
    %dma_wait3A_1548 = tpu.memref_slice %arg8[%dma_wait3A_1546, %dma_wait3A_1547] : memref<256x64xf32, #tpu.memory_space<vmem>> -> memref<128x64xf32, #tpu.memory_space<vmem>>
    %dma_wait3A_1549 = arith.constant 0 : i32
    %dma_wait3A_1550 = tpu.memref_slice %arg14[%dma_wait3A_1545, %dma_wait3A_1549] : memref<2x128xi32, #tpu.memory_space<vmem>> -> memref<1x128xi32, #tpu.memory_space<vmem>>
    %dma_wait3A_1551 = tpu.memref_squeeze %dma_wait3A_1550 : memref<1x128xi32, #tpu.memory_space<vmem>> -> memref<128xi32, #tpu.memory_space<vmem>>
    %dma_wait3A_1552 = arith.constant 0 : i32
    %dma_wait3A_1553 = arith.constant 0 : i32
    %dma_wait3A_1554 = tpu.memref_slice %arg21[%dma_wait3A_1552, %dma_wait3A_1553] : memref<1024x64xf32, #tpu.memory_space<vmem_shared>> -> memref<1024x64xf32, #tpu.memory_space<vmem_shared>>
    tpu.wait_indirect_dma semaphore(%arg31 : memref<!tpu.dma_semaphore, #tpu.memory_space<semaphore_mem>>) src(%dma_wait3A_1548 : memref<128x64xf32, #tpu.memory_space<vmem>>) dst(%dma_wait3A_1554 : memref<1024x64xf32, #tpu.memory_space<vmem_shared>>)
    %le3A = arith.constant 12 : i32
    %le3A_1555 = arith.cmpi sle, %arg1, %le3A : i32
    %convert_element_type3A_1556 = arith.extui %le3A_1555 : i1 to i32
    %cond3A_1557 = arith.constant 0 : i32
    %cond3A_1558 = arith.cmpi ne, %convert_element_type3A_1556, %cond3A_1557 : i32
    scf.if %cond3A_1558 {
      %dma_wait3A_1569 = arith.constant 0 : i32
      %dma_wait3A_1570 = arith.constant 0 : i32
      %dma_wait3A_1571 = tpu.memref_slice %arg2[%dma_wait3A_1569, %dma_wait3A_1570] : memref<100000x128xf32, #tpu.memory_space<hbm>> -> memref<128x64xf32, #tpu.memory_space<hbm>>
      %dma_wait3A_1572 = arith.constant 0 : i32
      %dma_wait3A_1573 = arith.constant 0 : i32
      %dma_wait3A_1574 = tpu.memref_slice %arg2[%dma_wait3A_1572, %dma_wait3A_1573] : memref<100000x128xf32, #tpu.memory_space<hbm>> -> memref<128x64xf32, #tpu.memory_space<hbm>>
      tpu.wait_dma2 semaphore(%arg34 : memref<!tpu.dma_semaphore, #tpu.memory_space<semaphore_mem>>) src(%dma_wait3A_1574 : memref<128x64xf32, #tpu.memory_space<hbm>>) dst(%arg17 : memref<128x64xf32, #tpu.memory_space<vmem>>)
      %dma_wait3A_1575 = arith.constant 0 : i32
      %dma_wait3A_1576 = tpu.memref_slice %arg3[%dma_wait3A_1575] : memref<100000xi32, #tpu.memory_space<hbm>> -> memref<128xi32, #tpu.memory_space<hbm>>
      %dma_wait3A_1577 = arith.constant 0 : i32
      %dma_wait3A_1578 = tpu.memref_slice %arg3[%dma_wait3A_1577] : memref<100000xi32, #tpu.memory_space<hbm>> -> memref<128xi32, #tpu.memory_space<hbm>>
      tpu.wait_dma2 semaphore(%arg34 : memref<!tpu.dma_semaphore, #tpu.memory_space<semaphore_mem>>) src(%dma_wait3A_1578 : memref<128xi32, #tpu.memory_space<hbm>>) dst(%arg18 : memref<128xi32, #tpu.memory_space<vmem>>)
      "tpu.region"() ({
        %run_scoped3A = tpu.sem_alloc : memref<!tpu.dma_semaphore, #tpu.memory_space<semaphore_mem>>
        %dma_start3A_1579 = arith.constant 0 : i32
        %dma_start3A_1580 = arith.constant 0 : i32
        %dma_start3A_1581 = tpu.memref_slice %arg21[%dma_start3A_1579, %dma_start3A_1580] : memref<1024x64xf32, #tpu.memory_space<vmem_shared>> -> memref<1024x64xf32, #tpu.memory_space<vmem_shared>>
        tpu.enqueue_indirect_dma source(%arg17 : memref<128x64xf32, #tpu.memory_space<vmem>>) target(%dma_start3A_1581 : memref<1024x64xf32, #tpu.memory_space<vmem_shared>>) offsets(%arg18 : memref<128xi32, #tpu.memory_space<vmem>>) semaphore(%run_scoped3A : memref<!tpu.dma_semaphore, #tpu.memory_space<semaphore_mem>>) {add = true}
        %dma_wait3A_1582 = arith.constant 0 : i32
        %dma_wait3A_1583 = arith.constant 0 : i32
        %dma_wait3A_1584 = tpu.memref_slice %arg21[%dma_wait3A_1582, %dma_wait3A_1583] : memref<1024x64xf32, #tpu.memory_space<vmem_shared>> -> memref<1024x64xf32, #tpu.memory_space<vmem_shared>>
        tpu.wait_indirect_dma semaphore(%run_scoped3A : memref<!tpu.dma_semaphore, #tpu.memory_space<semaphore_mem>>) src(%arg17 : memref<128x64xf32, #tpu.memory_space<vmem>>) dst(%dma_wait3A_1584 : memref<1024x64xf32, #tpu.memory_space<vmem_shared>>)
        tpu.yield
      }) : () -> ()
    } else {
    }
    %eq3A_1559 = arith.constant 15 : i32
    %eq3A_1560 = arith.cmpi eq, %arg1, %eq3A_1559 : i32
    %convert_element_type3A_1561 = arith.extui %eq3A_1560 : i1 to i32
    %cond3A_1562 = arith.constant 0 : i32
    %cond3A_1563 = arith.cmpi ne, %convert_element_type3A_1561, %cond3A_1562 : i32
    scf.if %cond3A_1563 {
      %dma_wait3A_1569 = arith.constant 0 : i32
      %dma_wait3A_1570 = arith.constant 0 : i32
      %dma_wait3A_1571 = tpu.memref_slice %arg2[%dma_wait3A_1569, %dma_wait3A_1570] : memref<100000x128xf32, #tpu.memory_space<hbm>> -> memref<32x64xf32, #tpu.memory_space<hbm>>
      %dma_wait3A_1572 = arith.constant 0 : i32
      %dma_wait3A_1573 = arith.constant 0 : i32
      %dma_wait3A_1574 = tpu.memref_slice %arg2[%dma_wait3A_1572, %dma_wait3A_1573] : memref<100000x128xf32, #tpu.memory_space<hbm>> -> memref<32x64xf32, #tpu.memory_space<hbm>>
      tpu.wait_dma2 semaphore(%arg34 : memref<!tpu.dma_semaphore, #tpu.memory_space<semaphore_mem>>) src(%dma_wait3A_1574 : memref<32x64xf32, #tpu.memory_space<hbm>>) dst(%arg19 : memref<32x64xf32, #tpu.memory_space<vmem>>)
      %dma_wait3A_1575 = arith.constant 0 : i32
      %dma_wait3A_1576 = tpu.memref_slice %arg3[%dma_wait3A_1575] : memref<100000xi32, #tpu.memory_space<hbm>> -> memref<32xi32, #tpu.memory_space<hbm>>
      %dma_wait3A_1577 = arith.constant 0 : i32
      %dma_wait3A_1578 = tpu.memref_slice %arg3[%dma_wait3A_1577] : memref<100000xi32, #tpu.memory_space<hbm>> -> memref<32xi32, #tpu.memory_space<hbm>>
      tpu.wait_dma2 semaphore(%arg34 : memref<!tpu.dma_semaphore, #tpu.memory_space<semaphore_mem>>) src(%dma_wait3A_1578 : memref<32xi32, #tpu.memory_space<hbm>>) dst(%arg20 : memref<32xi32, #tpu.memory_space<vmem>>)
      "tpu.region"() ({
        %run_scoped3A = tpu.sem_alloc : memref<!tpu.dma_semaphore, #tpu.memory_space<semaphore_mem>>
        %dma_start3A_1579 = arith.constant 0 : i32
        %dma_start3A_1580 = arith.constant 0 : i32
        %dma_start3A_1581 = tpu.memref_slice %arg21[%dma_start3A_1579, %dma_start3A_1580] : memref<1024x64xf32, #tpu.memory_space<vmem_shared>> -> memref<1024x64xf32, #tpu.memory_space<vmem_shared>>
        tpu.enqueue_indirect_dma source(%arg19 : memref<32x64xf32, #tpu.memory_space<vmem>>) target(%dma_start3A_1581 : memref<1024x64xf32, #tpu.memory_space<vmem_shared>>) offsets(%arg20 : memref<32xi32, #tpu.memory_space<vmem>>) semaphore(%run_scoped3A : memref<!tpu.dma_semaphore, #tpu.memory_space<semaphore_mem>>) {add = true}
        %dma_wait3A_1582 = arith.constant 0 : i32
        %dma_wait3A_1583 = arith.constant 0 : i32
        %dma_wait3A_1584 = tpu.memref_slice %arg21[%dma_wait3A_1582, %dma_wait3A_1583] : memref<1024x64xf32, #tpu.memory_space<vmem_shared>> -> memref<1024x64xf32, #tpu.memory_space<vmem_shared>>
        tpu.wait_indirect_dma semaphore(%run_scoped3A : memref<!tpu.dma_semaphore, #tpu.memory_space<semaphore_mem>>) src(%arg19 : memref<32x64xf32, #tpu.memory_space<vmem>>) dst(%dma_wait3A_1584 : memref<1024x64xf32, #tpu.memory_space<vmem_shared>>)
        tpu.yield
      }) : () -> ()
    } else {
    }
    %barrier3A_1564 = arith.constant 0 : index
    tpu.barrier barrier_id(%barrier3A_1564)
    %mul3A_1565 = arith.constant 64 : i32
    %mul3A_1566 = arith.muli %arg1, %mul3A_1565 : i32
    %mul3A_1567 = arith.constant 64 : i32
    %mul3A_1568 = arith.muli %arg1, %mul3A_1567 : i32
    "tpu.region"() ({
      %run_scoped3A = tpu.sem_alloc : memref<!tpu.dma_semaphore, #tpu.memory_space<semaphore_mem>>
      %dma_start3A_1569 = tpu.memref_slice %arg4[%mul3A_1568, %mul3A_0] : memref<1024x128xf32, #tpu.memory_space<hbm>> -> memref<64x64xf32, #tpu.memory_space<hbm>>
      %dma_start3A_1570 = arith.constant 0 : i32
      %dma_start3A_1571 = tpu.memref_slice %arg21[%mul3A_1566, %dma_start3A_1570] : memref<1024x64xf32, #tpu.memory_space<vmem_shared>> -> memref<64x64xf32, #tpu.memory_space<vmem_shared>>
      tpu.enqueue_dma source(%dma_start3A_1571 : memref<64x64xf32, #tpu.memory_space<vmem_shared>>) target(%dma_start3A_1569 : memref<64x64xf32, #tpu.memory_space<hbm>>) target_semaphore(%run_scoped3A : memref<!tpu.dma_semaphore, #tpu.memory_space<semaphore_mem>>)
      %dma_wait3A_1572 = tpu.memref_slice %arg4[%mul3A_1568, %mul3A_0] : memref<1024x128xf32, #tpu.memory_space<hbm>> -> memref<64x64xf32, #tpu.memory_space<hbm>>
      %dma_wait3A_1573 = arith.constant 0 : i32
      %dma_wait3A_1574 = tpu.memref_slice %arg21[%mul3A_1566, %dma_wait3A_1573] : memref<1024x64xf32, #tpu.memory_space<vmem_shared>> -> memref<64x64xf32, #tpu.memory_space<vmem_shared>>
      tpu.wait_dma2 semaphore(%run_scoped3A : memref<!tpu.dma_semaphore, #tpu.memory_space<semaphore_mem>>) src(%dma_wait3A_1574 : memref<64x64xf32, #tpu.memory_space<vmem_shared>>) dst(%dma_wait3A_1572 : memref<64x64xf32, #tpu.memory_space<hbm>>)
      tpu.yield
    }) : () -> ()
    return
  }
}

module attributes {stable_mosaic.version = 14 : i64} {
  func.func @_tc_body(%arg0: i32, %arg1: memref<2048xi32, #tpu.memory_space<vmem>>, %arg2: memref<2048x128xf32, #tpu.memory_space<vmem>>, %arg3: memref<1024x128xf32, #tpu.memory_space<vmem>>) attributes {dimension_semantics = [#tpu.dimension_semantics<arbitrary>], iteration_bounds = array<i64: 16>, scalar_prefetch = 0 : i64, scratch_operands = 0 : i64, tpu.core_type = #tpu.core_type<tc>, window_params = [{transform_indices = @transform_0, window_bounds = array<i64: 2048>}, {transform_indices = @transform_1, window_bounds = array<i64: 2048, 128>}, {pipeline_mode = #tpu.pipeline_mode<synchronous>, transform_indices = @transform_2, window_bounds = array<i64: 1024, 128>}]} {
    %get3A = arith.constant 0 : index
    %get3A_0 = vector.load %arg1[%get3A] : memref<2048xi32, #tpu.memory_space<vmem>>, vector<2048xi32>
    %iota3A = tpu.iota {dimensions = array<i32: 0>} : vector<1024x2048xi32>
    %broadcast_in_dim3A = vector.shape_cast %get3A_0 : vector<2048xi32> to vector<1x2048xi32>
    %eq3A = vector.broadcast %broadcast_in_dim3A : vector<1x2048xi32> to vector<1024x2048xi32>
    %eq3A_1 = arith.cmpi eq, %iota3A, %eq3A : vector<1024x2048xi32>
    %convert_element_type3A = arith.extui %eq3A_1 : vector<1024x2048xi1> to vector<1024x2048xi32>
    %convert_element_type3A_2 = arith.sitofp %convert_element_type3A : vector<1024x2048xi32> to vector<1024x2048xf32>
    %convert_element_type3A_3 = arith.truncf %convert_element_type3A_2 : vector<1024x2048xf32> to vector<1024x2048xbf16>
    %get3A_4 = arith.constant 0 : index
    %get3A_5 = arith.constant 0 : index
    %get3A_6 = vector.load %arg2[%get3A_4, %get3A_5] : memref<2048x128xf32, #tpu.memory_space<vmem>>, vector<2048x128xf32>
    %convert_element_type3A_7 = arith.truncf %get3A_6 : vector<2048x128xf32> to vector<2048x128xbf16>
    %dot_general3A = arith.constant dense<0.000000e+00> : vector<1024x128xf32>
    %dot_general3A_8 = tpu.matmul %convert_element_type3A_3, %convert_element_type3A_7, %dot_general3A {dimension_numbers = #tpu.dot_dimension_numbers<[1], [0], [0], [1], [0, 0, 1, 1], [], []>, transpose_lhs_hint = false} : vector<1024x2048xbf16>, vector<2048x128xbf16>, vector<1024x128xf32> -> vector<1024x128xf32>
    %eq3A_9 = arith.constant 0 : i32
    %eq3A_10 = arith.cmpi eq, %arg0, %eq3A_9 : i32
    %convert_element_type3A_11 = arith.extui %eq3A_10 : i1 to i32
    %cond3A = arith.constant 0 : i32
    %cond3A_12 = arith.cmpi ne, %convert_element_type3A_11, %cond3A : i32
    scf.if %cond3A_12 {
      %swap3A = arith.constant 0 : index
      %swap3A_17 = arith.constant 0 : index
      %swap3A_18 = vector.load %arg3[%swap3A, %swap3A_17] : memref<1024x128xf32, #tpu.memory_space<vmem>>, vector<1024x128xf32>
      tpu.vector_store %arg3[%swap3A, %swap3A_17], %dot_general3A_8 {strides = array<i32>} : memref<1024x128xf32, #tpu.memory_space<vmem>>, vector<1024x128xf32>,
    } else {
    }
    %gt3A = arith.constant 0 : i32
    %gt3A_13 = arith.cmpi sgt, %arg0, %gt3A : i32
    %convert_element_type3A_14 = arith.extui %gt3A_13 : i1 to i32
    %cond3A_15 = arith.constant 0 : i32
    %cond3A_16 = arith.cmpi ne, %convert_element_type3A_14, %cond3A_15 : i32
    scf.if %cond3A_16 {
      %get3A_17 = arith.constant 0 : index
      %get3A_18 = arith.constant 0 : index
      %get3A_19 = vector.load %arg3[%get3A_17, %get3A_18] : memref<1024x128xf32, #tpu.memory_space<vmem>>, vector<1024x128xf32>
      %add3A = arith.addf %get3A_19, %dot_general3A_8 : vector<1024x128xf32>
      %swap3A = arith.constant 0 : index
      %swap3A_20 = arith.constant 0 : index
      %swap3A_21 = vector.load %arg3[%swap3A, %swap3A_20] : memref<1024x128xf32, #tpu.memory_space<vmem>>, vector<1024x128xf32>
      tpu.vector_store %arg3[%swap3A, %swap3A_20], %add3A {strides = array<i32>} : memref<1024x128xf32, #tpu.memory_space<vmem>>, vector<1024x128xf32>,
    } else {
    }
    return
  }
  func.func @transform_0(%arg0: i32) -> i32 {
    %add3A = arith.constant 32 : i32
    %add3A_0 = arith.addi %add3A, %arg0 : i32
    %c0_i32 = arith.constant 0 : i32
    return %add3A_0 : i32
  }
  func.func @transform_1(%arg0: i32) -> (i32, i32) {
    %add3A = arith.constant 32 : i32
    %add3A_0 = arith.addi %add3A, %arg0 : i32
    %c0_i32 = arith.constant 0 : i32
    %c0_i32_1 = arith.constant 0 : i32
    return %add3A_0, %c0_i32 : i32, i32
  }
  func.func @transform_2(%arg0: i32) -> (i32, i32) {
    %c0_i32 = arith.constant 0 : i32
    %c0_i32_0 = arith.constant 0 : i32
    %c0_i32_1 = arith.constant 0 : i32
    return %c0_i32, %c0_i32_0 : i32, i32
  }
}

</mosaic_0001>

<sc_bundles>
// kernel: kernel.4.cloned.1.call-start
scs
__scs_entry_jumppad:
0x0: {  	(pc) =	sbr.rel $0x88, $3  }
0x1: {  	(tag) =	ssettag $0x0;
	lr =	simm.s32 $0x1  }
0x2: {  	[smem:$0x3F9F] =	sst lr;
	_ =	strace $0xD0000000  }
0x3: {  	_ = 	snop  }
0x4: {  	_ = 	snop  }
0x5: {  	_ = 	snop  }
0x6: {  	_ = 	snop  }
0x7: {  	_ = 	snop  }
__scs_overlays_trampoline_lowered:
0x8: {  	[smem:$0x3FAE] =	sst s0  }
0x9: {  	[smem:$0x3FAF] =	sst s1  }
0xa: {  	[smem:$0x3FB0] =	sst s2  }
0xb: {  	[smem:$0x3FB1] =	sst s3  }
0xc: {  	[smem:$0x3FB2] =	sst s4  }
0xd: {  	[smem:$0x3FB3] =	sst s5  }
0xe: {  	[smem:$0x3FB4] =	sst s6  }
0xf: {  	[smem:$0x3FB5] =	sst s7  }
0x10: {  	[smem:$0x3FB6] =	sst s8  }
0x11: {  	[smem:$0x3FB7] =	sst s9;
	s0 =	simm.s32 @!p0 $0x0  }
0x12: {  	s1 =	sld [smem:$0x3F9D];
	s0 =	simm.s32 @p0 $0x1  }
0x13: {  	[smem:$0x3FB8] =	sst s0;
	s0 =	simm.s32 @!p1 $0x0  }
0x14: {  	s2 =	sld [smem:$0x3F9C];
	s0 =	simm.s32 @p1 $0x1  }
0x15: {  	[smem:$0x3FB9] =	sst s0;
	s0 =	simm.s32 @!p2 $0x0  }
0x16: {  	s3 =	sld [smem:$0x3FDB];
	s0 =	simm.s32 @p2 $0x1  }
0x17: {  	s4 =	simm.s32 $0x1BF5;
	[smem:$0x3FBB] =	sst s0  }
0x18: {  	s0 =	sld [smem:$0x3F9E];
	_ =	swait.ge [sflag:s4], $0x0  }
0x19: {  	s7 =	sld [smem:$0x3F9F]  }
0x1a: {  	s8 =	sadd.s32 $0xFFFFE003, lr  }
0x1b: {  	s9 =	sadd.s32 $0xFFFFFEF7, lr;
	s5 =	simm.s32 $0xFFFFFFFF;
	p2 =	slt.u32 s8, $0xFFFFF086  }
0x1c: {  	p1 =	slt.u32 s9, $0xF7A;
	s5 =	simm.s32 @!p2 $0x0  }
0x1d: {  	s5 =	simm.s32 @p1 $0x1;
	p0 =	seq.s32 s7, s2  }
0x1e: {  	s7 =	smul.u32 @!p0 $0xF7A, s2;
	p2 =	seq.s32 @!p0 s5, $0x0  }
0x1f: {  	s9 =	smul.u32 $0xF7A, s1;
	s8 =	simm.s32 @!p0 $0x1BF5;
	p2 =	por !p2, p0  }
0x20: {  	[sflag:s8] =	ssyncset.s32 @!p0 $0xFFFFF086;
	s6 =	sadd.s32 @!p0 s3, s7;
	s7 =	simm.s32 @!p0 $0x108  }
0x21: {  	s3 =	sadd.s32 s3, s9;
	s6 =	sadd.s32 @!p0 $0x88, s6;
	s7 =	simm.s32 @p2 $0x1082  }
0x22: {  	[simem:s7], [sflag:s8] =	dma.local @!p0 [hbm:s6], $0xF7A  }
0x23: {  	s9 =	sor.u32 $0xD0000000, s2;
	s6 =	simm.s32 $0x108;
	_ =	swait.ge @!p0 [sflag:s8], $0x0  }
0x24: {  	s3 =	sadd.s32 $0x88, s3;
	s6 =	simm.s32 @!p1 $0x1082;
	[sflag:s4] =	ssyncset.s32 $0xFFFFF086  }
0x25: {  	[simem:s6], [sflag:s4] =	dma.local [hbm:s3], $0xF7A  }
0x26: {  	[smem:$0x3F9F] =	sst s1;
	(tag) =	ssettag s2;
	_ =	strace s9  }
0x27: {  	s1 =	sld [smem:$0x3FAF]  }
0x28: {  	s2 =	sld [smem:$0x3FB0]  }
0x29: {  	s4 =	sld [smem:$0x3FB2]  }
0x2a: {  	p0 =	seq.s32 s5, $0x0;
	s5 =	sld [smem:$0x3FB3]  }
0x2b: {  	s6 =	sld [smem:$0x3FB4]  }
0x2c: {  	s7 =	sld [smem:$0x3FB5]  }
0x2d: {  	s3 =	simm.s32 $0x108;
	s8 =	sld [smem:$0x3FB6]  }
0x2e: {  	s3 =	simm.s32 @!p0 $0x1082;
	s9 =	sld [smem:$0x3FB7]  }
0x2f: {  	lr =	sadd.s32 s0, s3;
	s0 =	sld [smem:$0x3FAE]  }
0x30: {  	s3 =	sld [smem:$0x3FB1]  }
0x31: {  	[smem:$0x3FBA] =	sst s10  }
0x32: {  	s10 =	sld [smem:$0x3FB8];
	_ =	sdelay $0x3  }
0x33: {  	p0 =	seq.s32 s10, $0x1;
	s10 =	sld [smem:$0x3FBA];
	_ =	sdelay $0x3  }
0x34: {  	[smem:$0x3FBA] =	sst s10  }
0x35: {  	s10 =	sld [smem:$0x3FB9];
	_ =	sdelay $0x3  }
0x36: {  	p1 =	seq.s32 s10, $0x1;
	s10 =	sld [smem:$0x3FBA];
	_ =	sdelay $0x3  }
0x37: {  	[smem:$0x3FBA] =	sst s10  }
0x38: {  	s10 =	sld [smem:$0x3FBB]  }
0x39: {  	_ = 	snop;
	(pc) =	sbr.ind lr, $3  }
0x3a: {  	_ = 	snop  }
0x3b: {  	_ = 	snop  }
0x3c: {  	p2 =	seq.s32 s10, $0x1;
	s10 =	sld [smem:$0x3FBA]  }
0x3d: {  	_ =	shalt  }
0x3e: {  	_ =	shalt  }
0x3f: {  	_ =	shalt  }
0x40: {  	_ =	shalt  }
0x41: {  	_ =	shalt  }
0x42: {  	_ =	shalt  }
0x43: {  	_ =	shalt  }
0x44: {  	_ =	shalt  }
0x45: {  	_ =	shalt  }
0x46: {  	_ =	shalt  }
0x47: {  	_ =	shalt  }
0x48: {  	_ =	shalt  }
0x49: {  	_ =	shalt  }
0x4a: {  	_ =	shalt  }
0x4b: {  	_ =	shalt  }
0x4c: {  	_ =	shalt  }
0x4d: {  	_ =	shalt  }
0x4e: {  	_ =	shalt  }
0x4f: {  	_ =	shalt  }
0x50: {  	_ =	shalt  }
0x51: {  	_ =	shalt  }
0x52: {  	_ =	shalt  }
0x53: {  	_ =	shalt  }
0x54: {  	_ =	shalt  }
0x55: {  	_ =	shalt  }
0x56: {  	_ =	shalt  }
0x57: {  	_ =	shalt  }
0x58: {  	_ =	shalt  }
0x59: {  	_ =	shalt  }
0x5a: {  	_ =	shalt  }
0x5b: {  	_ =	shalt  }
0x5c: {  	_ =	shalt  }
0x5d: {  	_ =	shalt  }
0x5e: {  	_ =	shalt  }
0x5f: {  	_ =	shalt  }
0x60: {  	_ =	shalt  }
0x61: {  	_ =	shalt  }
0x62: {  	_ =	shalt  }
0x63: {  	_ =	shalt  }
0x64: {  	_ =	shalt  }
0x65: {  	_ =	shalt  }
0x66: {  	_ =	shalt  }
0x67: {  	_ =	shalt  }
0x68: {  	_ =	shalt  }
0x69: {  	_ =	shalt  }
0x6a: {  	_ =	shalt  }
0x6b: {  	_ =	shalt  }
0x6c: {  	_ =	shalt  }
0x6d: {  	_ =	shalt  }
0x6e: {  	_ =	shalt  }
0x6f: {  	_ =	shalt  }
0x70: {  	_ =	shalt  }
0x71: {  	_ =	shalt  }
0x72: {  	_ =	shalt  }
0x73: {  	_ =	shalt  }
0x74: {  	_ =	shalt  }
0x75: {  	_ =	shalt  }
0x76: {  	_ =	shalt  }
0x77: {  	_ =	shalt  }
0x78: {  	_ =	shalt  }
0x79: {  	_ =	shalt  }
0x7a: {  	_ =	shalt  }
0x7b: {  	_ =	shalt  }
0x7c: {  	_ =	shalt  }
0x7d: {  	_ =	shalt  }
0x7e: {  	_ =	shalt  }
0x7f: {  	_ =	shalt  }
0x80: {  	_ =	shalt  }
0x81: {  	_ =	shalt  }
0x82: {  	_ =	shalt  }
0x83: {  	_ =	shalt  }
0x84: {  	_ =	shalt  }
0x85: {  	_ =	shalt  }
0x86: {  	_ =	shalt  }
0x87: {  	_ =	shalt  }
.Lfunc_end0:
.L_simem_size_0:
called_computation_lowered:
.L_overlay_start_0:
0x88: {  	s2 =	sld [smem:$0x3FD9]  }
0x89: {  	s3 =	sld [smem:$0x3FFE];
	_ =	sdelay $0x1  }
0x8a: {  	s1 =	srdreg.scid  }
0x8b: {  	s0 =	sand.u32 $0x1, s1  }
0x8c: {  	s18 =	sshll.u32 s0, $0xA;
	s2 =	sadd.s32 s3, s2  }
0x8d: {  	s2 =	sadd.s32 s2, s18  }
0x8e: {  	[smem:$0x3FC6] =	sst s2  }
0x8f: {  	_ = 	snop  }
0x90: {  	s2 =	sld [smem:$0x3FC9]  }
0x91: {  	s19 =	sld [smem:$0x3FC8]  }
0x92: {  	s4 =	sld [smem:$0x3FD0];
	(tm) =	ssettm $0x1  }
0x93: {  	s5 =	sld [smem:$0x3FFB];
	_ =	sdelay $0x3  }
0x94: {  	_ =	strace s5  }
0x95: {  	s5 =	sld [smem:$0x3FFC];
	_ =	sdelay $0x3  }
0x96: {  	_ =	strace s5  }
0x97: {  	s5 =	sld [smem:$0x3FFD];
	_ =	sdelay $0x3  }
0x98: {  	_ =	strace s5  }
0x99: {  	_ =	strace $0x8FFFFFFF  }
0x9a: {  	s20 =	sld [smem:$0x3FDB];
	_ =	sdelay $0x1  }
0x9b: {  	s6 =	simm.s32 $_scs_section_size  }
0x9c: {  	s7 =	simm.s32 $_size__tile_overlayer_lowered;
	s8 =	simm.s32 $_tile_overlayer_lowered  }
0x9d: {  	s23 =	simm.s32 $0x1BFF;
	s22 =	sshll.u32 s8, $0x1;
	s5 =	sadd.s32 s6, s20  }
0x9e: {  	s9 =	simm.s32 $0x0;
	s21 =	sshll.u32 s7, $0x1;
	s7 =	sadd.s32 s22, s5  }
0x9f: {  	[timem:s9], [sflag:s23] =	dma.local [hbm:s7], s21  }
0xa0: {  	_ =	swait.ge [sflag:s23], s21  }
0xa1: {  	s6 =	ssub.s32 $0x0, s21;
	[sflag:s23] =	ssyncset.done $0x0  }
0xa2: {  	[sflag:s23] =	ssyncadd.s32 s6;
	_ =	sdelay $0x1  }
0xa3: {  	s24 =	simm.s32 $0x1B8B  }
0xa4: {  	_ =	swait.ge [sflag:s24], $0x1  }
0xa5: {  	[sflag:s24] =	ssyncset.done $0x0  }
0xa6: {  	s25 =	simm.s32 $0x1B8E;
	[sflag:s24] =	ssyncadd.s32 $0xFFFFFFFF  }
0xa7: {  	s26 =	simm.s32 $execute0_lowered;
	[smem:$0x3FD2] =	sst s25  }
0xa8: {  	s6 =	sshll.u32 s26, $0x1;
	_ =	strace $0x80000046;
	[dreg:$0x1] =	wrdreg $0xFFFFFFFF  }
0xa9: {  	s28 =	simm.s32 $_size_execute0_lowered;
	s5 =	sadd.s32 s5, s6;
	[dreg:$0x0] =	wrdreg $0x0  }
0xaa: {  	s6 =	sshll.u32 s28, $0x1;
	[dreg:$0x2] =	wrdreg s5  }
0xab: {  	[dreg:$0x3] =	wrdreg s6  }
0xac: {  	[dreg:$0x4] =	wrdreg $0xC0  }
0xad: {  	_ =	task [dreg:s9], $0x5FFFF  }
0xae: {  	[dreg:$0x1] =	wrdreg $0xFFFFFFFF  }
0xaf: {  	[dreg:$0x0] =	wrdreg $0x60  }
0xb0: {  	[dreg:$0x2] =	wrdreg s2  }
0xb1: {  	[dreg:$0x3] =	wrdreg s19  }
0xb2: {  	[dreg:$0x4] =	wrdreg s4  }
0xb3: {  	[dreg:$0x5] =	wrdreg $0x1AEA00  }
0xb4: {  	[dreg:$0x6] =	wrdreg $0x9  }
0xb5: {  	_ =	task.clear_ibuf [dreg:s9], $0x7FFFF;
	_ =	strace $0x90000046  }
0xb6: {  	s29 =	simm.s32 $0x9;
	_ =	strace $0x80000048  }
0xb7: {  	_ =	swait.ge [sflag:s29], $0x1  }
0xb8: {  	[sflag:s29] =	ssyncadd.s32 $0xFFFFFFFF  }
0xb9: {  	_ =	strace $0x90000048  }
0xba: {  	_ =	sfence  }
0xbb: {  	s30 =	sld [smem:$0x0];
	_ =	sdelay $0x2  }
0xbc: {  	s31 =	sshll.u32 s1, $0xD;
	s1 =	sshrl.u32 s1, $0x2  }
0xbd: {  	s3 =	sand.u32 $0x4000, s31;
	s1 =	sadd.s32 s1, s30  }
0xbe: {  	s0 =	sor.u32 s3, s0;
	s1 =	sshll.u32 s1, $0x11  }
0xbf: {  	s0 =	sor.u32 s1, s0  }
0xc0: {  	s0 =	sadd.s32 $0x8F2B, s0  }
0xc1: {  	[sflag:s0] =	ssyncadd.remote.s32 $0x1  }
0xc2: {  	_ =	sfence.sel $0xFFFF  }
0xc3: {  	[dreg:$0x0] =	wrdreg $0xFFFFFFFF;
	(pc) =	sbr.abs _section_cstart, $3  }
0xc4: {  	[dreg:$0x1] =	wrdreg $0xFFFFFFFF  }
0xc5: {  	_ =	task.clear_ibuf [dreg:s9], $0x2FFFF;
	_ =	strace $0x9FFFFFFF  }
0xc6: {  	(tm) =	ssettm $0x7FFFFFFF  }
0xc7: {  	_ =	shalt  }
tec
execute0_lowered:
.L_overlay_start_1:
0x0: {  	(tag) =	ssettag $0x1  }
0x1: {  	s0 =	srdreg.scid  }
0x2: {  	s10 =	stileid.u32;
	s19 =	sand.u32 $0x1, s0  }
0x3: {  	s2 =	sshll.u32 s10, $0xC;
	s3 =	sshll.u32 s10, $0x13;
	s9 =	sshll.u32 s10, $0x7  }
0x4: {  	p0 =	sgt.u32 s10, $0xB;
	s0 =	ssub.s32 $0x2, s19;
	s20 =	sshll.u32 s19, $0x6  }
0x5: {  	s4 =	sor.u32 $0x100, s2;
	s6 =	sor.u32 $0x300, s2;
	s8 =	sor.u32 $0x400, s2  }
0x6: {  	s11 =	sor.u32 $0x500, s2;
	s12 =	sor.u32 $0x18000, s9;
	s15 =	sor.u32 $0x600, s2  }
0x7: {  	s17 =	sor.u32 $0x800, s2;
	s19 =	sshll.u32 s19, $0x3;
	[smem:$0x7D7] =	sst s4  }
0x8: {  	p1 =	seq.s32 @p0 s10, $0xF;
	s1 =	sshrl.u32 s0, $0x1;
	[smem:$0x7D9] =	sst s6  }
0x9: {  	s21 =	sor.u32 s20, s3;
	s3 =	sor.u32 $0x200, s2;
	[smem:$0x7DA] =	sst s8  }
0xa: {  	s5 =	sshll.u32 s4, $0x7;
	s7 =	sshll.u32 s6, $0x7;
	[smem:$0x7DB] =	sst s11  }
0xb: {  	s8 =	sshll.u32 s8, $0x7;
	[smem:$0x7DC] =	sst s12;
	s13 =	sshll.u32 s11, $0x7  }
0xc: {  	s14 =	sshll.u32 s12, $0x7;
	[smem:$0x7DE] =	sst s15;
	s16 =	sshll.u32 s15, $0x7  }
0xd: {  	s11 =	sor.u32 $0x700, s2;
	[smem:$0x7E1] =	sst s17;
	s12 =	sshll.u32 s17, $0x7  }
0xe: {  	s17 =	sor.u32 $0xD00, s2;
	p2 =	por p1, !p0;
	s0 =	ssub.s32 s0, s1  }
0xf: {  	[smem:$0x7D8] =	sst s3;
	s4 =	sshll.u32 s3, $0x7;
	s22 =	sor.u32 s20, s5  }
0x10: {  	s24 =	sor.u32 s20, s7;
	s25 =	sor.u32 s20, s8;
	s26 =	sor.u32 s20, s13  }
0x11: {  	s28 =	sor.u32 s20, s14;
	s29 =	sor.u32 s20, s16;
	s18 =	sshll.u32 s11, $0x7  }
0x12: {  	s31 =	sor.u32 s20, s12;
	s13 =	sor.u32 $0x900, s2;
	s14 =	sor.u32 $0xA00, s2  }
0x13: {  	s12 =	sor.u32 $0xB00, s2;
	s16 =	sor.u32 $0xC00, s2;
	s6 =	sshll.u32 s17, $0x7  }
0x14: {  	s1 =	simm.s32 $0x0;
	[smem:$0x7EC] =	sst s0;
	s23 =	sor.u32 s20, s4  }
0x15: {  	s30 =	sor.u32 s20, s18;
	s3 =	sshll.u32 s13, $0x7;
	s15 =	sshll.u32 s12, $0x7  }
0x16: {  	s4 =	sshll.u32 s14, $0x7;
	s7 =	sor.u32 s20, s15;
	s15 =	sor.u32 $0xE00, s2  }
0x17: {  	s5 =	sshll.u32 s16, $0x7;
	s8 =	sor.u32 s20, s4;
	s18 =	sshll.u32 s15, $0x7  }
0x18: {  	s4 =	sor.u32 s20, s6;
	s6 =	sor.u32 s20, s18;
	s18 =	sor.u32 $0xF00, s2  }
0x19: {  	s9 =	sor.u32 s20, s3;
	s3 =	sshll.u32 s10, $0xD;
	s0 =	sshll.u32 s18, $0x7  }
0x1a: {  	s5 =	sor.u32 s20, s5;
	s3 =	sor.u32 s20, s3;
	s0 =	sor.u32 s20, s0  }
0x1b: {  	s20 =	sshrl.u32 s21, $0x3;
	s21 =	sshrl.u32 s22, $0x3;
	s22 =	rddreg [dreg:$0x0]  }
0x1c: {  	p2 =	sne.s32 @!p2 s10, $0xC;
	[smem:$0x7FF] =	sst s1;
	s20 =	sadd.s32 s22, s20  }
0x1d: {  	s9 =	sshrl.u32 s9, $0x3;
	s21 =	sadd.s32 s22, s21;
	[dreg:$0x5] =	wrdreg s20  }
0x1e: {  	s8 =	sshrl.u32 s8, $0x3;
	s9 =	sadd.s32 s22, s9;
	[dreg:$0x6] =	wrdreg s21  }
0x1f: {  	s7 =	sshrl.u32 s7, $0x3;
	s8 =	sadd.s32 s22, s8;
	[dreg:$0xf] =	wrdreg s9  }
0x20: {  	s5 =	sshrl.u32 s5, $0x3;
	s7 =	sadd.s32 s22, s7;
	[dreg:$0x10] =	wrdreg s8  }
0x21: {  	s24 =	sshrl.u32 s24, $0x3;
	s5 =	sadd.s32 s22, s5;
	[dreg:$0x11] =	wrdreg s7  }
0x22: {  	s25 =	sshrl.u32 s25, $0x3;
	s4 =	sshrl.u32 s4, $0x3;
	[dreg:$0x12] =	wrdreg s5  }
0x23: {  	s23 =	sshrl.u32 s23, $0x3;
	s4 =	sadd.s32 s22, s4;
	s5 =	rddreg [dreg:$0x1]  }
0x24: {  	s0 =	sshrl.u32 s0, $0x3;
	s20 =	sadd.s32 s22, s23;
	[dreg:$0x13] =	wrdreg s4  }
0x25: {  	s21 =	sadd.s32 s22, s25;
	s23 =	sshrl.u32 s26, $0x3;
	[dreg:$0x7] =	wrdreg s20  }
0x26: {  	s26 =	sshrl.u32 s29, $0x3;
	s0 =	sadd.s32 s22, s0;
	[dreg:$0x9] =	wrdreg s21  }
0x27: {  	s21 =	sadd.s32 s19, s22;
	s19 =	sadd.s32 s22, s26;
	s26 =	rddreg [dreg:$0x2]  }
0x28: {  	p3 =	por @p0 p2, p1;
	s20 =	sadd.s32 s22, s24;
	[dreg:$0x15] =	wrdreg s0  }
0x29: {  	p4 =	por @p0 !p2, p1;
	p2 =	por p3, !p0;
	[dreg:$0x8] =	wrdreg s20  }
0x2a: {  	s24 =	sshrl.u32 s28, $0x3;
	s20 =	sadd.s32 s22, s23;
	[dreg:$0xc] =	wrdreg s19  }
0x2b: {  	s25 =	sadd.s32 s22, s24;
	s23 =	sshrl.u32 s31, $0x3;
	[dreg:$0xa] =	wrdreg s20  }
0x2c: {  	[dreg:$0xb] =	wrdreg s25;
	s20 =	sshrl.u32 s30, $0x3;
	s24 =	sadd.s32 s22, s23  }
0x2d: {  	s25 =	sshrl.u32 s6, $0x3;
	s19 =	sadd.s32 s22, s20;
	[dreg:$0xe] =	wrdreg s24  }
0x2e: {  	p3 =	por !p4, !p0;
	s4 =	sadd.s32 s22, s25;
	[dreg:$0xd] =	wrdreg s19  }
0x2f: {  	p4 =	sgt.u32 s10, $0xC;
	[dreg:$0x14] =	wrdreg s4;
	s4 =	sshrl.u32 s3, $0x3  }
0x30: {  	s9 =	sshll.u32 s10, $0x9;
	s19 =	rddreg [dreg:$0x3];
	s0 =	sadd.s32 s26, s4  }
0x31: {  	s6 =	sadd.s32 s2, s19;
	s4 =	sadd.s32 s5, s9;
	[dreg:$0x16] =	wrdreg s0  }
0x32: {  	s10 =	sadd.s32 $0x10, s4;
	_ =	strace $0x80000047;
	[dreg:$0x17] =	wrdreg s6  }
0x33: {  	[smem:$0x7EE] =	sst s10  }
0x34: {  	[dreg:$0x18] =	wrdreg s4  }
0x35: {  	s7 =	sld [smem:$0x7D7]  }
0x36: {  	s8 =	sld [smem:$0x7D8]  }
0x37: {  	s22 =	sld [smem:$0x7D9]  }
0x38: {  	s24 =	sld [smem:$0x7DB]  }
0x39: {  	s23 =	sld [smem:$0x7DA]  }
0x3a: {  	s6 =	sld [smem:$0x7DC];
	s0 =	sshrl.u32 s7, $0x3;
	s2 =	sshrl.u32 s8, $0x3  }
0x3b: {  	s3 =	sshrl.u32 s24, $0x3;
	s7 =	sld [smem:$0x7DE];
	s8 =	sshrl.u32 s11, $0x3  }
0x3c: {  	s11 =	sld [smem:$0x7E1];
	s24 =	sshrl.u32 s16, $0x3;
	s16 =	sadd.s32 $0xD0, s4  }
0x3d: {  	s0 =	sadd.s32 s5, s0;
	[smem:$0x7F4] =	sst s16  }
0x3e: {  	s20 =	sadd.s32 s5, s2;
	[dreg:$0x19] =	wrdreg s0  }
0x3f: {  	s26 =	sadd.s32 s5, s3;
	[dreg:$0x1a] =	wrdreg s20  }
0x40: {  	s3 =	sadd.s32 $0x186000, s21;
	[dreg:$0x1d] =	wrdreg s26  }
0x41: {  	s9 =	sadd.s32 s5, s8;
	[dreg:$0x1f] =	wrdreg s3  }
0x42: {  	s8 =	sadd.s32 $0x30C0, s5;
	[smem:$0x7E0] =	sst s9  }
0x43: {  	s2 =	sshrl.u32 s23, $0x3;
	[smem:$0x7EB] =	sst s8  }
0x44: {  	s23 =	sshrl.u32 s12, $0x3;
	s12 =	sadd.s32 $0x50, s4;
	s9 =	sld [smem:$0x7EC]  }
0x45: {  	s25 =	sadd.s32 s5, s2;
	[smem:$0x7F0] =	sst s12  }
0x46: {  	s0 =	sshrl.u32 s22, $0x3;
	s2 =	sadd.s32 $0x186800, s21;
	[dreg:$0x1c] =	wrdreg s25  }
0x47: {  	s20 =	sshrl.u32 s13, $0x3;
	s13 =	sadd.s32 $0x70, s4;
	[dreg:$0x1e] =	wrdreg s2  }
0x48: {  	s21 =	sshrl.u32 s14, $0x3;
	s14 =	sadd.s32 $0x90, s4;
	[smem:$0x7F1] =	sst s13  }
0x49: {  	s3 =	sshrl.u32 s18, $0x3;
	s18 =	sadd.s32 $0x110, s4;
	[smem:$0x7F2] =	sst s14  }
0x4a: {  	s0 =	sadd.s32 s5, s0;
	[smem:$0x7F6] =	sst s18  }
0x4b: {  	s22 =	sadd.s32 s5, s21;
	[dreg:$0x1b] =	wrdreg s0  }
0x4c: {  	s2 =	sshrl.u32 s15, $0x3;
	s15 =	sadd.s32 $0xB0, s4;
	[smem:$0x7E4] =	sst s22  }
0x4d: {  	s25 =	sshrl.u32 s17, $0x3;
	s17 =	sadd.s32 $0xF0, s4;
	[smem:$0x7F3] =	sst s15  }
0x4e: {  	s21 =	sadd.s32 $0x150, s4;
	[smem:$0x7F5] =	sst s17  }
0x4f: {  	s26 =	sadd.s32 s5, s25;
	[smem:$0x7F8] =	sst s21  }
0x50: {  	s0 =	sshrl.u32 s6, $0x3;
	s6 =	sadd.s32 s5, s3;
	[smem:$0x7E7] =	sst s26  }
0x51: {  	s22 =	sadd.s32 $0x170, s4;
	[smem:$0x7E9] =	sst s6  }
0x52: {  	s25 =	sadd.s32 $0x1D0, s4;
	[smem:$0x7F9] =	sst s22  }
0x53: {  	p1 =	por !p1, !p0;
	s0 =	sadd.s32 s5, s0;
	[smem:$0x7FC] =	sst s25  }
0x54: {  	s29 =	simm.s32 $0x5;
	s26 =	sadd.s32 $0x1F0, s4;
	[smem:$0x7DD] =	sst s0  }
0x55: {  	s0 =	sshrl.u32 s7, $0x3;
	s7 =	sadd.s32 $0x30D0, s5;
	[smem:$0x7FD] =	sst s26  }
0x56: {  	s28 =	simm.s32 $0x1;
	s0 =	sadd.s32 s5, s0;
	[smem:$0x7EA] =	sst s7  }
0x57: {  	[smem:$0x7DF] =	sst s0;
	s0 =	sshrl.u32 s11, $0x3;
	s11 =	sadd.s32 $0x30, s4  }
0x58: {  	s31 =	simm.s32 $0x6;
	s0 =	sadd.s32 s5, s0;
	[smem:$0x7EF] =	sst s11  }
0x59: {  	s30 =	simm.s32 $0x2;
	[smem:$0x7E2] =	sst s0;
	s0 =	sadd.s32 s5, s20  }
0x5a: {  	s18 =	simm.s32 $0xA;
	s20 =	sadd.s32 $0x130, s4;
	[smem:$0x7E3] =	sst s0  }
0x5b: {  	s17 =	simm.s32 $0x3;
	s0 =	sadd.s32 s5, s23;
	[smem:$0x7F7] =	sst s20  }
0x5c: {  	s22 =	simm.s32 $0x9;
	s23 =	sadd.s32 $0x190, s4;
	[smem:$0x7E5] =	sst s0  }
0x5d: {  	s0 =	sadd.s32 s5, s24;
	[smem:$0x7FA] =	sst s23;
	s24 =	sadd.s32 $0x1B0, s4  }
0x5e: {  	s4 =	simm.s32 $0x40;
	s23 =	simm.s32 $0x8;
	[smem:$0x7E6] =	sst s0  }
0x5f: {  	s0 =	sadd.s32 s5, s2;
	[smem:$0x7FB] =	sst s24;
	s5 =	simm.s32 $0x80  }
0x60: {  	s2 =	simm.s32 $0x4;
	[smem:$0x7E8] =	sst s0;
	s0 =	smax.u32 s9, $0x1  }
0x61: {  	v0 =	vimm.f32 $0.0e+00;
	s9 =	simm.s32 $0x0;
	[smem:$0x7ED] =	sst s0;
	s0 =	simm.s32 $0x7  }
.LBB2_1:
0x62: {  	s26 =	simm.s32 $0x100;
	s25 =	simm.s32 $0x0  }
.LBB2_2:
0x63: {  	p5 =	sne.s32 s26, $0x3F00;
	[tilespmem:s25+$0x30] =	vst v0;
	s3 =	smov.u32 s26;
	s26 =	sadd.s32 $0x100, s26  }
.Ltmp0:
0x64: {  	[tilespmem:s25+$0x20] =	vst v0;
	(pc) =	sbr.rel @p5 .LBB2_2-.Ltmp0, $3  }
0x65: {  	[tilespmem:s25+$0x0] =	vst v0  }
0x66: {  	[tilespmem:s25+$0x10] =	vst v0;
	_ =	sdelay $0x1  }
0x67: {  	s25 =	sshra.s32 s3, $0x2  }
0x68: {  	[tilespmem:s25+$0x30] =	vst v0  }
0x69: {  	[tilespmem:s25+$0x20] =	vst v0  }
0x6a: {  	[tilespmem:s25+$0x0] =	vst v0  }
0x6b: {  	[tilespmem:s25+$0x10] =	vst v0;
	s3 =	rddreg [dreg:$0x17];
	s20 =	simm.s32 $0xE  }
0x6c: {  	[spmem:s3] =	stream.linear.scatter [tilespmem:s1], [sflag:$0xE], $0x1000, $0x38;
	[tilespmem:$0x1BEA0] =	vst v63  }
0x6d: {  	_ =	swait.ge [sflag:s20], $0x1000  }
0x6e: {  	[sflag:s20] =	ssyncset.done $0x0;
	s21 =	rddreg [dreg:$0x5]  }
0x6f: {  	s24 =	rddreg [dreg:$0x18];
	[sflag:s20] =	ssyncadd.s32 $0xFFFFF000  }
0x70: {  	[tilespmem:s1], [sflag:$0x1] =	stream.strided.gather [hbm4b:s21+s4], $0x4000, s5, s4, $0x38;
	[tilespmem:$0x1BEA0] =	vst v63  }
0x71: {  	s6 =	simm.s32 $0x18000;
	s25 =	sld [smem:$0x7EE]  }
0x72: {  	[tilespmem:s6], [sflag:$0x1] =	stream.linear.gather [hbm4b:s24+s1], $0x80, $0x38;
	[tilespmem:$0x1BEA0] =	vst v63  }
0x73: {  	s26 =	simm.s32 $0x18080;
	s8 =	rddreg [dreg:$0x19]  }
0x74: {  	[tilespmem:s26], [sflag:$0x1] =	stream.linear.gather [hbm4b:s25+s1], $0x80, $0x38;
	[tilespmem:$0x1BEA0] =	vst v63  }
0x75: {  	s7 =	simm.s32 $0x4000;
	s6 =	rddreg [dreg:$0x6]  }
0x76: {  	[tilespmem:s7], [sflag:$0x2] =	stream.strided.gather [hbm4b:s6+s4], $0x4000, s5, s4, $0x38;
	[tilespmem:$0x1BEA0] =	vst v63  }
0x77: {  	s13 =	simm.s32 $0x18100;
	s14 =	sld [smem:$0x7EF]  }
0x78: {  	[tilespmem:s13], [sflag:$0x2] =	stream.linear.gather [hbm4b:s8+s1], $0x80, $0x38;
	[tilespmem:$0x1BEA0] =	vst v63  }
0x79: {  	s15 =	simm.s32 $0x18180;
	s16 =	rddreg [dreg:$0x7]  }
0x7a: {  	[tilespmem:s15], [sflag:$0x2] =	stream.linear.gather [hbm4b:s14+s1], $0x80, $0x38;
	[tilespmem:$0x1BEA0] =	vst v63  }
0x7b: {  	s20 =	simm.s32 $0x8000;
	s21 =	rddreg [dreg:$0x1a]  }
0x7c: {  	[tilespmem:s20], [sflag:$0x3] =	stream.strided.gather [hbm4b:s16+s4], $0x4000, s5, s4, $0x38;
	[tilespmem:$0x1BEA0] =	vst v63  }
0x7d: {  	s24 =	simm.s32 $0x18200;
	s25 =	sld [smem:$0x7F0]  }
0x7e: {  	[tilespmem:s24], [sflag:$0x3] =	stream.linear.gather [hbm4b:s21+s1], $0x80, $0x38;
	[tilespmem:$0x1BEA0] =	vst v63  }
0x7f: {  	s26 =	simm.s32 $0x18280;
	s6 =	rddreg [dreg:$0x8]  }
0x80: {  	[tilespmem:s26], [sflag:$0x3] =	stream.linear.gather [hbm4b:s25+s1], $0x80, $0x38;
	[tilespmem:$0x1BEA0] =	vst v63  }
0x81: {  	s13 =	simm.s32 $0xC000;
	s14 =	rddreg [dreg:$0x1b]  }
0x82: {  	[tilespmem:s13], [sflag:$0x4] =	stream.strided.gather [hbm4b:s6+s4], $0x4000, s5, s4, $0x38;
	[tilespmem:$0x1BEA0] =	vst v63  }
0x83: {  	s15 =	simm.s32 $0x18300;
	s16 =	sld [smem:$0x7F1]  }
0x84: {  	[tilespmem:s15], [sflag:$0x4] =	stream.linear.gather [hbm4b:s14+s1], $0x80, $0x38;
	[tilespmem:$0x1BEA0] =	vst v63  }
0x85: {  	s20 =	simm.s32 $0x18380;
	s21 =	rddreg [dreg:$0x9]  }
0x86: {  	[tilespmem:s20], [sflag:$0x4] =	stream.linear.gather [hbm4b:s16+s1], $0x80, $0x38;
	[tilespmem:$0x1BEA0] =	vst v63  }
0x87: {  	s24 =	simm.s32 $0x10000;
	s25 =	rddreg [dreg:$0x1c]  }
0x88: {  	[tilespmem:s24], [sflag:$0x5] =	stream.strided.gather [hbm4b:s21+s4], $0x4000, s5, s4, $0x38;
	[tilespmem:$0x1BEA0] =	vst v63  }
0x89: {  	s26 =	simm.s32 $0x18400;
	s13 =	sld [smem:$0x7F2]  }
0x8a: {  	[tilespmem:s26], [sflag:$0x5] =	stream.linear.gather [hbm4b:s25+s1], $0x80, $0x38;
	[tilespmem:$0x1BEA0] =	vst v63  }
0x8b: {  	s14 =	simm.s32 $0x18480;
	s15 =	rddreg [dreg:$0xa]  }
0x8c: {  	[tilespmem:s14], [sflag:$0x5] =	stream.linear.gather [hbm4b:s13+s1], $0x80, $0x38;
	[tilespmem:$0x1BEA0] =	vst v63  }
0x8d: {  	s16 =	simm.s32 $0x14000;
	s20 =	rddreg [dreg:$0x1d]  }
0x8e: {  	[tilespmem:s16], [sflag:$0x6] =	stream.strided.gather [hbm4b:s15+s4], $0x4000, s5, s4, $0x38;
	[tilespmem:$0x1BEA0] =	vst v63  }
0x8f: {  	s21 =	simm.s32 $0x18500;
	s24 =	sld [smem:$0x7F3]  }
0x90: {  	[tilespmem:s21], [sflag:$0x6] =	stream.linear.gather [hbm4b:s20+s1], $0x80, $0x38;
	[tilespmem:$0x1BEA0] =	vst v63  }
0x91: {  	s3 =	simm.s32 @!p1 $0x40;
	s25 =	simm.s32 $0x18580  }
0x92: {  	[tilespmem:s25], [sflag:$0x6] =	stream.linear.gather [hbm4b:s24+s1], $0x80, $0x38;
	[tilespmem:$0x1BEA0] =	vst v63  }
0x93: {  	s6 =	rddreg [dreg:$0x1e];
	s26 =	simm.s32 @!p1 $0x1A680;
	s25 =	simm.s32 @!p1 $0x80  }
0x94: {  	[tilespmem:s26], [sflag:$0xD] =	stream.strided.gather @!p1 [hbm4b:s6+s3], $0x800, s25, s3, $0x38;
	[tilespmem:$0x1BEA0] =	vst v63  }
0x95: {  	s6 =	sld [smem:$0x7EA];
	_ =	sdelay $0x1  }
0x96: {  	s3 =	simm.s32 @!p1 $0x0;
	s25 =	simm.s32 @!p1 $0x1AE80;
	s26 =	simm.s32 @!p2 $0x18600  }
0x97: {  	[tilespmem:s25], [sflag:$0xD] =	stream.linear.gather @!p1 [hbm4b:s6+s3], $0x20, $0x38;
	[tilespmem:$0x1BEA0] =	vst v63  }
0x98: {  	s3 =	simm.s32 @!p2 $0x40;
	s25 =	simm.s32 @!p2 $0x80;
	s6 =	rddreg [dreg:$0x1f]  }
0x99: {  	[tilespmem:s26], [sflag:$0xD] =	stream.strided.gather @!p2 [hbm4b:s6+s3], $0x2000, s25, s3, $0x38;
	[tilespmem:$0x1BEA0] =	vst v63  }
0x9a: {  	s6 =	sld [smem:$0x7EB];
	_ =	sdelay $0x1  }
0x9b: {  	s3 =	simm.s32 @!p2 $0x0;
	s25 =	simm.s32 @!p2 $0x1A600;
	s26 =	simm.s32 @!p0 $0x18600  }
0x9c: {  	[tilespmem:s25], [sflag:$0xD] =	stream.linear.gather @!p2 [hbm4b:s6+s3], $0x80, $0x38;
	[tilespmem:$0x1BEA0] =	vst v63  }
0x9d: {  	s3 =	simm.s32 @!p0 $0x40;
	s25 =	simm.s32 @!p0 $0x80;
	s6 =	rddreg [dreg:$0xb]  }
0x9e: {  	[tilespmem:s26], [sflag:$0xD] =	stream.strided.gather @!p0 [hbm4b:s6+s3], $0x2000, s25, s3, $0x38;
	[tilespmem:$0x1BEA0] =	vst v63  }
0x9f: {  	s6 =	sld [smem:$0x7DD];
	_ =	sdelay $0x1  }
0xa0: {  	s3 =	simm.s32 @!p0 $0x0;
	s25 =	simm.s32 @!p0 $0x1A600  }
0xa1: {  	[tilespmem:s25], [sflag:$0xD] =	stream.linear.gather @!p0 [hbm4b:s6+s3], $0x80, $0x38;
	[tilespmem:$0x1BEA0] =	vst v63  }
0xa2: {  	[bflag:$0x0] =	sbarrier.arrive $0xFFFF  }
0xa3: {  	_ =	swait.ge [sflag:s28], $0x4000  }
0xa4: {  	[sflag:s28] =	ssyncset.done $0x0  }
0xa5: {  	[sflag:s28] =	ssyncadd.s32 $0xFFFFC000  }
0xa6: {  	_ =	swait.ge [sflag:s28], $0x80  }
0xa7: {  	[sflag:s28] =	ssyncset.done $0x0  }
0xa8: {  	[sflag:s28] =	ssyncadd.s32 $0xFFFFFF80  }
0xa9: {  	_ =	swait.ge [sflag:s28], $0x80  }
0xaa: {  	[sflag:s28] =	ssyncset.done $0x0  }
0xab: {  	s10 =	simm.s32 $0x18000;
	[sflag:s28] =	ssyncadd.s32 $0xFFFFFF80  }
0xac: {  	[spmem:s19] =	stream.indirect.scatter.add.f32 [tilespmem:s1], [sflag:$0x7], $0x40, s10, s5, $0xb8;
	[tilespmem:$0x1BEA0] =	vst v63  }
0xad: {  	s12 =	simm.s32 $0x18080;
	s26 =	simm.s32 $0x2000  }
0xae: {  	[spmem:s19] =	stream.indirect.scatter.add.f32 [tilespmem:s26], [sflag:$0x7], $0x40, s12, s5, $0xb8;
	[tilespmem:$0x1BEA0] =	vst v63  }
0xaf: {  	_ =	swait.ge [sflag:s30], $0x4000  }
0xb0: {  	[sflag:s30] =	ssyncset.done $0x0  }
0xb1: {  	[sflag:s30] =	ssyncadd.s32 $0xFFFFC000  }
0xb2: {  	_ =	swait.ge [sflag:s30], $0x80  }
0xb3: {  	[sflag:s30] =	ssyncset.done $0x0  }
0xb4: {  	[sflag:s30] =	ssyncadd.s32 $0xFFFFFF80  }
0xb5: {  	_ =	swait.ge [sflag:s30], $0x80  }
0xb6: {  	[sflag:s30] =	ssyncset.done $0x0  }
0xb7: {  	s11 =	simm.s32 $0x4000;
	s7 =	simm.s32 $0x18100;
	[sflag:s30] =	ssyncadd.s32 $0xFFFFFF80  }
0xb8: {  	[spmem:s19] =	stream.indirect.scatter.add.f32 [tilespmem:s11], [sflag:$0x8], $0x40, s7, s5, $0xb8;
	[tilespmem:$0x1BEA0] =	vst v63  }
0xb9: {  	s8 =	simm.s32 $0x18180;
	s7 =	simm.s32 $0x6000  }
0xba: {  	[spmem:s19] =	stream.indirect.scatter.add.f32 [tilespmem:s7], [sflag:$0x8], $0x40, s8, s5, $0xb8;
	[tilespmem:$0x1BEA0] =	vst v63  }
0xbb: {  	_ =	swait.ge [sflag:s17], $0x4000  }
0xbc: {  	[sflag:s17] =	ssyncset.done $0x0  }
0xbd: {  	[sflag:s17] =	ssyncadd.s32 $0xFFFFC000  }
0xbe: {  	_ =	swait.ge [sflag:s17], $0x80  }
0xbf: {  	[sflag:s17] =	ssyncset.done $0x0  }
0xc0: {  	[sflag:s17] =	ssyncadd.s32 $0xFFFFFF80  }
0xc1: {  	_ =	swait.ge [sflag:s17], $0x80  }
0xc2: {  	[sflag:s17] =	ssyncset.done $0x0  }
0xc3: {  	s14 =	simm.s32 $0x18200;
	s16 =	simm.s32 $0x8000;
	[sflag:s17] =	ssyncadd.s32 $0xFFFFFF80  }
0xc4: {  	[spmem:s19] =	stream.indirect.scatter.add.f32 [tilespmem:s16], [sflag:$0x9], $0x40, s14, s5, $0xb8;
	[tilespmem:$0x1BEA0] =	vst v63  }
0xc5: {  	s10 =	simm.s32 $0xA000;
	s11 =	simm.s32 $0x18280  }
0xc6: {  	[spmem:s19] =	stream.indirect.scatter.add.f32 [tilespmem:s10], [sflag:$0x9], $0x40, s11, s5, $0xb8;
	[tilespmem:$0x1BEA0] =	vst v63  }
0xc7: {  	_ =	swait.ge [sflag:s2], $0x4000  }
0xc8: {  	[sflag:s2] =	ssyncset.done $0x0  }
0xc9: {  	[sflag:s2] =	ssyncadd.s32 $0xFFFFC000  }
0xca: {  	_ =	swait.ge [sflag:s2], $0x80  }
0xcb: {  	[sflag:s2] =	ssyncset.done $0x0  }
0xcc: {  	[sflag:s2] =	ssyncadd.s32 $0xFFFFFF80  }
0xcd: {  	_ =	swait.ge [sflag:s2], $0x80  }
0xce: {  	[sflag:s2] =	ssyncset.done $0x0  }
0xcf: {  	s20 =	simm.s32 $0x18300;
	s26 =	simm.s32 $0xC000;
	[sflag:s2] =	ssyncadd.s32 $0xFFFFFF80  }
0xd0: {  	[spmem:s19] =	stream.indirect.scatter.add.f32 [tilespmem:s26], [sflag:$0xA], $0x40, s20, s5, $0xb8;
	[tilespmem:$0x1BEA0] =	vst v63  }
0xd1: {  	s15 =	simm.s32 $0x18380;
	s12 =	simm.s32 $0xE000  }
0xd2: {  	[spmem:s19] =	stream.indirect.scatter.add.f32 [tilespmem:s12], [sflag:$0xA], $0x40, s15, s5, $0xb8;
	[tilespmem:$0x1BEA0] =	vst v63  }
0xd3: {  	_ =	swait.ge [sflag:s29], $0x4000  }
0xd4: {  	[sflag:s29] =	ssyncset.done $0x0  }
0xd5: {  	[sflag:s29] =	ssyncadd.s32 $0xFFFFC000  }
0xd6: {  	_ =	swait.ge [sflag:s29], $0x80  }
0xd7: {  	[sflag:s29] =	ssyncset.done $0x0  }
0xd8: {  	[sflag:s29] =	ssyncadd.s32 $0xFFFFFF80  }
0xd9: {  	_ =	swait.ge [sflag:s29], $0x80  }
0xda: {  	[sflag:s29] =	ssyncset.done $0x0  }
0xdb: {  	s21 =	simm.s32 $0x18400;
	s10 =	simm.s32 $0x10000;
	[sflag:s29] =	ssyncadd.s32 $0xFFFFFF80  }
0xdc: {  	[spmem:s19] =	stream.indirect.scatter.add.f32 [tilespmem:s10], [sflag:$0xB], $0x40, s21, s5, $0xb8;
	[tilespmem:$0x1BEA0] =	vst v63  }
0xdd: {  	s13 =	simm.s32 $0x12000;
	s24 =	simm.s32 $0x18480  }
0xde: {  	[spmem:s19] =	stream.indirect.scatter.add.f32 [tilespmem:s13], [sflag:$0xB], $0x40, s24, s5, $0xb8;
	[tilespmem:$0x1BEA0] =	vst v63  }
0xdf: {  	_ =	swait.ge [sflag:s31], $0x4000  }
0xe0: {  	[sflag:s31] =	ssyncset.done $0x0  }
0xe1: {  	[sflag:s31] =	ssyncadd.s32 $0xFFFFC000  }
0xe2: {  	_ =	swait.ge [sflag:s31], $0x80  }
0xe3: {  	[sflag:s31] =	ssyncset.done $0x0  }
0xe4: {  	[sflag:s31] =	ssyncadd.s32 $0xFFFFFF80  }
0xe5: {  	_ =	swait.ge [sflag:s31], $0x80  }
0xe6: {  	[sflag:s31] =	ssyncset.done $0x0  }
0xe7: {  	s8 =	simm.s32 $0x14000;
	s12 =	simm.s32 $0x18500;
	[sflag:s31] =	ssyncadd.s32 $0xFFFFFF80  }
0xe8: {  	[spmem:s19] =	stream.indirect.scatter.add.f32 [tilespmem:s8], [sflag:$0xC], $0x40, s12, s5, $0xb8;
	[tilespmem:$0x1BEA0] =	vst v63  }
0xe9: {  	s7 =	simm.s32 $0x16000;
	s13 =	simm.s32 $0x18580  }
0xea: {  	[spmem:s19] =	stream.indirect.scatter.add.f32 [tilespmem:s7], [sflag:$0xC], $0x40, s13, s5, $0xb8;
	[tilespmem:$0x1BEA0] =	vst v63  }
0xeb: {  	_ =	swait.ge [sflag:s0], $0x2000  }
0xec: {  	[sflag:s0] =	ssyncset.done $0x0  }
0xed: {  	[sflag:s0] =	ssyncadd.s32 $0xFFFFE000  }
0xee: {  	_ =	swait.ge [sflag:s0], $0x2000  }
0xef: {  	[sflag:s0] =	ssyncset.done $0x0  }
0xf0: {  	s7 =	rddreg [dreg:$0xc];
	[sflag:s0] =	ssyncadd.s32 $0xFFFFE000  }
0xf1: {  	[tilespmem:s1], [sflag:$0x1] =	stream.strided.gather [hbm4b:s7+s4], $0x4000, s5, s4, $0x38;
	[tilespmem:$0x1BEA0] =	vst v63  }
0xf2: {  	s7 =	sld [smem:$0x7DF];
	_ =	sdelay $0x1  }
0xf3: {  	s6 =	simm.s32 $0x18000;
	s3 =	sld [smem:$0x7F4]  }
0xf4: {  	[tilespmem:s6], [sflag:$0x1] =	stream.linear.gather [hbm4b:s7+s1], $0x80, $0x38;
	[tilespmem:$0x1BEA0] =	vst v63  }
0xf5: {  	s6 =	simm.s32 $0x18080  }
0xf6: {  	[tilespmem:s6], [sflag:$0x1] =	stream.linear.gather [hbm4b:s3+s1], $0x80, $0x38;
	[tilespmem:$0x1BEA0] =	vst v63  }
0xf7: {  	_ =	swait.ge [sflag:s23], $0x2000  }
0xf8: {  	[sflag:s23] =	ssyncset.done $0x0  }
0xf9: {  	[sflag:s23] =	ssyncadd.s32 $0xFFFFE000  }
0xfa: {  	_ =	swait.ge [sflag:s23], $0x2000  }
0xfb: {  	[sflag:s23] =	ssyncset.done $0x0  }
0xfc: {  	s25 =	simm.s32 $0x4000;
	s3 =	rddreg [dreg:$0xd];
	[sflag:s23] =	ssyncadd.s32 $0xFFFFE000  }
0xfd: {  	[tilespmem:s25], [sflag:$0x2] =	stream.strided.gather [hbm4b:s3+s4], $0x4000, s5, s4, $0x38;
	[tilespmem:$0x1BEA0] =	vst v63  }
0xfe: {  	s3 =	sld [smem:$0x7E0];
	_ =	sdelay $0x1  }
0xff: {  	s25 =	simm.s32 $0x18100  }
0x100: {  	[tilespmem:s25], [sflag:$0x2] =	stream.linear.gather [hbm4b:s3+s1], $0x80, $0x38;
	[tilespmem:$0x1BEA0] =	vst v63  }
0x101: {  	s3 =	sld [smem:$0x7F5];
	_ =	sdelay $0x1  }
0x102: {  	s25 =	simm.s32 $0x18180  }
0x103: {  	[tilespmem:s25], [sflag:$0x2] =	stream.linear.gather [hbm4b:s3+s1], $0x80, $0x38;
	[tilespmem:$0x1BEA0] =	vst v63  }
0x104: {  	_ =	swait.ge [sflag:s22], $0x2000  }
0x105: {  	[sflag:s22] =	ssyncset.done $0x0  }
0x106: {  	[sflag:s22] =	ssyncadd.s32 $0xFFFFE000  }
0x107: {  	_ =	swait.ge [sflag:s22], $0x2000  }
0x108: {  	[sflag:s22] =	ssyncset.done $0x0  }
0x109: {  	s3 =	rddreg [dreg:$0xe];
	[sflag:s22] =	ssyncadd.s32 $0xFFFFE000  }
0x10a: {  	[tilespmem:s16], [sflag:$0x3] =	stream.strided.gather [hbm4b:s3+s4], $0x4000, s5, s4, $0x38;
	[tilespmem:$0x1BEA0] =	vst v63  }
0x10b: {  	s16 =	sld [smem:$0x7E2];
	_ =	sdelay $0x2  }
0x10c: {  	[tilespmem:s14], [sflag:$0x3] =	stream.linear.gather [hbm4b:s16+s1], $0x80, $0x38;
	[tilespmem:$0x1BEA0] =	vst v63  }
0x10d: {  	s16 =	sld [smem:$0x7F6];
	_ =	sdelay $0x2  }
0x10e: {  	[tilespmem:s11], [sflag:$0x3] =	stream.linear.gather [hbm4b:s16+s1], $0x80, $0x38;
	[tilespmem:$0x1BEA0] =	vst v63  }
0x10f: {  	_ =	swait.ge [sflag:s18], $0x2000  }
0x110: {  	[sflag:s18] =	ssyncset.done $0x0  }
0x111: {  	[sflag:s18] =	ssyncadd.s32 $0xFFFFE000  }
0x112: {  	_ =	swait.ge [sflag:s18], $0x2000  }
0x113: {  	[sflag:s18] =	ssyncset.done $0x0  }
0x114: {  	s11 =	rddreg [dreg:$0xf];
	[sflag:s18] =	ssyncadd.s32 $0xFFFFE000  }
0x115: {  	[tilespmem:s26], [sflag:$0x4] =	stream.strided.gather [hbm4b:s11+s4], $0x4000, s5, s4, $0x38;
	[tilespmem:$0x1BEA0] =	vst v63  }
0x116: {  	s11 =	sld [smem:$0x7E3];
	_ =	sdelay $0x2  }
0x117: {  	[tilespmem:s20], [sflag:$0x4] =	stream.linear.gather [hbm4b:s11+s1], $0x80, $0x38;
	[tilespmem:$0x1BEA0] =	vst v63  }
0x118: {  	s11 =	sld [smem:$0x7F7];
	_ =	sdelay $0x2  }
0x119: {  	[tilespmem:s15], [sflag:$0x4] =	stream.linear.gather [hbm4b:s11+s1], $0x80, $0x38;
	[tilespmem:$0x1BEA0] =	vst v63  }
0x11a: {  	s11 =	simm.s32 $0xB  }
0x11b: {  	_ =	swait.ge [sflag:s11], $0x2000  }
0x11c: {  	[sflag:s11] =	ssyncset.done $0x0  }
0x11d: {  	[sflag:s11] =	ssyncadd.s32 $0xFFFFE000  }
0x11e: {  	_ =	swait.ge [sflag:s11], $0x2000  }
0x11f: {  	[sflag:s11] =	ssyncset.done $0x0  }
0x120: {  	s3 =	rddreg [dreg:$0x10];
	[sflag:s11] =	ssyncadd.s32 $0xFFFFE000  }
0x121: {  	[tilespmem:s10], [sflag:$0x5] =	stream.strided.gather [hbm4b:s3+s4], $0x4000, s5, s4, $0x38;
	[tilespmem:$0x1BEA0] =	vst v63  }
0x122: {  	s10 =	sld [smem:$0x7E4];
	_ =	sdelay $0x2  }
0x123: {  	[tilespmem:s21], [sflag:$0x5] =	stream.linear.gather [hbm4b:s10+s1], $0x80, $0x38;
	[tilespmem:$0x1BEA0] =	vst v63  }
0x124: {  	s21 =	sld [smem:$0x7F8];
	_ =	sdelay $0x2  }
0x125: {  	[tilespmem:s24], [sflag:$0x5] =	stream.linear.gather [hbm4b:s21+s1], $0x80, $0x38;
	[tilespmem:$0x1BEA0] =	vst v63  }
0x126: {  	s21 =	simm.s32 $0xC  }
0x127: {  	_ =	swait.ge [sflag:s21], $0x2000  }
0x128: {  	[sflag:s21] =	ssyncset.done $0x0  }
0x129: {  	[sflag:s21] =	ssyncadd.s32 $0xFFFFE000  }
0x12a: {  	_ =	swait.ge [sflag:s21], $0x2000  }
0x12b: {  	[sflag:s21] =	ssyncset.done $0x0  }
0x12c: {  	s10 =	rddreg [dreg:$0x11];
	[sflag:s21] =	ssyncadd.s32 $0xFFFFE000  }
0x12d: {  	[tilespmem:s8], [sflag:$0x6] =	stream.strided.gather [hbm4b:s10+s4], $0x4000, s5, s4, $0x38;
	[tilespmem:$0x1BEA0] =	vst v63  }
0x12e: {  	s10 =	sld [smem:$0x7E5];
	_ =	sdelay $0x1  }
0x12f: {  	s8 =	sld [smem:$0x7F9]  }
0x130: {  	[tilespmem:s12], [sflag:$0x6] =	stream.linear.gather [hbm4b:s10+s1], $0x80, $0x38;
	[tilespmem:$0x1BEA0] =	vst v63  }
0x131: {  	_ = 	snop  }
0x132: {  	[tilespmem:s13], [sflag:$0x6] =	stream.linear.gather [hbm4b:s8+s1], $0x80, $0x38;
	[tilespmem:$0x1BEA0] =	vst v63  }
0x133: {  	_ =	swait.ge [sflag:s28], $0x4000  }
0x134: {  	[sflag:s28] =	ssyncset.done $0x0  }
0x135: {  	[sflag:s28] =	ssyncadd.s32 $0xFFFFC000  }
0x136: {  	_ =	swait.ge [sflag:s28], $0x80  }
0x137: {  	[sflag:s28] =	ssyncset.done $0x0  }
0x138: {  	[sflag:s28] =	ssyncadd.s32 $0xFFFFFF80  }
0x139: {  	_ =	swait.ge [sflag:s28], $0x80  }
0x13a: {  	[sflag:s28] =	ssyncset.done $0x0  }
0x13b: {  	s7 =	simm.s32 $0x18000;
	[sflag:s28] =	ssyncadd.s32 $0xFFFFFF80  }
0x13c: {  	[spmem:s19] =	stream.indirect.scatter.add.f32 [tilespmem:s1], [sflag:$0x7], $0x40, s7, s5, $0xb8;
	[tilespmem:$0x1BEA0] =	vst v63  }
0x13d: {  	s6 =	simm.s32 $0x18080;
	s10 =	simm.s32 $0x2000  }
0x13e: {  	[spmem:s19] =	stream.indirect.scatter.add.f32 [tilespmem:s10], [sflag:$0x7], $0x40, s6, s5, $0xb8;
	[tilespmem:$0x1BEA0] =	vst v63  }
0x13f: {  	_ =	swait.ge [sflag:s30], $0x4000  }
0x140: {  	[sflag:s30] =	ssyncset.done $0x0  }
0x141: {  	[sflag:s30] =	ssyncadd.s32 $0xFFFFC000  }
0x142: {  	_ =	swait.ge [sflag:s30], $0x80  }
0x143: {  	[sflag:s30] =	ssyncset.done $0x0  }
0x144: {  	[sflag:s30] =	ssyncadd.s32 $0xFFFFFF80  }
0x145: {  	_ =	swait.ge [sflag:s30], $0x80  }
0x146: {  	[sflag:s30] =	ssyncset.done $0x0  }
0x147: {  	s12 =	simm.s32 $0x4000;
	s13 =	simm.s32 $0x18100;
	[sflag:s30] =	ssyncadd.s32 $0xFFFFFF80  }
0x148: {  	[spmem:s19] =	stream.indirect.scatter.add.f32 [tilespmem:s12], [sflag:$0x8], $0x40, s13, s5, $0xb8;
	[tilespmem:$0x1BEA0] =	vst v63  }
0x149: {  	s25 =	simm.s32 $0x18180;
	s10 =	simm.s32 $0x6000  }
0x14a: {  	[spmem:s19] =	stream.indirect.scatter.add.f32 [tilespmem:s10], [sflag:$0x8], $0x40, s25, s5, $0xb8;
	[tilespmem:$0x1BEA0] =	vst v63  }
0x14b: {  	_ =	swait.ge [sflag:s17], $0x4000  }
0x14c: {  	[sflag:s17] =	ssyncset.done $0x0  }
0x14d: {  	[sflag:s17] =	ssyncadd.s32 $0xFFFFC000  }
0x14e: {  	_ =	swait.ge [sflag:s17], $0x80  }
0x14f: {  	[sflag:s17] =	ssyncset.done $0x0  }
0x150: {  	[sflag:s17] =	ssyncadd.s32 $0xFFFFFF80  }
0x151: {  	_ =	swait.ge [sflag:s17], $0x80  }
0x152: {  	[sflag:s17] =	ssyncset.done $0x0  }
0x153: {  	s14 =	simm.s32 $0x18200;
	s13 =	simm.s32 $0x8000;
	[sflag:s17] =	ssyncadd.s32 $0xFFFFFF80  }
0x154: {  	[spmem:s19] =	stream.indirect.scatter.add.f32 [tilespmem:s13], [sflag:$0x9], $0x40, s14, s5, $0xb8;
	[tilespmem:$0x1BEA0] =	vst v63  }
0x155: {  	s16 =	simm.s32 $0x18280;
	s14 =	simm.s32 $0xA000  }
0x156: {  	[spmem:s19] =	stream.indirect.scatter.add.f32 [tilespmem:s14], [sflag:$0x9], $0x40, s16, s5, $0xb8;
	[tilespmem:$0x1BEA0] =	vst v63  }
0x157: {  	_ =	swait.ge [sflag:s2], $0x4000  }
0x158: {  	[sflag:s2] =	ssyncset.done $0x0  }
0x159: {  	[sflag:s2] =	ssyncadd.s32 $0xFFFFC000  }
0x15a: {  	_ =	swait.ge [sflag:s2], $0x80  }
0x15b: {  	[sflag:s2] =	ssyncset.done $0x0  }
0x15c: {  	[sflag:s2] =	ssyncadd.s32 $0xFFFFFF80  }
0x15d: {  	_ =	swait.ge [sflag:s2], $0x80  }
0x15e: {  	[sflag:s2] =	ssyncset.done $0x0  }
0x15f: {  	s26 =	simm.s32 $0xC000;
	s20 =	simm.s32 $0x18300;
	[sflag:s2] =	ssyncadd.s32 $0xFFFFFF80  }
0x160: {  	[spmem:s19] =	stream.indirect.scatter.add.f32 [tilespmem:s26], [sflag:$0xA], $0x40, s20, s5, $0xb8;
	[tilespmem:$0x1BEA0] =	vst v63  }
0x161: {  	s15 =	simm.s32 $0x18380;
	s16 =	simm.s32 $0xE000  }
0x162: {  	[spmem:s19] =	stream.indirect.scatter.add.f32 [tilespmem:s16], [sflag:$0xA], $0x40, s15, s5, $0xb8;
	[tilespmem:$0x1BEA0] =	vst v63  }
0x163: {  	_ =	swait.ge [sflag:s29], $0x4000  }
0x164: {  	[sflag:s29] =	ssyncset.done $0x0  }
0x165: {  	[sflag:s29] =	ssyncadd.s32 $0xFFFFC000  }
0x166: {  	_ =	swait.ge [sflag:s29], $0x80  }
0x167: {  	[sflag:s29] =	ssyncset.done $0x0  }
0x168: {  	[sflag:s29] =	ssyncadd.s32 $0xFFFFFF80  }
0x169: {  	_ =	swait.ge [sflag:s29], $0x80  }
0x16a: {  	[sflag:s29] =	ssyncset.done $0x0  }
0x16b: {  	s3 =	simm.s32 $0x10000;
	s15 =	simm.s32 $0x18400;
	[sflag:s29] =	ssyncadd.s32 $0xFFFFFF80  }
0x16c: {  	[spmem:s19] =	stream.indirect.scatter.add.f32 [tilespmem:s3], [sflag:$0xB], $0x40, s15, s5, $0xb8;
	[tilespmem:$0x1BEA0] =	vst v63  }
0x16d: {  	s24 =	simm.s32 $0x18480;
	s15 =	simm.s32 $0x12000  }
0x16e: {  	[spmem:s19] =	stream.indirect.scatter.add.f32 [tilespmem:s15], [sflag:$0xB], $0x40, s24, s5, $0xb8;
	[tilespmem:$0x1BEA0] =	vst v63  }
0x16f: {  	_ =	swait.ge [sflag:s31], $0x4000  }
0x170: {  	[sflag:s31] =	ssyncset.done $0x0  }
0x171: {  	[sflag:s31] =	ssyncadd.s32 $0xFFFFC000  }
0x172: {  	_ =	swait.ge [sflag:s31], $0x80  }
0x173: {  	[sflag:s31] =	ssyncset.done $0x0  }
0x174: {  	[sflag:s31] =	ssyncadd.s32 $0xFFFFFF80  }
0x175: {  	_ =	swait.ge [sflag:s31], $0x80  }
0x176: {  	[sflag:s31] =	ssyncset.done $0x0  }
0x177: {  	s24 =	simm.s32 $0x14000;
	s15 =	simm.s32 $0x18500;
	[sflag:s31] =	ssyncadd.s32 $0xFFFFFF80  }
0x178: {  	[spmem:s19] =	stream.indirect.scatter.add.f32 [tilespmem:s24], [sflag:$0xC], $0x40, s15, s5, $0xb8;
	[tilespmem:$0x1BEA0] =	vst v63  }
0x179: {  	s24 =	simm.s32 $0x16000;
	s15 =	simm.s32 $0x18580  }
0x17a: {  	[spmem:s19] =	stream.indirect.scatter.add.f32 [tilespmem:s24], [sflag:$0xC], $0x40, s15, s5, $0xb8;
	[tilespmem:$0x1BEA0] =	vst v63  }
0x17b: {  	_ =	swait.ge [sflag:s0], $0x2000  }
0x17c: {  	[sflag:s0] =	ssyncset.done $0x0  }
0x17d: {  	[sflag:s0] =	ssyncadd.s32 $0xFFFFE000  }
0x17e: {  	_ =	swait.ge [sflag:s0], $0x2000  }
0x17f: {  	[sflag:s0] =	ssyncset.done $0x0;
	s24 =	rddreg [dreg:$0x12]  }
0x180: {  	s15 =	sld [smem:$0x7E6];
	[sflag:s0] =	ssyncadd.s32 $0xFFFFE000  }
0x181: {  	[tilespmem:s1], [sflag:$0x1] =	stream.strided.gather [hbm4b:s24+s4], $0x4000, s5, s4, $0x38;
	[tilespmem:$0x1BEA0] =	vst v63  }
0x182: {  	s7 =	simm.s32 $0x18000;
	s24 =	sld [smem:$0x7FA]  }
0x183: {  	[tilespmem:s7], [sflag:$0x1] =	stream.linear.gather [hbm4b:s15+s1], $0x80, $0x38;
	[tilespmem:$0x1BEA0] =	vst v63  }
0x184: {  	s8 =	simm.s32 $0x18080  }
0x185: {  	[tilespmem:s8], [sflag:$0x1] =	stream.linear.gather [hbm4b:s24+s1], $0x80, $0x38;
	[tilespmem:$0x1BEA0] =	vst v63  }
0x186: {  	_ =	swait.ge [sflag:s23], $0x2000  }
0x187: {  	[sflag:s23] =	ssyncset.done $0x0  }
0x188: {  	[sflag:s23] =	ssyncadd.s32 $0xFFFFE000  }
0x189: {  	_ =	swait.ge [sflag:s23], $0x2000  }
0x18a: {  	[sflag:s23] =	ssyncset.done $0x0;
	s15 =	rddreg [dreg:$0x13]  }
0x18b: {  	s6 =	simm.s32 $0x4000;
	s24 =	sld [smem:$0x7E7];
	[sflag:s23] =	ssyncadd.s32 $0xFFFFE000  }
0x18c: {  	[tilespmem:s6], [sflag:$0x2] =	stream.strided.gather [hbm4b:s15+s4], $0x4000, s5, s4, $0x38;
	[tilespmem:$0x1BEA0] =	vst v63  }
0x18d: {  	s12 =	simm.s32 $0x18100;
	s15 =	sld [smem:$0x7FB]  }
0x18e: {  	[tilespmem:s12], [sflag:$0x2] =	stream.linear.gather [hbm4b:s24+s1], $0x80, $0x38;
	[tilespmem:$0x1BEA0] =	vst v63  }
0x18f: {  	s25 =	simm.s32 $0x18180  }
0x190: {  	[tilespmem:s25], [sflag:$0x2] =	stream.linear.gather [hbm4b:s15+s1], $0x80, $0x38;
	[tilespmem:$0x1BEA0] =	vst v63  }
0x191: {  	_ =	swait.ge [sflag:s22], $0x2000  }
0x192: {  	[sflag:s22] =	ssyncset.done $0x0  }
0x193: {  	[sflag:s22] =	ssyncadd.s32 $0xFFFFE000  }
0x194: {  	_ =	swait.ge [sflag:s22], $0x2000  }
0x195: {  	[sflag:s22] =	ssyncset.done $0x0  }
0x196: {  	s10 =	simm.s32 $0x8000;
	s24 =	rddreg [dreg:$0x14];
	[sflag:s22] =	ssyncadd.s32 $0xFFFFE000  }
0x197: {  	[tilespmem:s10], [sflag:$0x3] =	stream.strided.gather [hbm4b:s24+s4], $0x4000, s5, s4, $0x38;
	[tilespmem:$0x1BEA0] =	vst v63  }
0x198: {  	s10 =	sld [smem:$0x7E8];
	_ =	sdelay $0x1  }
0x199: {  	s13 =	simm.s32 $0x18200  }
0x19a: {  	[tilespmem:s13], [sflag:$0x3] =	stream.linear.gather [hbm4b:s10+s1], $0x80, $0x38;
	[tilespmem:$0x1BEA0] =	vst v63  }
0x19b: {  	s13 =	sld [smem:$0x7FC];
	_ =	sdelay $0x1  }
0x19c: {  	s14 =	simm.s32 $0x18280  }
0x19d: {  	[tilespmem:s14], [sflag:$0x3] =	stream.linear.gather [hbm4b:s13+s1], $0x80, $0x38;
	[tilespmem:$0x1BEA0] =	vst v63  }
0x19e: {  	_ =	swait.ge [sflag:s18], $0x2000  }
0x19f: {  	[sflag:s18] =	ssyncset.done $0x0  }
0x1a0: {  	[sflag:s18] =	ssyncadd.s32 $0xFFFFE000  }
0x1a1: {  	_ =	swait.ge [sflag:s18], $0x2000  }
0x1a2: {  	[sflag:s18] =	ssyncset.done $0x0;
	s15 =	rddreg [dreg:$0x15]  }
0x1a3: {  	s20 =	simm.s32 $0xC000;
	s13 =	sld [smem:$0x7E9];
	[sflag:s18] =	ssyncadd.s32 $0xFFFFE000  }
0x1a4: {  	[tilespmem:s20], [sflag:$0x4] =	stream.strided.gather [hbm4b:s15+s4], $0x4000, s5, s4, $0x38;
	[tilespmem:$0x1BEA0] =	vst v63  }
0x1a5: {  	s26 =	simm.s32 $0x18300;
	s15 =	sld [smem:$0x7FD]  }
0x1a6: {  	[tilespmem:s26], [sflag:$0x4] =	stream.linear.gather [hbm4b:s13+s1], $0x80, $0x38;
	[tilespmem:$0x1BEA0] =	vst v63  }
0x1a7: {  	s16 =	simm.s32 $0x18380  }
0x1a8: {  	[tilespmem:s16], [sflag:$0x4] =	stream.linear.gather [hbm4b:s15+s1], $0x80, $0x38;
	[tilespmem:$0x1BEA0] =	vst v63  }
0x1a9: {  	_ =	swait.ge [sflag:s11], $0x2000  }
0x1aa: {  	[sflag:s11] =	ssyncset.done $0x0  }
0x1ab: {  	[sflag:s11] =	ssyncadd.s32 $0xFFFFE000  }
0x1ac: {  	_ =	swait.ge [sflag:s11], $0x2000  }
0x1ad: {  	[sflag:s11] =	ssyncset.done $0x0  }
0x1ae: {  	[sflag:s11] =	ssyncadd.s32 $0xFFFFE000  }
0x1af: {  	_ =	swait.ge [sflag:s21], $0x2000  }
0x1b0: {  	[sflag:s21] =	ssyncset.done $0x0  }
0x1b1: {  	[sflag:s21] =	ssyncadd.s32 $0xFFFFE000  }
0x1b2: {  	_ =	swait.ge [sflag:s21], $0x2000  }
0x1b3: {  	[sflag:s21] =	ssyncset.done $0x0  }
0x1b4: {  	[sflag:s21] =	ssyncadd.s32 $0xFFFFE000  }
0x1b5: {  	_ =	swait.ge [sflag:s28], $0x4000  }
0x1b6: {  	[sflag:s28] =	ssyncset.done $0x0  }
0x1b7: {  	[sflag:s28] =	ssyncadd.s32 $0xFFFFC000  }
0x1b8: {  	_ =	swait.ge [sflag:s28], $0x80  }
0x1b9: {  	[sflag:s28] =	ssyncset.done $0x0  }
0x1ba: {  	[sflag:s28] =	ssyncadd.s32 $0xFFFFFF80  }
0x1bb: {  	_ =	swait.ge [sflag:s28], $0x80  }
0x1bc: {  	[sflag:s28] =	ssyncset.done $0x0  }
0x1bd: {  	s7 =	simm.s32 $0x18000;
	[sflag:s28] =	ssyncadd.s32 $0xFFFFFF80  }
0x1be: {  	[spmem:s19] =	stream.indirect.scatter.add.f32 [tilespmem:s1], [sflag:$0x7], $0x40, s7, s5, $0xb8;
	[tilespmem:$0x1BEA0] =	vst v63  }
0x1bf: {  	s8 =	simm.s32 $0x18080;
	s7 =	simm.s32 $0x2000  }
0x1c0: {  	[spmem:s19] =	stream.indirect.scatter.add.f32 [tilespmem:s7], [sflag:$0x7], $0x40, s8, s5, $0xb8;
	[tilespmem:$0x1BEA0] =	vst v63  }
0x1c1: {  	_ =	swait.ge [sflag:s30], $0x4000  }
0x1c2: {  	[sflag:s30] =	ssyncset.done $0x0  }
0x1c3: {  	[sflag:s30] =	ssyncadd.s32 $0xFFFFC000  }
0x1c4: {  	_ =	swait.ge [sflag:s30], $0x80  }
0x1c5: {  	[sflag:s30] =	ssyncset.done $0x0  }
0x1c6: {  	[sflag:s30] =	ssyncadd.s32 $0xFFFFFF80  }
0x1c7: {  	_ =	swait.ge [sflag:s30], $0x80  }
0x1c8: {  	[sflag:s30] =	ssyncset.done $0x0  }
0x1c9: {  	s6 =	simm.s32 $0x4000;
	s12 =	simm.s32 $0x18100;
	[sflag:s30] =	ssyncadd.s32 $0xFFFFFF80  }
0x1ca: {  	[spmem:s19] =	stream.indirect.scatter.add.f32 [tilespmem:s6], [sflag:$0x8], $0x40, s12, s5, $0xb8;
	[tilespmem:$0x1BEA0] =	vst v63  }
0x1cb: {  	s11 =	simm.s32 $0x6000  }
0x1cc: {  	[spmem:s19] =	stream.indirect.scatter.add.f32 [tilespmem:s11], [sflag:$0x8], $0x40, s25, s5, $0xb8;
	[tilespmem:$0x1BEA0] =	vst v63  }
0x1cd: {  	_ =	swait.ge [sflag:s17], $0x4000  }
0x1ce: {  	[sflag:s17] =	ssyncset.done $0x0  }
0x1cf: {  	[sflag:s17] =	ssyncadd.s32 $0xFFFFC000  }
0x1d0: {  	_ =	swait.ge [sflag:s17], $0x80  }
0x1d1: {  	[sflag:s17] =	ssyncset.done $0x0  }
0x1d2: {  	[sflag:s17] =	ssyncadd.s32 $0xFFFFFF80  }
0x1d3: {  	_ =	swait.ge [sflag:s17], $0x80  }
0x1d4: {  	[sflag:s17] =	ssyncset.done $0x0  }
0x1d5: {  	s24 =	simm.s32 $0x8000;
	s10 =	simm.s32 $0x18200;
	[sflag:s17] =	ssyncadd.s32 $0xFFFFFF80  }
0x1d6: {  	[spmem:s19] =	stream.indirect.scatter.add.f32 [tilespmem:s24], [sflag:$0x9], $0x40, s10, s5, $0xb8;
	[tilespmem:$0x1BEA0] =	vst v63  }
0x1d7: {  	s12 =	simm.s32 $0xA000  }
0x1d8: {  	[spmem:s19] =	stream.indirect.scatter.add.f32 [tilespmem:s12], [sflag:$0x9], $0x40, s14, s5, $0xb8;
	[tilespmem:$0x1BEA0] =	vst v63  }
0x1d9: {  	_ =	swait.ge [sflag:s2], $0x4000  }
0x1da: {  	[sflag:s2] =	ssyncset.done $0x0  }
0x1db: {  	[sflag:s2] =	ssyncadd.s32 $0xFFFFC000  }
0x1dc: {  	_ =	swait.ge [sflag:s2], $0x80  }
0x1dd: {  	[sflag:s2] =	ssyncset.done $0x0  }
0x1de: {  	[sflag:s2] =	ssyncadd.s32 $0xFFFFFF80  }
0x1df: {  	_ =	swait.ge [sflag:s2], $0x80  }
0x1e0: {  	[sflag:s2] =	ssyncset.done $0x0  }
0x1e1: {  	[sflag:s2] =	ssyncadd.s32 $0xFFFFFF80  }
0x1e2: {  	[spmem:s19] =	stream.indirect.scatter.add.f32 [tilespmem:s20], [sflag:$0xA], $0x40, s26, s5, $0xb8;
	[tilespmem:$0x1BEA0] =	vst v63  }
0x1e3: {  	s13 =	simm.s32 $0xE000  }
0x1e4: {  	[spmem:s19] =	stream.indirect.scatter.add.f32 [tilespmem:s13], [sflag:$0xA], $0x40, s16, s5, $0xb8;
	[tilespmem:$0x1BEA0] =	vst v63  }
0x1e5: {  	_ =	swait.ge [sflag:s0], $0x2000  }
0x1e6: {  	[sflag:s0] =	ssyncset.done $0x0  }
0x1e7: {  	[sflag:s0] =	ssyncadd.s32 $0xFFFFE000  }
0x1e8: {  	_ =	swait.ge [sflag:s0], $0x2000  }
0x1e9: {  	[sflag:s0] =	ssyncset.done $0x0  }
0x1ea: {  	[sflag:s0] =	ssyncadd.s32 $0xFFFFE000  }
0x1eb: {  	_ =	swait.ge [sflag:s23], $0x2000  }
0x1ec: {  	[sflag:s23] =	ssyncset.done $0x0  }
0x1ed: {  	[sflag:s23] =	ssyncadd.s32 $0xFFFFE000  }
0x1ee: {  	_ =	swait.ge [sflag:s23], $0x2000  }
0x1ef: {  	[sflag:s23] =	ssyncset.done $0x0  }
0x1f0: {  	[sflag:s23] =	ssyncadd.s32 $0xFFFFE000  }
0x1f1: {  	_ =	swait.ge [sflag:s22], $0x2000  }
0x1f2: {  	[sflag:s22] =	ssyncset.done $0x0  }
0x1f3: {  	[sflag:s22] =	ssyncadd.s32 $0xFFFFE000  }
0x1f4: {  	_ =	swait.ge [sflag:s22], $0x2000  }
0x1f5: {  	[sflag:s22] =	ssyncset.done $0x0  }
0x1f6: {  	[sflag:s22] =	ssyncadd.s32 $0xFFFFE000  }
0x1f7: {  	_ =	swait.ge [sflag:s18], $0x2000  }
0x1f8: {  	[sflag:s18] =	ssyncset.done $0x0  }
0x1f9: {  	[sflag:s18] =	ssyncadd.s32 $0xFFFFE000  }
0x1fa: {  	_ =	swait.ge [sflag:s18], $0x2000  }
0x1fb: {  	[sflag:s18] =	ssyncset.done $0x0  }
0x1fc: {  	s3 =	simm.s32 @!p4 $0xD;
	[sflag:s18] =	ssyncadd.s32 $0xFFFFE000  }
0x1fd: {  	_ =	swait.ge @!p4 [sflag:s3], $0x2000  }
0x1fe: {  	[sflag:s3] =	ssyncset.done @!p4 $0x0  }
0x1ff: {  	[sflag:s3] =	ssyncadd.s32 @!p4 $0xFFFFE000  }
0x200: {  	p5 =	por @p0 $0x0, $0x0;
	_ =	swait.ge @!p4 [sflag:s3], $0x80  }
0x201: {  	p6 =	por @!p2 $0x0, $0x0;
	s25 =	simm.s32 @!p4 $0x1A600;
	[sflag:s3] =	ssyncset.done @!p4 $0x0  }
0x202: {  	s26 =	simm.s32 @!p4 $0x18600;
	[sflag:s3] =	ssyncadd.s32 @!p4 $0xFFFFFF80;
	s3 =	simm.s32 @!p4 $0x80  }
0x203: {  	[spmem:s19] =	stream.indirect.scatter.add.f32 @!p4 [tilespmem:s26], [sflag:$0xE], $0x40, s25, s3, $0xb8;
	[tilespmem:$0x1BEA0] =	vst v63  }
0x204: {  	p5 =	por @!p3 p6, p6;
	p6 =	por @!p1 $0x1, $0x1;
	s3 =	simm.s32 @!p4 $0xE  }
0x205: {  	p5 =	por @!p1 p6, p6;
	p6 =	por @!p0 $0x0, $0x0;
	_ =	swait.ge @!p4 [sflag:s3], $0x2000  }
0x206: {  	p5 =	por @!p0 p6, p6;
	[sflag:s3] =	ssyncset.done @!p4 $0x0  }
0x207: {  	[sflag:s3] =	ssyncadd.s32 @!p4 $0xFFFFE000;
	s3 =	simm.s32 @p5 $0xD  }
0x208: {  	_ =	swait.ge @p5 [sflag:s3], $0x800  }
0x209: {  	[sflag:s3] =	ssyncset.done @p5 $0x0  }
0x20a: {  	[sflag:s3] =	ssyncadd.s32 @p5 $0xFFFFF800  }
0x20b: {  	_ =	swait.ge @p5 [sflag:s3], $0x20  }
0x20c: {  	s25 =	simm.s32 @p5 $0x1AE80;
	[sflag:s3] =	ssyncset.done @p5 $0x0  }
0x20d: {  	s26 =	simm.s32 @p5 $0x1A680;
	[sflag:s3] =	ssyncadd.s32 @p5 $0xFFFFFFE0;
	s3 =	simm.s32 @p5 $0x20  }
0x20e: {  	[spmem:s19] =	stream.indirect.scatter.add.f32 @p5 [tilespmem:s26], [sflag:$0xE], $0x40, s25, s3, $0xb8;
	[tilespmem:$0x1BEA0] =	vst v63  }
0x20f: {  	s3 =	simm.s32 @p5 $0xE  }
0x210: {  	_ =	swait.ge @p5 [sflag:s3], $0x800  }
0x211: {  	[sflag:s3] =	ssyncset.done @p5 $0x0  }
0x212: {  	[sflag:s3] =	ssyncadd.s32 @p5 $0xFFFFF800  }
0x213: {  	s21 =	simm.s32 $0x10;
	s14 =	stileid.u32;
	[bflag:$0x0] =	sbarrier.arrive $0xFFFF  }
0x214: {  	s24 =	simm.s32 $0xE;
	s3 =	sshll.u32 s14, $0x6;
	s15 =	rddreg [dreg:$0x17]  }
0x215: {  	s3 =	sor.u32 $0x1C0E, s3;
	s20 =	rddreg [dreg:$0x16];
	s16 =	sshrl.u32 s15, $0x3  }
0x216: {  	[hbm:s20@s21], [sflag:s3] =	dma.strided [spmem:s16@s23], $0x200, s28, $0x8   }
0x217: {  	_ =	swait.ge [sflag:s24], $0x200  }
0x218: {  	s26 =	sld [smem:$0x7ED];
	_ =	sdelay $0x1  }
0x219: {  	s9 =	sadd.s32 $0x1, s9  }
0x21a: {  	p5 =	sne.s32 s9, s26  }
.Ltmp1:
0x21b: {  	_ = 	snop;
	(pc) =	sbr.rel @p5 .LBB2_1-.Ltmp1, $3  }
0x21c: {  	_ =	sdelay $0x1  }
0x21d: {  	s25 =	simm.s32 $0xE;
	[sflag:s24] =	ssyncset.done $0x0  }
0x21e: {  	[sflag:s25] =	ssyncadd.s32 $0xFFFFFE00  }
0x21f: {  	_ =	sfence.sel $0x180000  }
0x220: {  	[bflag:$0x0] =	sbarrier.arrive $0xFFFF  }
0x221: {  	_ =	strace $0x90000047  }
0x222: {  	s0 =	stileid.u32;
	[bflag:$0x2] =	sbarrier.arrive $0xFFFF  }
0x223: {  	p0 =	sne.s32 s0, $0x0;
	s0 =	rddreg [dreg:$0x4]  }
0x224: {  	s0 =	sadd.s32 @!p0 $0x100000, s0  }
0x225: {  	[sflag:s0] =	ssyncadd.tile.s32 @!p0 $0x1;
	_ =	shalt  }
.Lfunc_end2:
_tile_overlayer_lowered:
.L_overlay_start_2:
0x226: {  	(tag) =	ssettag $0x2  }
0x227: {  	s0 =	rddreg [dreg:$0x0];
	s2 =	stileid.u32  }
0x228: {  	s1 =	rddreg [dreg:$0x1];
	p0 =	sne.s32 s2, $0x0  }
0x229: {  	s3 =	rddreg [dreg:$0x2];
	[bflag:$0x3] =	sbarrier.arrive $0xFFFF;
	s2 =	simm.s32 @!p0 $0x1C0E  }
0x22a: {  	[timem:s3], [sflag:s2] =	dma.local @!p0 [hbm:s0], s1  }
0x22b: {  	s0 =	simm.s32 @!p0 $0xE  }
0x22c: {  	_ =	swait.ge @!p0 [sflag:s0], s1  }
0x22d: {  	s1 =	ssub.s32 @!p0 $0x0, s1;
	[sflag:s0] =	ssyncset.done @!p0 $0x0  }
0x22e: {  	[sflag:s0] =	ssyncadd.s32 @!p0 s1  }
0x22f: {  	[bflag:$0x3] =	sbarrier.arrive $0xFFFF  }
0x230: {  	_ =	shalt  }

</sc_bundles>
